<compile_context>
chip_gen: v7x
topology: tpu7x:2x2x1
jax: 0.10.2.dev20260603
libtpu: 0.0.44.dev20260713+nightly
codegen_flags: <defaults>
</compile_context>

<pallas_src>
import functools

import jax
import jax.numpy as jnp
from jax import lax
from jax.experimental import pallas as pl
from jax.experimental.pallas import tpu as pltpu
from jax.experimental.pallas import tpu_sc as plsc

N = 10000
E = 320000
NPAD = 10240
EPAD = 327680
NBLK = EPAD // 128
NC = 2
NS = 16
ROWS_PER_TILE = NPAD // NS

_mesh = lambda: plsc.VectorSubcoreMesh(core_axis_name="c", subcore_axis_name="s")


def _sc_spmm(table, ridx_flat, cidx, zeros128, edge_split):
    nb_w = NBLK // (NC * NS) if edge_split else NBLK // NS

    @functools.partial(
        pl.kernel,
        out_type=jax.ShapeDtypeStruct((NC * NPAD, 128), jnp.float32),
        mesh=_mesh(),
        scratch_types=[
            pltpu.VMEM_SHARED((NPAD, 128), jnp.float32),
            pltpu.VMEM((128,), jnp.int32),
            pltpu.VMEM((128,), jnp.int32),
            pltpu.VMEM((128,), jnp.int32),
            pltpu.VMEM((128,), jnp.int32),
            pltpu.VMEM((128, 128), jnp.float32),
            pltpu.VMEM((128, 128), jnp.float32),
            pltpu.VMEM((32, 128), jnp.float32),
            pltpu.SemaphoreType.DMA,
            pltpu.SemaphoreType.DMA,
            pltpu.SemaphoreType.DMA,
            pltpu.SemaphoreType.DMA,
        ],
    )
    def k(table_hbm, ridx_hbm, cidx_hbm, zeros_hbm, out_hbm, agg_sh,
          rblk0, rblk1, cblk0, cblk1, gbuf0, gbuf1, zb,
          si0, si1, sg0, sg1):
        c = lax.axis_index("c")
        s = lax.axis_index("s")
        if edge_split:
            off = (c * NS + s) * nb_w
            coff = off
        else:
            off = c * NBLK + s * nb_w
            coff = s * nb_w

        pltpu.sync_copy(zeros_hbm, zb)
        def zfire(i, carry):
            pltpu.sync_copy(zb, agg_sh.at[pl.ds(s * ROWS_PER_TILE + i * 32, 32)])
            return carry
        lax.fori_loop(0, ROWS_PER_TILE // 32, zfire, 0)
        plsc.subcore_barrier()

        def body(g, carry):
            b = g * 2
            dr0 = pltpu.async_copy(ridx_hbm.at[off + b], rblk0, si0)
            dc0 = pltpu.async_copy(cidx_hbm.at[coff + b], cblk0, si0)
            dr1 = pltpu.async_copy(ridx_hbm.at[off + b + 1], rblk1, si1)
            dc1 = pltpu.async_copy(cidx_hbm.at[coff + b + 1], cblk1, si1)
            dr0.wait()
            dc0.wait()
            dg0 = pltpu.async_copy(table_hbm.at[rblk0], gbuf0, sg0)
            dr1.wait()
            dc1.wait()
            dg0.wait()
            dg1 = pltpu.async_copy(table_hbm.at[rblk1], gbuf1, sg1)
            pltpu.sync_copy(gbuf0, agg_sh.at[cblk0], add=True)
            dg1.wait()
            pltpu.sync_copy(gbuf1, agg_sh.at[cblk1], add=True)
            return carry
        lax.fori_loop(0, nb_w // 2, body, 0)
        plsc.subcore_barrier()

        def wloop(i, carry):
            r = s * ROWS_PER_TILE + i * 128
            pltpu.sync_copy(agg_sh.at[pl.ds(r, 128)], gbuf0)
            pltpu.sync_copy(gbuf0, out_hbm.at[pl.ds(c * NPAD + r, 128)])
            return carry
        lax.fori_loop(0, ROWS_PER_TILE // 128, wloop, 0)

    return k(table, ridx_flat, cidx, zeros128)


_BN = 1024
_NB = NPAD // _BN


def _dinv_block(da, db):
    deg = da[:, 0:1] + db[:, 0:1]
    return jnp.where(deg > 0.0, lax.rsqrt(deg), 0.0)


def _tc_prep(degf, xp):
    def body(da_ref, db_ref, x_ref, o_ref):
        o_ref[...] = x_ref[...] * _dinv_block(da_ref[...], db_ref[...])

    return pl.pallas_call(
        body,
        grid=(_NB,),
        in_specs=[
            pl.BlockSpec((_BN, 128), lambda i: (i, 0)),
            pl.BlockSpec((_BN, 128), lambda i: (_NB + i, 0)),
            pl.BlockSpec((_BN, 128), lambda i: (i, 0)),
        ],
        out_specs=pl.BlockSpec((_BN, 128), lambda i: (i, 0)),
        out_shape=jax.ShapeDtypeStruct((NPAD, 128), jnp.float32),
    )(degf, degf, xp)


def _tc_layer0(degf, s0, W0, b0r):
    def body(da_ref, db_ref, sa_ref, sb_ref, w_ref, b_ref, o_ref):
        c = pl.program_id(1)
        dinv = _dinv_block(da_ref[...], db_ref[...])
        a = (sa_ref[...] + sb_ref[...]) * dinv
        h = lax.dot_general(a, w_ref[...], (((1,), (1,)), ((), ())),
                            preferred_element_type=jnp.float32)
        h = jnp.maximum(h + b_ref[pl.ds(c, 1), :], 0.0)
        o_ref[...] = h * dinv

    return pl.pallas_call(
        body,
        grid=(_NB, 2),
        in_specs=[
            pl.BlockSpec((_BN, 128), lambda i, c: (i, 0)),
            pl.BlockSpec((_BN, 128), lambda i, c: (_NB + i, 0)),
            pl.BlockSpec((_BN, 128), lambda i, c: (i, 0)),
            pl.BlockSpec((_BN, 128), lambda i, c: (_NB + i, 0)),
            pl.BlockSpec((128, 128), lambda i, c: (c, 0)),
            pl.BlockSpec((2, 128), lambda i, c: (0, 0)),
        ],
        out_specs=pl.BlockSpec((_BN, 128), lambda i, c: (c * _NB + i, 0)),
        out_shape=jax.ShapeDtypeStruct((NC * NPAD, 128), jnp.float32),
    )(degf, degf, s0, s0, W0, b0r)


def _tc_layer12(degf, s1, W1, b1r, W2):
    def body(da_ref, db_ref, sa_ref, sb_ref, w1_ref, b1_ref, w2_ref, o_ref):
        dinv = _dinv_block(da_ref[...], db_ref[...])
        a0 = sa_ref[...] * dinv
        a1 = sb_ref[...] * dinv
        t = lax.dot_general(a0, w1_ref[:, 0:128], (((1,), (1,)), ((), ())),
                            preferred_element_type=jnp.float32)
        t += lax.dot_general(a1, w1_ref[:, 128:256], (((1,), (1,)), ((), ())),
                             preferred_element_type=jnp.float32)
        h2 = jnp.maximum(b1_ref[...] - t, 0.0)
        g2 = lax.dot_general(h2, w2_ref[...], (((1,), (1,)), ((), ())),
                             preferred_element_type=jnp.float32)
        o_ref[...] = g2 * dinv

    return pl.pallas_call(
        body,
        grid=(_NB,),
        in_specs=[
            pl.BlockSpec((_BN, 128), lambda i: (i, 0)),
            pl.BlockSpec((_BN, 128), lambda i: (_NB + i, 0)),
            pl.BlockSpec((_BN, 128), lambda i: (i, 0)),
            pl.BlockSpec((_BN, 128), lambda i: (_NB + i, 0)),
            pl.BlockSpec((256, 256), lambda i: (0, 0)),
            pl.BlockSpec((1, 256), lambda i: (0, 0)),
            pl.BlockSpec((128, 256), lambda i: (0, 0)),
        ],
        out_specs=pl.BlockSpec((_BN, 128), lambda i: (i, 0)),
        out_shape=jax.ShapeDtypeStruct((NPAD, 128), jnp.float32),
    )(degf, degf, s1, s1, W1, b1r, W2)


def _tc_final(degf, s2, b2r):
    def body(da_ref, db_ref, sa_ref, sb_ref, b_ref, o_ref):
        dinv = _dinv_block(da_ref[...], db_ref[...])
        o_ref[...] = (sa_ref[...] + sb_ref[...]) * dinv + b_ref[...]

    return pl.pallas_call(
        body,
        grid=(_NB,),
        in_specs=[
            pl.BlockSpec((_BN, 128), lambda i: (i, 0)),
            pl.BlockSpec((_BN, 128), lambda i: (_NB + i, 0)),
            pl.BlockSpec((_BN, 128), lambda i: (i, 0)),
            pl.BlockSpec((_BN, 128), lambda i: (_NB + i, 0)),
            pl.BlockSpec((1, 128), lambda i: (0, 0)),
        ],
        out_specs=pl.BlockSpec((_BN, 128), lambda i: (i, 0)),
        out_shape=jax.ShapeDtypeStruct((NPAD, 128), jnp.float32),
    )(degf, degf, s2, s2, b2r)


def kernel(x, edge_index, W0, b0, W1, b1, W2, b2):
    row = edge_index[0].astype(jnp.int32)
    col = edge_index[1].astype(jnp.int32)
    pad = N + (jnp.arange(EPAD - E, dtype=jnp.int32) % (NPAD - N))
    ridx = jnp.concatenate([row, pad]).reshape(NBLK, 128)
    cidx = jnp.concatenate([col, pad]).reshape(NBLK, 128)
    ridx_sh = jnp.concatenate([ridx, ridx + NPAD], axis=0)
    xp = jnp.pad(x, ((0, NPAD - N), (0, 0)))
    zeros128 = jnp.zeros((32, 128), jnp.float32)
    ones_tab = jnp.ones((NPAD, 128), jnp.float32)
    b0r = b0.reshape(2, 128)
    b1r = b1.reshape(1, 256)
    b2r = b2.reshape(1, 128)

    degf = _sc_spmm(ones_tab, ridx, ridx, zeros128, True)
    g0 = _tc_prep(degf, xp)
    s0 = _sc_spmm(g0, ridx, cidx, zeros128, True)
    g1 = _tc_layer0(degf, s0, W0, b0r)
    s1 = _sc_spmm(g1, ridx_sh, cidx, zeros128, False)
    g2 = _tc_layer12(degf, s1, W1, b1r, W2)
    s2 = _sc_spmm(g2, ridx, cidx, zeros128, True)
    out = _tc_final(degf, s2, b2r)
    return out[:N]

# --- scband reference (transcript-rebuilt; emitter-appended) ---
"""Pipeline reference for scband-glf-40080634806829 (READ-ONLY COPY).

The authoritative reference and input builder live on the scoring server;
editing this copy changes nothing except your own understanding.
"""

import jax, jax.numpy as jnp
import numpy as np

N = 10000
E = 320000
D_IN = 128
D_HID = 256
D_OUT = 128


def setup_inputs(seed: int = 0) -> dict:
    key = jax.random.key(seed)
    ks = jax.random.split(key, 8)
    x = jax.random.normal(ks[0], (N, D_IN), dtype=jnp.float32)
    edge_index = jax.random.randint(ks[1], (2, E), 0, N, dtype=jnp.int32)
    W0 = jax.random.normal(ks[2], (D_HID, D_IN), dtype=jnp.float32) / np.sqrt(D_IN)
    b0 = jnp.zeros((D_HID,), dtype=jnp.float32)
    W1 = jax.random.normal(ks[3], (D_HID, D_HID), dtype=jnp.float32) / np.sqrt(D_HID)
    b1 = jnp.zeros((D_HID,), dtype=jnp.float32)
    W2 = jax.random.normal(ks[4], (D_OUT, D_HID), dtype=jnp.float32) / np.sqrt(D_HID)
    b2 = jnp.zeros((D_OUT,), dtype=jnp.float32)
    return {"x": x, "edge_index": edge_index, "W0": W0, "b0": b0, "W1": W1, "b1": b1, "W2": W2, "b2": b2}


def reference(x, edge_index, W0, b0, W1, b1, W2, b2):
    row = edge_index[0]
    col = edge_index[1]
    n = x.shape[0]
    deg = jnp.bincount(row, length=n).astype(jnp.float32)
    deg_inv_sqrt = jnp.power(deg, -0.5)
    deg_inv_sqrt = jnp.where(jnp.isinf(deg_inv_sqrt), 0.0, deg_inv_sqrt)
    norm = deg_inv_sqrt[row] * deg_inv_sqrt[col]
    layers = [(W0, b0), (W1, b1), (W2, b2)]
    num_layers = len(layers)
    h = x
    for i, (W, b) in enumerate(layers):
        sign = 1.0 if i % 2 == 0 else -1.0
        message = sign * norm[:, None] * h[row]
        agg = jax.ops.segment_sum(message, col, num_segments=n)
        h = agg @ W.T + b
        if i != num_layers - 1:
            h = jax.nn.relu(h)
            # dropout is identity in eval mode (training=False)
    return h

if __name__ == "__main__":
    import jax
    _d = setup_inputs()
    print(jax.jit(kernel)(*tuple(_d.values())))

</pallas_src>

<mosaic_0001>
#map = affine_map<(d0, d1) -> (0, 0)>
module attributes {stable_mosaic.version = 14 : i64} {
  func.func @k(%arg0: i32, %arg1: i32, %arg2: memref<20480x128xf32, #tpu.memory_space<hbm>>, %arg3: memref<5120x128xi32, #tpu.memory_space<hbm>>, %arg4: memref<2560x128xi32, #tpu.memory_space<hbm>>, %arg5: memref<32x128xf32, #tpu.memory_space<hbm>>, %arg6: memref<20480x128xf32, #tpu.memory_space<hbm>>, %arg7: memref<10240x128xf32, #tpu.memory_space<vmem_shared>>, %arg8: memref<128xi32, #tpu.memory_space<vmem>>, %arg9: memref<128xi32, #tpu.memory_space<vmem>>, %arg10: memref<128xi32, #tpu.memory_space<vmem>>, %arg11: memref<128xi32, #tpu.memory_space<vmem>>, %arg12: memref<128x128xf32, #tpu.memory_space<vmem>>, %arg13: memref<128x128xf32, #tpu.memory_space<vmem>>, %arg14: memref<32x128xf32, #tpu.memory_space<vmem>>, %arg15: memref<!tpu.dma_semaphore, #tpu.memory_space<semaphore_mem>>, %arg16: memref<!tpu.dma_semaphore, #tpu.memory_space<semaphore_mem>>, %arg17: memref<!tpu.dma_semaphore, #tpu.memory_space<semaphore_mem>>, %arg18: memref<!tpu.dma_semaphore, #tpu.memory_space<semaphore_mem>>) attributes {dimension_semantics = [#tpu.dimension_semantics<core_parallel>, #tpu.dimension_semantics<subcore_parallel>], iteration_bounds = array<i64: 2, 16>, scalar_prefetch = 0 : i64, scratch_operands = 12 : i64, tpu.core_type = #tpu.core_type<sc_vector_subcore>, window_params = [{transform_indices = #map}, {transform_indices = #map}, {transform_indices = #map}, {transform_indices = #map}, {transform_indices = #map}]} {
    %mul3A = arith.constant 2560 : i32
    %mul3A_0 = arith.muli %arg0, %mul3A : i32
    %mul3A_1 = arith.constant 160 : i32
    %mul3A_2 = arith.muli %arg1, %mul3A_1 : i32
    %add3A = arith.addi %mul3A_0, %mul3A_2 : i32
    %mul3A_3 = arith.constant 160 : i32
    %mul3A_4 = arith.muli %arg1, %mul3A_3 : i32
    "tpu.region"() ({
      %run_scoped3A = tpu.sem_alloc : memref<!tpu.dma_semaphore, #tpu.memory_space<semaphore_mem>>
      tpu.enqueue_dma source(%arg5 : memref<32x128xf32, #tpu.memory_space<hbm>>) target(%arg14 : memref<32x128xf32, #tpu.memory_space<vmem>>) target_semaphore(%run_scoped3A : memref<!tpu.dma_semaphore, #tpu.memory_space<semaphore_mem>>)
      tpu.wait_dma2 semaphore(%run_scoped3A : memref<!tpu.dma_semaphore, #tpu.memory_space<semaphore_mem>>) src(%arg5 : memref<32x128xf32, #tpu.memory_space<hbm>>) dst(%arg14 : memref<32x128xf32, #tpu.memory_space<vmem>>)
      tpu.yield
    }) : () -> ()
    %scan3A = arith.constant 0 : i32
    %scan3A_5 = arith.constant 0 : i32
    %scan3A_6 = arith.constant 20 : i32
    %scan3A_7 = arith.addi %scan3A_5, %scan3A_6 : i32
    %scan3A_8 = arith.constant 1 : i32
    scf.for %scan3A_23 = %scan3A_5 to %scan3A_7 step %scan3A_8  : i32 {
      %mul3A_24 = arith.constant 640 : i32
      %mul3A_25 = arith.muli %arg1, %mul3A_24 : i32
      %mul3A_26 = arith.constant 32 : i32
      %mul3A_27 = arith.muli %scan3A_23, %mul3A_26 : i32
      %add3A_28 = arith.addi %mul3A_25, %mul3A_27 : i32
      "tpu.region"() ({
        %run_scoped3A = tpu.sem_alloc : memref<!tpu.dma_semaphore, #tpu.memory_space<semaphore_mem>>
        %dma_start3A = arith.constant 0 : i32
        %dma_start3A_29 = tpu.memref_slice %arg7[%add3A_28, %dma_start3A] : memref<10240x128xf32, #tpu.memory_space<vmem_shared>> -> memref<32x128xf32, #tpu.memory_space<vmem_shared>>
        %dma_start3A_30 = arith.constant 0 : i32
        %dma_start3A_31 = tpu.memref_slice %arg7[%add3A_28, %dma_start3A_30] : memref<10240x128xf32, #tpu.memory_space<vmem_shared>> -> memref<32x128xf32, #tpu.memory_space<vmem_shared>>
        tpu.enqueue_dma source(%arg14 : memref<32x128xf32, #tpu.memory_space<vmem>>) target(%dma_start3A_31 : memref<32x128xf32, #tpu.memory_space<vmem_shared>>) target_semaphore(%run_scoped3A : memref<!tpu.dma_semaphore, #tpu.memory_space<semaphore_mem>>)
        %dma_wait3A = arith.constant 0 : i32
        %dma_wait3A_32 = tpu.memref_slice %arg7[%add3A_28, %dma_wait3A] : memref<10240x128xf32, #tpu.memory_space<vmem_shared>> -> memref<32x128xf32, #tpu.memory_space<vmem_shared>>
        %dma_wait3A_33 = arith.constant 0 : i32
        %dma_wait3A_34 = tpu.memref_slice %arg7[%add3A_28, %dma_wait3A_33] : memref<10240x128xf32, #tpu.memory_space<vmem_shared>> -> memref<32x128xf32, #tpu.memory_space<vmem_shared>>
        tpu.wait_dma2 semaphore(%run_scoped3A : memref<!tpu.dma_semaphore, #tpu.memory_space<semaphore_mem>>) src(%arg14 : memref<32x128xf32, #tpu.memory_space<vmem>>) dst(%dma_wait3A_34 : memref<32x128xf32, #tpu.memory_space<vmem_shared>>)
        tpu.yield
      }) : () -> ()
    }
    %scan3A_9 = arith.constant 20 : i32
    %barrier3A = arith.constant 0 : index
    tpu.barrier barrier_id(%barrier3A)
    %scan3A_10 = arith.constant 0 : i32
    %scan3A_11 = arith.constant 0 : i32
    %scan3A_12 = arith.constant 80 : i32
    %scan3A_13 = arith.addi %scan3A_11, %scan3A_12 : i32
    %scan3A_14 = arith.constant 1 : i32
    scf.for %scan3A_23 = %scan3A_11 to %scan3A_13 step %scan3A_14  : i32 {
      %mul3A_24 = arith.constant 2 : i32
      %mul3A_25 = arith.muli %scan3A_23, %mul3A_24 : i32
      %add3A_26 = arith.addi %add3A, %mul3A_25 : i32
      %dma_start3A = arith.constant 0 : i32
      %dma_start3A_27 = tpu.memref_slice %arg3[%add3A_26, %dma_start3A] : memref<5120x128xi32, #tpu.memory_space<hbm>> -> memref<1x128xi32, #tpu.memory_space<hbm>>
      %dma_start3A_28 = tpu.memref_squeeze %dma_start3A_27 : memref<1x128xi32, #tpu.memory_space<hbm>> -> memref<128xi32, #tpu.memory_space<hbm>>
      %dma_start3A_29 = arith.constant 0 : i32
      %dma_start3A_30 = tpu.memref_slice %arg3[%add3A_26, %dma_start3A_29] : memref<5120x128xi32, #tpu.memory_space<hbm>> -> memref<1x128xi32, #tpu.memory_space<hbm>>
      %dma_start3A_31 = tpu.memref_squeeze %dma_start3A_30 : memref<1x128xi32, #tpu.memory_space<hbm>> -> memref<128xi32, #tpu.memory_space<hbm>>
      tpu.enqueue_dma source(%dma_start3A_31 : memref<128xi32, #tpu.memory_space<hbm>>) target(%arg8 : memref<128xi32, #tpu.memory_space<vmem>>) target_semaphore(%arg15 : memref<!tpu.dma_semaphore, #tpu.memory_space<semaphore_mem>>)
      %add3A_32 = arith.addi %mul3A_4, %mul3A_25 : i32
      %dma_start3A_33 = arith.constant 0 : i32
      %dma_start3A_34 = tpu.memref_slice %arg4[%add3A_32, %dma_start3A_33] : memref<2560x128xi32, #tpu.memory_space<hbm>> -> memref<1x128xi32, #tpu.memory_space<hbm>>
      %dma_start3A_35 = tpu.memref_squeeze %dma_start3A_34 : memref<1x128xi32, #tpu.memory_space<hbm>> -> memref<128xi32, #tpu.memory_space<hbm>>
      %dma_start3A_36 = arith.constant 0 : i32
      %dma_start3A_37 = tpu.memref_slice %arg4[%add3A_32, %dma_start3A_36] : memref<2560x128xi32, #tpu.memory_space<hbm>> -> memref<1x128xi32, #tpu.memory_space<hbm>>
      %dma_start3A_38 = tpu.memref_squeeze %dma_start3A_37 : memref<1x128xi32, #tpu.memory_space<hbm>> -> memref<128xi32, #tpu.memory_space<hbm>>
      tpu.enqueue_dma source(%dma_start3A_38 : memref<128xi32, #tpu.memory_space<hbm>>) target(%arg10 : memref<128xi32, #tpu.memory_space<vmem>>) target_semaphore(%arg15 : memref<!tpu.dma_semaphore, #tpu.memory_space<semaphore_mem>>)
      %add3A_39 = arith.addi %add3A, %mul3A_25 : i32
      %add3A_40 = arith.constant 1 : i32
      %add3A_41 = arith.addi %add3A_39, %add3A_40 : i32
      %dma_start3A_42 = arith.constant 0 : i32
      %dma_start3A_43 = tpu.memref_slice %arg3[%add3A_41, %dma_start3A_42] : memref<5120x128xi32, #tpu.memory_space<hbm>> -> memref<1x128xi32, #tpu.memory_space<hbm>>
      %dma_start3A_44 = tpu.memref_squeeze %dma_start3A_43 : memref<1x128xi32, #tpu.memory_space<hbm>> -> memref<128xi32, #tpu.memory_space<hbm>>
      %dma_start3A_45 = arith.constant 0 : i32
      %dma_start3A_46 = tpu.memref_slice %arg3[%add3A_41, %dma_start3A_45] : memref<5120x128xi32, #tpu.memory_space<hbm>> -> memref<1x128xi32, #tpu.memory_space<hbm>>
      %dma_start3A_47 = tpu.memref_squeeze %dma_start3A_46 : memref<1x128xi32, #tpu.memory_space<hbm>> -> memref<128xi32, #tpu.memory_space<hbm>>
      tpu.enqueue_dma source(%dma_start3A_47 : memref<128xi32, #tpu.memory_space<hbm>>) target(%arg9 : memref<128xi32, #tpu.memory_space<vmem>>) target_semaphore(%arg16 : memref<!tpu.dma_semaphore, #tpu.memory_space<semaphore_mem>>)
      %add3A_48 = arith.addi %mul3A_4, %mul3A_25 : i32
      %add3A_49 = arith.constant 1 : i32
      %add3A_50 = arith.addi %add3A_48, %add3A_49 : i32
      %dma_start3A_51 = arith.constant 0 : i32
      %dma_start3A_52 = tpu.memref_slice %arg4[%add3A_50, %dma_start3A_51] : memref<2560x128xi32, #tpu.memory_space<hbm>> -> memref<1x128xi32, #tpu.memory_space<hbm>>
      %dma_start3A_53 = tpu.memref_squeeze %dma_start3A_52 : memref<1x128xi32, #tpu.memory_space<hbm>> -> memref<128xi32, #tpu.memory_space<hbm>>
      %dma_start3A_54 = arith.constant 0 : i32
      %dma_start3A_55 = tpu.memref_slice %arg4[%add3A_50, %dma_start3A_54] : memref<2560x128xi32, #tpu.memory_space<hbm>> -> memref<1x128xi32, #tpu.memory_space<hbm>>
      %dma_start3A_56 = tpu.memref_squeeze %dma_start3A_55 : memref<1x128xi32, #tpu.memory_space<hbm>> -> memref<128xi32, #tpu.memory_space<hbm>>
      tpu.enqueue_dma source(%dma_start3A_56 : memref<128xi32, #tpu.memory_space<hbm>>) target(%arg11 : memref<128xi32, #tpu.memory_space<vmem>>) target_semaphore(%arg16 : memref<!tpu.dma_semaphore, #tpu.memory_space<semaphore_mem>>)
      %dma_wait3A = arith.constant 0 : i32
      %dma_wait3A_57 = tpu.memref_slice %arg3[%add3A_26, %dma_wait3A] : memref<5120x128xi32, #tpu.memory_space<hbm>> -> memref<1x128xi32, #tpu.memory_space<hbm>>
      %dma_wait3A_58 = tpu.memref_squeeze %dma_wait3A_57 : memref<1x128xi32, #tpu.memory_space<hbm>> -> memref<128xi32, #tpu.memory_space<hbm>>
      %dma_wait3A_59 = arith.constant 0 : i32
      %dma_wait3A_60 = tpu.memref_slice %arg3[%add3A_26, %dma_wait3A_59] : memref<5120x128xi32, #tpu.memory_space<hbm>> -> memref<1x128xi32, #tpu.memory_space<hbm>>
      %dma_wait3A_61 = tpu.memref_squeeze %dma_wait3A_60 : memref<1x128xi32, #tpu.memory_space<hbm>> -> memref<128xi32, #tpu.memory_space<hbm>>
      tpu.wait_dma2 semaphore(%arg15 : memref<!tpu.dma_semaphore, #tpu.memory_space<semaphore_mem>>) src(%dma_wait3A_61 : memref<128xi32, #tpu.memory_space<hbm>>) dst(%arg8 : memref<128xi32, #tpu.memory_space<vmem>>)
      %dma_wait3A_62 = arith.constant 0 : i32
      %dma_wait3A_63 = tpu.memref_slice %arg4[%add3A_32, %dma_wait3A_62] : memref<2560x128xi32, #tpu.memory_space<hbm>> -> memref<1x128xi32, #tpu.memory_space<hbm>>
      %dma_wait3A_64 = tpu.memref_squeeze %dma_wait3A_63 : memref<1x128xi32, #tpu.memory_space<hbm>> -> memref<128xi32, #tpu.memory_space<hbm>>
      %dma_wait3A_65 = arith.constant 0 : i32
      %dma_wait3A_66 = tpu.memref_slice %arg4[%add3A_32, %dma_wait3A_65] : memref<2560x128xi32, #tpu.memory_space<hbm>> -> memref<1x128xi32, #tpu.memory_space<hbm>>
      %dma_wait3A_67 = tpu.memref_squeeze %dma_wait3A_66 : memref<1x128xi32, #tpu.memory_space<hbm>> -> memref<128xi32, #tpu.memory_space<hbm>>
      tpu.wait_dma2 semaphore(%arg15 : memref<!tpu.dma_semaphore, #tpu.memory_space<semaphore_mem>>) src(%dma_wait3A_67 : memref<128xi32, #tpu.memory_space<hbm>>) dst(%arg10 : memref<128xi32, #tpu.memory_space<vmem>>)
      %dma_start3A_68 = arith.constant 0 : i32
      %dma_start3A_69 = arith.constant 0 : i32
      %dma_start3A_70 = tpu.memref_slice %arg2[%dma_start3A_68, %dma_start3A_69] : memref<20480x128xf32, #tpu.memory_space<hbm>> -> memref<20480x128xf32, #tpu.memory_space<hbm>>
      tpu.enqueue_indirect_dma source(%dma_start3A_70 : memref<20480x128xf32, #tpu.memory_space<hbm>>) target(%arg12 : memref<128x128xf32, #tpu.memory_space<vmem>>) offsets(%arg8 : memref<128xi32, #tpu.memory_space<vmem>>) semaphore(%arg17 : memref<!tpu.dma_semaphore, #tpu.memory_space<semaphore_mem>>)
      %dma_wait3A_71 = arith.constant 0 : i32
      %dma_wait3A_72 = tpu.memref_slice %arg3[%add3A_41, %dma_wait3A_71] : memref<5120x128xi32, #tpu.memory_space<hbm>> -> memref<1x128xi32, #tpu.memory_space<hbm>>
      %dma_wait3A_73 = tpu.memref_squeeze %dma_wait3A_72 : memref<1x128xi32, #tpu.memory_space<hbm>> -> memref<128xi32, #tpu.memory_space<hbm>>
      %dma_wait3A_74 = arith.constant 0 : i32
      %dma_wait3A_75 = tpu.memref_slice %arg3[%add3A_41, %dma_wait3A_74] : memref<5120x128xi32, #tpu.memory_space<hbm>> -> memref<1x128xi32, #tpu.memory_space<hbm>>
      %dma_wait3A_76 = tpu.memref_squeeze %dma_wait3A_75 : memref<1x128xi32, #tpu.memory_space<hbm>> -> memref<128xi32, #tpu.memory_space<hbm>>
      tpu.wait_dma2 semaphore(%arg16 : memref<!tpu.dma_semaphore, #tpu.memory_space<semaphore_mem>>) src(%dma_wait3A_76 : memref<128xi32, #tpu.memory_space<hbm>>) dst(%arg9 : memref<128xi32, #tpu.memory_space<vmem>>)
      %dma_wait3A_77 = arith.constant 0 : i32
      %dma_wait3A_78 = tpu.memref_slice %arg4[%add3A_50, %dma_wait3A_77] : memref<2560x128xi32, #tpu.memory_space<hbm>> -> memref<1x128xi32, #tpu.memory_space<hbm>>
      %dma_wait3A_79 = tpu.memref_squeeze %dma_wait3A_78 : memref<1x128xi32, #tpu.memory_space<hbm>> -> memref<128xi32, #tpu.memory_space<hbm>>
      %dma_wait3A_80 = arith.constant 0 : i32
      %dma_wait3A_81 = tpu.memref_slice %arg4[%add3A_50, %dma_wait3A_80] : memref<2560x128xi32, #tpu.memory_space<hbm>> -> memref<1x128xi32, #tpu.memory_space<hbm>>
      %dma_wait3A_82 = tpu.memref_squeeze %dma_wait3A_81 : memref<1x128xi32, #tpu.memory_space<hbm>> -> memref<128xi32, #tpu.memory_space<hbm>>
      tpu.wait_dma2 semaphore(%arg16 : memref<!tpu.dma_semaphore, #tpu.memory_space<semaphore_mem>>) src(%dma_wait3A_82 : memref<128xi32, #tpu.memory_space<hbm>>) dst(%arg11 : memref<128xi32, #tpu.memory_space<vmem>>)
      %dma_wait3A_83 = arith.constant 0 : i32
      %dma_wait3A_84 = arith.constant 0 : i32
      %dma_wait3A_85 = tpu.memref_slice %arg2[%dma_wait3A_83, %dma_wait3A_84] : memref<20480x128xf32, #tpu.memory_space<hbm>> -> memref<20480x128xf32, #tpu.memory_space<hbm>>
      tpu.wait_indirect_dma semaphore(%arg17 : memref<!tpu.dma_semaphore, #tpu.memory_space<semaphore_mem>>) src(%dma_wait3A_85 : memref<20480x128xf32, #tpu.memory_space<hbm>>) dst(%arg12 : memref<128x128xf32, #tpu.memory_space<vmem>>)
      %dma_start3A_86 = arith.constant 0 : i32
      %dma_start3A_87 = arith.constant 0 : i32
      %dma_start3A_88 = tpu.memref_slice %arg2[%dma_start3A_86, %dma_start3A_87] : memref<20480x128xf32, #tpu.memory_space<hbm>> -> memref<20480x128xf32, #tpu.memory_space<hbm>>
      tpu.enqueue_indirect_dma source(%dma_start3A_88 : memref<20480x128xf32, #tpu.memory_space<hbm>>) target(%arg13 : memref<128x128xf32, #tpu.memory_space<vmem>>) offsets(%arg9 : memref<128xi32, #tpu.memory_space<vmem>>) semaphore(%arg18 : memref<!tpu.dma_semaphore, #tpu.memory_space<semaphore_mem>>)
      "tpu.region"() ({
        %run_scoped3A = tpu.sem_alloc : memref<!tpu.dma_semaphore, #tpu.memory_space<semaphore_mem>>
        %dma_start3A_92 = arith.constant 0 : i32
        %dma_start3A_93 = arith.constant 0 : i32
        %dma_start3A_94 = tpu.memref_slice %arg7[%dma_start3A_92, %dma_start3A_93] : memref<10240x128xf32, #tpu.memory_space<vmem_shared>> -> memref<10240x128xf32, #tpu.memory_space<vmem_shared>>
        tpu.enqueue_indirect_dma source(%arg12 : memref<128x128xf32, #tpu.memory_space<vmem>>) target(%dma_start3A_94 : memref<10240x128xf32, #tpu.memory_space<vmem_shared>>) offsets(%arg10 : memref<128xi32, #tpu.memory_space<vmem>>) semaphore(%run_scoped3A : memref<!tpu.dma_semaphore, #tpu.memory_space<semaphore_mem>>) {add = true}
        %dma_wait3A_95 = arith.constant 0 : i32
        %dma_wait3A_96 = arith.constant 0 : i32
        %dma_wait3A_97 = tpu.memref_slice %arg7[%dma_wait3A_95, %dma_wait3A_96] : memref<10240x128xf32, #tpu.memory_space<vmem_shared>> -> memref<10240x128xf32, #tpu.memory_space<vmem_shared>>
        tpu.wait_indirect_dma semaphore(%run_scoped3A : memref<!tpu.dma_semaphore, #tpu.memory_space<semaphore_mem>>) src(%arg12 : memref<128x128xf32, #tpu.memory_space<vmem>>) dst(%dma_wait3A_97 : memref<10240x128xf32, #tpu.memory_space<vmem_shared>>)
        tpu.yield
      }) : () -> ()
      %dma_wait3A_89 = arith.constant 0 : i32
      %dma_wait3A_90 = arith.constant 0 : i32
      %dma_wait3A_91 = tpu.memref_slice %arg2[%dma_wait3A_89, %dma_wait3A_90] : memref<20480x128xf32, #tpu.memory_space<hbm>> -> memref<20480x128xf32, #tpu.memory_space<hbm>>
      tpu.wait_indirect_dma semaphore(%arg18 : memref<!tpu.dma_semaphore, #tpu.memory_space<semaphore_mem>>) src(%dma_wait3A_91 : memref<20480x128xf32, #tpu.memory_space<hbm>>) dst(%arg13 : memref<128x128xf32, #tpu.memory_space<vmem>>)
      "tpu.region"() ({
        %run_scoped3A = tpu.sem_alloc : memref<!tpu.dma_semaphore, #tpu.memory_space<semaphore_mem>>
        %dma_start3A_92 = arith.constant 0 : i32
        %dma_start3A_93 = arith.constant 0 : i32
        %dma_start3A_94 = tpu.memref_slice %arg7[%dma_start3A_92, %dma_start3A_93] : memref<10240x128xf32, #tpu.memory_space<vmem_shared>> -> memref<10240x128xf32, #tpu.memory_space<vmem_shared>>
        tpu.enqueue_indirect_dma source(%arg13 : memref<128x128xf32, #tpu.memory_space<vmem>>) target(%dma_start3A_94 : memref<10240x128xf32, #tpu.memory_space<vmem_shared>>) offsets(%arg11 : memref<128xi32, #tpu.memory_space<vmem>>) semaphore(%run_scoped3A : memref<!tpu.dma_semaphore, #tpu.memory_space<semaphore_mem>>) {add = true}
        %dma_wait3A_95 = arith.constant 0 : i32
        %dma_wait3A_96 = arith.constant 0 : i32
        %dma_wait3A_97 = tpu.memref_slice %arg7[%dma_wait3A_95, %dma_wait3A_96] : memref<10240x128xf32, #tpu.memory_space<vmem_shared>> -> memref<10240x128xf32, #tpu.memory_space<vmem_shared>>
        tpu.wait_indirect_dma semaphore(%run_scoped3A : memref<!tpu.dma_semaphore, #tpu.memory_space<semaphore_mem>>) src(%arg13 : memref<128x128xf32, #tpu.memory_space<vmem>>) dst(%dma_wait3A_97 : memref<10240x128xf32, #tpu.memory_space<vmem_shared>>)
        tpu.yield
      }) : () -> ()
    }
    %scan3A_15 = arith.constant 80 : i32
    %barrier3A_16 = arith.constant 0 : index
    tpu.barrier barrier_id(%barrier3A_16)
    %scan3A_17 = arith.constant 0 : i32
    %scan3A_18 = arith.constant 0 : i32
    %scan3A_19 = arith.constant 5 : i32
    %scan3A_20 = arith.addi %scan3A_18, %scan3A_19 : i32
    %scan3A_21 = arith.constant 1 : i32
    scf.for %scan3A_23 = %scan3A_18 to %scan3A_20 step %scan3A_21  : i32 {
      %mul3A_24 = arith.constant 640 : i32
      %mul3A_25 = arith.muli %arg1, %mul3A_24 : i32
      %mul3A_26 = arith.constant 128 : i32
      %mul3A_27 = arith.muli %scan3A_23, %mul3A_26 : i32
      %add3A_28 = arith.addi %mul3A_25, %mul3A_27 : i32
      "tpu.region"() ({
        %run_scoped3A = tpu.sem_alloc : memref<!tpu.dma_semaphore, #tpu.memory_space<semaphore_mem>>
        %dma_start3A = arith.constant 0 : i32
        %dma_start3A_32 = tpu.memref_slice %arg7[%add3A_28, %dma_start3A] : memref<10240x128xf32, #tpu.memory_space<vmem_shared>> -> memref<128x128xf32, #tpu.memory_space<vmem_shared>>
        %dma_start3A_33 = arith.constant 0 : i32
        %dma_start3A_34 = tpu.memref_slice %arg7[%add3A_28, %dma_start3A_33] : memref<10240x128xf32, #tpu.memory_space<vmem_shared>> -> memref<128x128xf32, #tpu.memory_space<vmem_shared>>
        tpu.enqueue_dma source(%dma_start3A_34 : memref<128x128xf32, #tpu.memory_space<vmem_shared>>) target(%arg12 : memref<128x128xf32, #tpu.memory_space<vmem>>) target_semaphore(%run_scoped3A : memref<!tpu.dma_semaphore, #tpu.memory_space<semaphore_mem>>)
        %dma_wait3A = arith.constant 0 : i32
        %dma_wait3A_35 = tpu.memref_slice %arg7[%add3A_28, %dma_wait3A] : memref<10240x128xf32, #tpu.memory_space<vmem_shared>> -> memref<128x128xf32, #tpu.memory_space<vmem_shared>>
        %dma_wait3A_36 = arith.constant 0 : i32
        %dma_wait3A_37 = tpu.memref_slice %arg7[%add3A_28, %dma_wait3A_36] : memref<10240x128xf32, #tpu.memory_space<vmem_shared>> -> memref<128x128xf32, #tpu.memory_space<vmem_shared>>
        tpu.wait_dma2 semaphore(%run_scoped3A : memref<!tpu.dma_semaphore, #tpu.memory_space<semaphore_mem>>) src(%dma_wait3A_37 : memref<128x128xf32, #tpu.memory_space<vmem_shared>>) dst(%arg12 : memref<128x128xf32, #tpu.memory_space<vmem>>)
        tpu.yield
      }) : () -> ()
      %mul3A_29 = arith.constant 10240 : i32
      %mul3A_30 = arith.muli %arg0, %mul3A_29 : i32
      %add3A_31 = arith.addi %mul3A_30, %add3A_28 : i32
      "tpu.region"() ({
        %run_scoped3A = tpu.sem_alloc : memref<!tpu.dma_semaphore, #tpu.memory_space<semaphore_mem>>
        %dma_start3A = arith.constant 0 : i32
        %dma_start3A_32 = tpu.memref_slice %arg6[%add3A_31, %dma_start3A] : memref<20480x128xf32, #tpu.memory_space<hbm>> -> memref<128x128xf32, #tpu.memory_space<hbm>>
        %dma_start3A_33 = arith.constant 0 : i32
        %dma_start3A_34 = tpu.memref_slice %arg6[%add3A_31, %dma_start3A_33] : memref<20480x128xf32, #tpu.memory_space<hbm>> -> memref<128x128xf32, #tpu.memory_space<hbm>>
        tpu.enqueue_dma source(%arg12 : memref<128x128xf32, #tpu.memory_space<vmem>>) target(%dma_start3A_34 : memref<128x128xf32, #tpu.memory_space<hbm>>) target_semaphore(%run_scoped3A : memref<!tpu.dma_semaphore, #tpu.memory_space<semaphore_mem>>)
        %dma_wait3A = arith.constant 0 : i32
        %dma_wait3A_35 = tpu.memref_slice %arg6[%add3A_31, %dma_wait3A] : memref<20480x128xf32, #tpu.memory_space<hbm>> -> memref<128x128xf32, #tpu.memory_space<hbm>>
        %dma_wait3A_36 = arith.constant 0 : i32
        %dma_wait3A_37 = tpu.memref_slice %arg6[%add3A_31, %dma_wait3A_36] : memref<20480x128xf32, #tpu.memory_space<hbm>> -> memref<128x128xf32, #tpu.memory_space<hbm>>
        tpu.wait_dma2 semaphore(%run_scoped3A : memref<!tpu.dma_semaphore, #tpu.memory_space<semaphore_mem>>) src(%arg12 : memref<128x128xf32, #tpu.memory_space<vmem>>) dst(%dma_wait3A_37 : memref<128x128xf32, #tpu.memory_space<hbm>>)
        tpu.yield
      }) : () -> ()
    }
    %scan3A_22 = arith.constant 5 : i32
    return
  }
}

#map = affine_map<(d0, d1) -> (0, 0)>
module attributes {stable_mosaic.version = 14 : i64} {
  func.func @k(%arg0: i32, %arg1: i32, %arg2: memref<10240x128xf32, #tpu.memory_space<hbm>>, %arg3: memref<2560x128xi32, #tpu.memory_space<hbm>>, %arg4: memref<2560x128xi32, #tpu.memory_space<hbm>>, %arg5: memref<32x128xf32, #tpu.memory_space<hbm>>, %arg6: memref<20480x128xf32, #tpu.memory_space<hbm>>, %arg7: memref<10240x128xf32, #tpu.memory_space<vmem_shared>>, %arg8: memref<128xi32, #tpu.memory_space<vmem>>, %arg9: memref<128xi32, #tpu.memory_space<vmem>>, %arg10: memref<128xi32, #tpu.memory_space<vmem>>, %arg11: memref<128xi32, #tpu.memory_space<vmem>>, %arg12: memref<128x128xf32, #tpu.memory_space<vmem>>, %arg13: memref<128x128xf32, #tpu.memory_space<vmem>>, %arg14: memref<32x128xf32, #tpu.memory_space<vmem>>, %arg15: memref<!tpu.dma_semaphore, #tpu.memory_space<semaphore_mem>>, %arg16: memref<!tpu.dma_semaphore, #tpu.memory_space<semaphore_mem>>, %arg17: memref<!tpu.dma_semaphore, #tpu.memory_space<semaphore_mem>>, %arg18: memref<!tpu.dma_semaphore, #tpu.memory_space<semaphore_mem>>) attributes {dimension_semantics = [#tpu.dimension_semantics<core_parallel>, #tpu.dimension_semantics<subcore_parallel>], iteration_bounds = array<i64: 2, 16>, scalar_prefetch = 0 : i64, scratch_operands = 12 : i64, tpu.core_type = #tpu.core_type<sc_vector_subcore>, window_params = [{transform_indices = #map}, {transform_indices = #map}, {transform_indices = #map}, {transform_indices = #map}, {transform_indices = #map}]} {
    %mul3A = arith.constant 16 : i32
    %mul3A_0 = arith.muli %arg0, %mul3A : i32
    %add3A = arith.addi %mul3A_0, %arg1 : i32
    %mul3A_1 = arith.constant 80 : i32
    %mul3A_2 = arith.muli %add3A, %mul3A_1 : i32
    "tpu.region"() ({
      %run_scoped3A = tpu.sem_alloc : memref<!tpu.dma_semaphore, #tpu.memory_space<semaphore_mem>>
      tpu.enqueue_dma source(%arg5 : memref<32x128xf32, #tpu.memory_space<hbm>>) target(%arg14 : memref<32x128xf32, #tpu.memory_space<vmem>>) target_semaphore(%run_scoped3A : memref<!tpu.dma_semaphore, #tpu.memory_space<semaphore_mem>>)
      tpu.wait_dma2 semaphore(%run_scoped3A : memref<!tpu.dma_semaphore, #tpu.memory_space<semaphore_mem>>) src(%arg5 : memref<32x128xf32, #tpu.memory_space<hbm>>) dst(%arg14 : memref<32x128xf32, #tpu.memory_space<vmem>>)
      tpu.yield
    }) : () -> ()
    %scan3A = arith.constant 0 : i32
    %scan3A_3 = arith.constant 0 : i32
    %scan3A_4 = arith.constant 20 : i32
    %scan3A_5 = arith.addi %scan3A_3, %scan3A_4 : i32
    %scan3A_6 = arith.constant 1 : i32
    scf.for %scan3A_21 = %scan3A_3 to %scan3A_5 step %scan3A_6  : i32 {
      %mul3A_22 = arith.constant 640 : i32
      %mul3A_23 = arith.muli %arg1, %mul3A_22 : i32
      %mul3A_24 = arith.constant 32 : i32
      %mul3A_25 = arith.muli %scan3A_21, %mul3A_24 : i32
      %add3A_26 = arith.addi %mul3A_23, %mul3A_25 : i32
      "tpu.region"() ({
        %run_scoped3A = tpu.sem_alloc : memref<!tpu.dma_semaphore, #tpu.memory_space<semaphore_mem>>
        %dma_start3A = arith.constant 0 : i32
        %dma_start3A_27 = tpu.memref_slice %arg7[%add3A_26, %dma_start3A] : memref<10240x128xf32, #tpu.memory_space<vmem_shared>> -> memref<32x128xf32, #tpu.memory_space<vmem_shared>>
        %dma_start3A_28 = arith.constant 0 : i32
        %dma_start3A_29 = tpu.memref_slice %arg7[%add3A_26, %dma_start3A_28] : memref<10240x128xf32, #tpu.memory_space<vmem_shared>> -> memref<32x128xf32, #tpu.memory_space<vmem_shared>>
        tpu.enqueue_dma source(%arg14 : memref<32x128xf32, #tpu.memory_space<vmem>>) target(%dma_start3A_29 : memref<32x128xf32, #tpu.memory_space<vmem_shared>>) target_semaphore(%run_scoped3A : memref<!tpu.dma_semaphore, #tpu.memory_space<semaphore_mem>>)
        %dma_wait3A = arith.constant 0 : i32
        %dma_wait3A_30 = tpu.memref_slice %arg7[%add3A_26, %dma_wait3A] : memref<10240x128xf32, #tpu.memory_space<vmem_shared>> -> memref<32x128xf32, #tpu.memory_space<vmem_shared>>
        %dma_wait3A_31 = arith.constant 0 : i32
        %dma_wait3A_32 = tpu.memref_slice %arg7[%add3A_26, %dma_wait3A_31] : memref<10240x128xf32, #tpu.memory_space<vmem_shared>> -> memref<32x128xf32, #tpu.memory_space<vmem_shared>>
        tpu.wait_dma2 semaphore(%run_scoped3A : memref<!tpu.dma_semaphore, #tpu.memory_space<semaphore_mem>>) src(%arg14 : memref<32x128xf32, #tpu.memory_space<vmem>>) dst(%dma_wait3A_32 : memref<32x128xf32, #tpu.memory_space<vmem_shared>>)
        tpu.yield
      }) : () -> ()
    }
    %scan3A_7 = arith.constant 20 : i32
    %barrier3A = arith.constant 0 : index
    tpu.barrier barrier_id(%barrier3A)
    %scan3A_8 = arith.constant 0 : i32
    %scan3A_9 = arith.constant 0 : i32
    %scan3A_10 = arith.constant 40 : i32
    %scan3A_11 = arith.addi %scan3A_9, %scan3A_10 : i32
    %scan3A_12 = arith.constant 1 : i32
    scf.for %scan3A_21 = %scan3A_9 to %scan3A_11 step %scan3A_12  : i32 {
      %mul3A_22 = arith.constant 2 : i32
      %mul3A_23 = arith.muli %scan3A_21, %mul3A_22 : i32
      %add3A_24 = arith.addi %mul3A_2, %mul3A_23 : i32
      %dma_start3A = arith.constant 0 : i32
      %dma_start3A_25 = tpu.memref_slice %arg3[%add3A_24, %dma_start3A] : memref<2560x128xi32, #tpu.memory_space<hbm>> -> memref<1x128xi32, #tpu.memory_space<hbm>>
      %dma_start3A_26 = tpu.memref_squeeze %dma_start3A_25 : memref<1x128xi32, #tpu.memory_space<hbm>> -> memref<128xi32, #tpu.memory_space<hbm>>
      %dma_start3A_27 = arith.constant 0 : i32
      %dma_start3A_28 = tpu.memref_slice %arg3[%add3A_24, %dma_start3A_27] : memref<2560x128xi32, #tpu.memory_space<hbm>> -> memref<1x128xi32, #tpu.memory_space<hbm>>
      %dma_start3A_29 = tpu.memref_squeeze %dma_start3A_28 : memref<1x128xi32, #tpu.memory_space<hbm>> -> memref<128xi32, #tpu.memory_space<hbm>>
      tpu.enqueue_dma source(%dma_start3A_29 : memref<128xi32, #tpu.memory_space<hbm>>) target(%arg8 : memref<128xi32, #tpu.memory_space<vmem>>) target_semaphore(%arg15 : memref<!tpu.dma_semaphore, #tpu.memory_space<semaphore_mem>>)
      %add3A_30 = arith.addi %mul3A_2, %mul3A_23 : i32
      %dma_start3A_31 = arith.constant 0 : i32
      %dma_start3A_32 = tpu.memref_slice %arg4[%add3A_30, %dma_start3A_31] : memref<2560x128xi32, #tpu.memory_space<hbm>> -> memref<1x128xi32, #tpu.memory_space<hbm>>
      %dma_start3A_33 = tpu.memref_squeeze %dma_start3A_32 : memref<1x128xi32, #tpu.memory_space<hbm>> -> memref<128xi32, #tpu.memory_space<hbm>>
      %dma_start3A_34 = arith.constant 0 : i32
      %dma_start3A_35 = tpu.memref_slice %arg4[%add3A_30, %dma_start3A_34] : memref<2560x128xi32, #tpu.memory_space<hbm>> -> memref<1x128xi32, #tpu.memory_space<hbm>>
      %dma_start3A_36 = tpu.memref_squeeze %dma_start3A_35 : memref<1x128xi32, #tpu.memory_space<hbm>> -> memref<128xi32, #tpu.memory_space<hbm>>
      tpu.enqueue_dma source(%dma_start3A_36 : memref<128xi32, #tpu.memory_space<hbm>>) target(%arg10 : memref<128xi32, #tpu.memory_space<vmem>>) target_semaphore(%arg15 : memref<!tpu.dma_semaphore, #tpu.memory_space<semaphore_mem>>)
      %add3A_37 = arith.addi %mul3A_2, %mul3A_23 : i32
      %add3A_38 = arith.constant 1 : i32
      %add3A_39 = arith.addi %add3A_37, %add3A_38 : i32
      %dma_start3A_40 = arith.constant 0 : i32
      %dma_start3A_41 = tpu.memref_slice %arg3[%add3A_39, %dma_start3A_40] : memref<2560x128xi32, #tpu.memory_space<hbm>> -> memref<1x128xi32, #tpu.memory_space<hbm>>
      %dma_start3A_42 = tpu.memref_squeeze %dma_start3A_41 : memref<1x128xi32, #tpu.memory_space<hbm>> -> memref<128xi32, #tpu.memory_space<hbm>>
      %dma_start3A_43 = arith.constant 0 : i32
      %dma_start3A_44 = tpu.memref_slice %arg3[%add3A_39, %dma_start3A_43] : memref<2560x128xi32, #tpu.memory_space<hbm>> -> memref<1x128xi32, #tpu.memory_space<hbm>>
      %dma_start3A_45 = tpu.memref_squeeze %dma_start3A_44 : memref<1x128xi32, #tpu.memory_space<hbm>> -> memref<128xi32, #tpu.memory_space<hbm>>
      tpu.enqueue_dma source(%dma_start3A_45 : memref<128xi32, #tpu.memory_space<hbm>>) target(%arg9 : memref<128xi32, #tpu.memory_space<vmem>>) target_semaphore(%arg16 : memref<!tpu.dma_semaphore, #tpu.memory_space<semaphore_mem>>)
      %add3A_46 = arith.addi %mul3A_2, %mul3A_23 : i32
      %add3A_47 = arith.constant 1 : i32
      %add3A_48 = arith.addi %add3A_46, %add3A_47 : i32
      %dma_start3A_49 = arith.constant 0 : i32
      %dma_start3A_50 = tpu.memref_slice %arg4[%add3A_48, %dma_start3A_49] : memref<2560x128xi32, #tpu.memory_space<hbm>> -> memref<1x128xi32, #tpu.memory_space<hbm>>
      %dma_start3A_51 = tpu.memref_squeeze %dma_start3A_50 : memref<1x128xi32, #tpu.memory_space<hbm>> -> memref<128xi32, #tpu.memory_space<hbm>>
      %dma_start3A_52 = arith.constant 0 : i32
      %dma_start3A_53 = tpu.memref_slice %arg4[%add3A_48, %dma_start3A_52] : memref<2560x128xi32, #tpu.memory_space<hbm>> -> memref<1x128xi32, #tpu.memory_space<hbm>>
      %dma_start3A_54 = tpu.memref_squeeze %dma_start3A_53 : memref<1x128xi32, #tpu.memory_space<hbm>> -> memref<128xi32, #tpu.memory_space<hbm>>
      tpu.enqueue_dma source(%dma_start3A_54 : memref<128xi32, #tpu.memory_space<hbm>>) target(%arg11 : memref<128xi32, #tpu.memory_space<vmem>>) target_semaphore(%arg16 : memref<!tpu.dma_semaphore, #tpu.memory_space<semaphore_mem>>)
      %dma_wait3A = arith.constant 0 : i32
      %dma_wait3A_55 = tpu.memref_slice %arg3[%add3A_24, %dma_wait3A] : memref<2560x128xi32, #tpu.memory_space<hbm>> -> memref<1x128xi32, #tpu.memory_space<hbm>>
      %dma_wait3A_56 = tpu.memref_squeeze %dma_wait3A_55 : memref<1x128xi32, #tpu.memory_space<hbm>> -> memref<128xi32, #tpu.memory_space<hbm>>
      %dma_wait3A_57 = arith.constant 0 : i32
      %dma_wait3A_58 = tpu.memref_slice %arg3[%add3A_24, %dma_wait3A_57] : memref<2560x128xi32, #tpu.memory_space<hbm>> -> memref<1x128xi32, #tpu.memory_space<hbm>>
      %dma_wait3A_59 = tpu.memref_squeeze %dma_wait3A_58 : memref<1x128xi32, #tpu.memory_space<hbm>> -> memref<128xi32, #tpu.memory_space<hbm>>
      tpu.wait_dma2 semaphore(%arg15 : memref<!tpu.dma_semaphore, #tpu.memory_space<semaphore_mem>>) src(%dma_wait3A_59 : memref<128xi32, #tpu.memory_space<hbm>>) dst(%arg8 : memref<128xi32, #tpu.memory_space<vmem>>)
      %dma_wait3A_60 = arith.constant 0 : i32
      %dma_wait3A_61 = tpu.memref_slice %arg4[%add3A_30, %dma_wait3A_60] : memref<2560x128xi32, #tpu.memory_space<hbm>> -> memref<1x128xi32, #tpu.memory_space<hbm>>
      %dma_wait3A_62 = tpu.memref_squeeze %dma_wait3A_61 : memref<1x128xi32, #tpu.memory_space<hbm>> -> memref<128xi32, #tpu.memory_space<hbm>>
      %dma_wait3A_63 = arith.constant 0 : i32
      %dma_wait3A_64 = tpu.memref_slice %arg4[%add3A_30, %dma_wait3A_63] : memref<2560x128xi32, #tpu.memory_space<hbm>> -> memref<1x128xi32, #tpu.memory_space<hbm>>
      %dma_wait3A_65 = tpu.memref_squeeze %dma_wait3A_64 : memref<1x128xi32, #tpu.memory_space<hbm>> -> memref<128xi32, #tpu.memory_space<hbm>>
      tpu.wait_dma2 semaphore(%arg15 : memref<!tpu.dma_semaphore, #tpu.memory_space<semaphore_mem>>) src(%dma_wait3A_65 : memref<128xi32, #tpu.memory_space<hbm>>) dst(%arg10 : memref<128xi32, #tpu.memory_space<vmem>>)
      %dma_start3A_66 = arith.constant 0 : i32
      %dma_start3A_67 = arith.constant 0 : i32
      %dma_start3A_68 = tpu.memref_slice %arg2[%dma_start3A_66, %dma_start3A_67] : memref<10240x128xf32, #tpu.memory_space<hbm>> -> memref<10240x128xf32, #tpu.memory_space<hbm>>
      tpu.enqueue_indirect_dma source(%dma_start3A_68 : memref<10240x128xf32, #tpu.memory_space<hbm>>) target(%arg12 : memref<128x128xf32, #tpu.memory_space<vmem>>) offsets(%arg8 : memref<128xi32, #tpu.memory_space<vmem>>) semaphore(%arg17 : memref<!tpu.dma_semaphore, #tpu.memory_space<semaphore_mem>>)
      %dma_wait3A_69 = arith.constant 0 : i32
      %dma_wait3A_70 = tpu.memref_slice %arg3[%add3A_39, %dma_wait3A_69] : memref<2560x128xi32, #tpu.memory_space<hbm>> -> memref<1x128xi32, #tpu.memory_space<hbm>>
      %dma_wait3A_71 = tpu.memref_squeeze %dma_wait3A_70 : memref<1x128xi32, #tpu.memory_space<hbm>> -> memref<128xi32, #tpu.memory_space<hbm>>
      %dma_wait3A_72 = arith.constant 0 : i32
      %dma_wait3A_73 = tpu.memref_slice %arg3[%add3A_39, %dma_wait3A_72] : memref<2560x128xi32, #tpu.memory_space<hbm>> -> memref<1x128xi32, #tpu.memory_space<hbm>>
      %dma_wait3A_74 = tpu.memref_squeeze %dma_wait3A_73 : memref<1x128xi32, #tpu.memory_space<hbm>> -> memref<128xi32, #tpu.memory_space<hbm>>
      tpu.wait_dma2 semaphore(%arg16 : memref<!tpu.dma_semaphore, #tpu.memory_space<semaphore_mem>>) src(%dma_wait3A_74 : memref<128xi32, #tpu.memory_space<hbm>>) dst(%arg9 : memref<128xi32, #tpu.memory_space<vmem>>)
      %dma_wait3A_75 = arith.constant 0 : i32
      %dma_wait3A_76 = tpu.memref_slice %arg4[%add3A_48, %dma_wait3A_75] : memref<2560x128xi32, #tpu.memory_space<hbm>> -> memref<1x128xi32, #tpu.memory_space<hbm>>
      %dma_wait3A_77 = tpu.memref_squeeze %dma_wait3A_76 : memref<1x128xi32, #tpu.memory_space<hbm>> -> memref<128xi32, #tpu.memory_space<hbm>>
      %dma_wait3A_78 = arith.constant 0 : i32
      %dma_wait3A_79 = tpu.memref_slice %arg4[%add3A_48, %dma_wait3A_78] : memref<2560x128xi32, #tpu.memory_space<hbm>> -> memref<1x128xi32, #tpu.memory_space<hbm>>
      %dma_wait3A_80 = tpu.memref_squeeze %dma_wait3A_79 : memref<1x128xi32, #tpu.memory_space<hbm>> -> memref<128xi32, #tpu.memory_space<hbm>>
      tpu.wait_dma2 semaphore(%arg16 : memref<!tpu.dma_semaphore, #tpu.memory_space<semaphore_mem>>) src(%dma_wait3A_80 : memref<128xi32, #tpu.memory_space<hbm>>) dst(%arg11 : memref<128xi32, #tpu.memory_space<vmem>>)
      %dma_wait3A_81 = arith.constant 0 : i32
      %dma_wait3A_82 = arith.constant 0 : i32
      %dma_wait3A_83 = tpu.memref_slice %arg2[%dma_wait3A_81, %dma_wait3A_82] : memref<10240x128xf32, #tpu.memory_space<hbm>> -> memref<10240x128xf32, #tpu.memory_space<hbm>>
      tpu.wait_indirect_dma semaphore(%arg17 : memref<!tpu.dma_semaphore, #tpu.memory_space<semaphore_mem>>) src(%dma_wait3A_83 : memref<10240x128xf32, #tpu.memory_space<hbm>>) dst(%arg12 : memref<128x128xf32, #tpu.memory_space<vmem>>)
      %dma_start3A_84 = arith.constant 0 : i32
      %dma_start3A_85 = arith.constant 0 : i32
      %dma_start3A_86 = tpu.memref_slice %arg2[%dma_start3A_84, %dma_start3A_85] : memref<10240x128xf32, #tpu.memory_space<hbm>> -> memref<10240x128xf32, #tpu.memory_space<hbm>>
      tpu.enqueue_indirect_dma source(%dma_start3A_86 : memref<10240x128xf32, #tpu.memory_space<hbm>>) target(%arg13 : memref<128x128xf32, #tpu.memory_space<vmem>>) offsets(%arg9 : memref<128xi32, #tpu.memory_space<vmem>>) semaphore(%arg18 : memref<!tpu.dma_semaphore, #tpu.memory_space<semaphore_mem>>)
      "tpu.region"() ({
        %run_scoped3A = tpu.sem_alloc : memref<!tpu.dma_semaphore, #tpu.memory_space<semaphore_mem>>
        %dma_start3A_90 = arith.constant 0 : i32
        %dma_start3A_91 = arith.constant 0 : i32
        %dma_start3A_92 = tpu.memref_slice %arg7[%dma_start3A_90, %dma_start3A_91] : memref<10240x128xf32, #tpu.memory_space<vmem_shared>> -> memref<10240x128xf32, #tpu.memory_space<vmem_shared>>
        tpu.enqueue_indirect_dma source(%arg12 : memref<128x128xf32, #tpu.memory_space<vmem>>) target(%dma_start3A_92 : memref<10240x128xf32, #tpu.memory_space<vmem_shared>>) offsets(%arg10 : memref<128xi32, #tpu.memory_space<vmem>>) semaphore(%run_scoped3A : memref<!tpu.dma_semaphore, #tpu.memory_space<semaphore_mem>>) {add = true}
        %dma_wait3A_93 = arith.constant 0 : i32
        %dma_wait3A_94 = arith.constant 0 : i32
        %dma_wait3A_95 = tpu.memref_slice %arg7[%dma_wait3A_93, %dma_wait3A_94] : memref<10240x128xf32, #tpu.memory_space<vmem_shared>> -> memref<10240x128xf32, #tpu.memory_space<vmem_shared>>
        tpu.wait_indirect_dma semaphore(%run_scoped3A : memref<!tpu.dma_semaphore, #tpu.memory_space<semaphore_mem>>) src(%arg12 : memref<128x128xf32, #tpu.memory_space<vmem>>) dst(%dma_wait3A_95 : memref<10240x128xf32, #tpu.memory_space<vmem_shared>>)
        tpu.yield
      }) : () -> ()
      %dma_wait3A_87 = arith.constant 0 : i32
      %dma_wait3A_88 = arith.constant 0 : i32
      %dma_wait3A_89 = tpu.memref_slice %arg2[%dma_wait3A_87, %dma_wait3A_88] : memref<10240x128xf32, #tpu.memory_space<hbm>> -> memref<10240x128xf32, #tpu.memory_space<hbm>>
      tpu.wait_indirect_dma semaphore(%arg18 : memref<!tpu.dma_semaphore, #tpu.memory_space<semaphore_mem>>) src(%dma_wait3A_89 : memref<10240x128xf32, #tpu.memory_space<hbm>>) dst(%arg13 : memref<128x128xf32, #tpu.memory_space<vmem>>)
      "tpu.region"() ({
        %run_scoped3A = tpu.sem_alloc : memref<!tpu.dma_semaphore, #tpu.memory_space<semaphore_mem>>
        %dma_start3A_90 = arith.constant 0 : i32
        %dma_start3A_91 = arith.constant 0 : i32
        %dma_start3A_92 = tpu.memref_slice %arg7[%dma_start3A_90, %dma_start3A_91] : memref<10240x128xf32, #tpu.memory_space<vmem_shared>> -> memref<10240x128xf32, #tpu.memory_space<vmem_shared>>
        tpu.enqueue_indirect_dma source(%arg13 : memref<128x128xf32, #tpu.memory_space<vmem>>) target(%dma_start3A_92 : memref<10240x128xf32, #tpu.memory_space<vmem_shared>>) offsets(%arg11 : memref<128xi32, #tpu.memory_space<vmem>>) semaphore(%run_scoped3A : memref<!tpu.dma_semaphore, #tpu.memory_space<semaphore_mem>>) {add = true}
        %dma_wait3A_93 = arith.constant 0 : i32
        %dma_wait3A_94 = arith.constant 0 : i32
        %dma_wait3A_95 = tpu.memref_slice %arg7[%dma_wait3A_93, %dma_wait3A_94] : memref<10240x128xf32, #tpu.memory_space<vmem_shared>> -> memref<10240x128xf32, #tpu.memory_space<vmem_shared>>
        tpu.wait_indirect_dma semaphore(%run_scoped3A : memref<!tpu.dma_semaphore, #tpu.memory_space<semaphore_mem>>) src(%arg13 : memref<128x128xf32, #tpu.memory_space<vmem>>) dst(%dma_wait3A_95 : memref<10240x128xf32, #tpu.memory_space<vmem_shared>>)
        tpu.yield
      }) : () -> ()
    }
    %scan3A_13 = arith.constant 40 : i32
    %barrier3A_14 = arith.constant 0 : index
    tpu.barrier barrier_id(%barrier3A_14)
    %scan3A_15 = arith.constant 0 : i32
    %scan3A_16 = arith.constant 0 : i32
    %scan3A_17 = arith.constant 5 : i32
    %scan3A_18 = arith.addi %scan3A_16, %scan3A_17 : i32
    %scan3A_19 = arith.constant 1 : i32
    scf.for %scan3A_21 = %scan3A_16 to %scan3A_18 step %scan3A_19  : i32 {
      %mul3A_22 = arith.constant 640 : i32
      %mul3A_23 = arith.muli %arg1, %mul3A_22 : i32
      %mul3A_24 = arith.constant 128 : i32
      %mul3A_25 = arith.muli %scan3A_21, %mul3A_24 : i32
      %add3A_26 = arith.addi %mul3A_23, %mul3A_25 : i32
      "tpu.region"() ({
        %run_scoped3A = tpu.sem_alloc : memref<!tpu.dma_semaphore, #tpu.memory_space<semaphore_mem>>
        %dma_start3A = arith.constant 0 : i32
        %dma_start3A_30 = tpu.memref_slice %arg7[%add3A_26, %dma_start3A] : memref<10240x128xf32, #tpu.memory_space<vmem_shared>> -> memref<128x128xf32, #tpu.memory_space<vmem_shared>>
        %dma_start3A_31 = arith.constant 0 : i32
        %dma_start3A_32 = tpu.memref_slice %arg7[%add3A_26, %dma_start3A_31] : memref<10240x128xf32, #tpu.memory_space<vmem_shared>> -> memref<128x128xf32, #tpu.memory_space<vmem_shared>>
        tpu.enqueue_dma source(%dma_start3A_32 : memref<128x128xf32, #tpu.memory_space<vmem_shared>>) target(%arg12 : memref<128x128xf32, #tpu.memory_space<vmem>>) target_semaphore(%run_scoped3A : memref<!tpu.dma_semaphore, #tpu.memory_space<semaphore_mem>>)
        %dma_wait3A = arith.constant 0 : i32
        %dma_wait3A_33 = tpu.memref_slice %arg7[%add3A_26, %dma_wait3A] : memref<10240x128xf32, #tpu.memory_space<vmem_shared>> -> memref<128x128xf32, #tpu.memory_space<vmem_shared>>
        %dma_wait3A_34 = arith.constant 0 : i32
        %dma_wait3A_35 = tpu.memref_slice %arg7[%add3A_26, %dma_wait3A_34] : memref<10240x128xf32, #tpu.memory_space<vmem_shared>> -> memref<128x128xf32, #tpu.memory_space<vmem_shared>>
        tpu.wait_dma2 semaphore(%run_scoped3A : memref<!tpu.dma_semaphore, #tpu.memory_space<semaphore_mem>>) src(%dma_wait3A_35 : memref<128x128xf32, #tpu.memory_space<vmem_shared>>) dst(%arg12 : memref<128x128xf32, #tpu.memory_space<vmem>>)
        tpu.yield
      }) : () -> ()
      %mul3A_27 = arith.constant 10240 : i32
      %mul3A_28 = arith.muli %arg0, %mul3A_27 : i32
      %add3A_29 = arith.addi %mul3A_28, %add3A_26 : i32
      "tpu.region"() ({
        %run_scoped3A = tpu.sem_alloc : memref<!tpu.dma_semaphore, #tpu.memory_space<semaphore_mem>>
        %dma_start3A = arith.constant 0 : i32
        %dma_start3A_30 = tpu.memref_slice %arg6[%add3A_29, %dma_start3A] : memref<20480x128xf32, #tpu.memory_space<hbm>> -> memref<128x128xf32, #tpu.memory_space<hbm>>
        %dma_start3A_31 = arith.constant 0 : i32
        %dma_start3A_32 = tpu.memref_slice %arg6[%add3A_29, %dma_start3A_31] : memref<20480x128xf32, #tpu.memory_space<hbm>> -> memref<128x128xf32, #tpu.memory_space<hbm>>
        tpu.enqueue_dma source(%arg12 : memref<128x128xf32, #tpu.memory_space<vmem>>) target(%dma_start3A_32 : memref<128x128xf32, #tpu.memory_space<hbm>>) target_semaphore(%run_scoped3A : memref<!tpu.dma_semaphore, #tpu.memory_space<semaphore_mem>>)
        %dma_wait3A = arith.constant 0 : i32
        %dma_wait3A_33 = tpu.memref_slice %arg6[%add3A_29, %dma_wait3A] : memref<20480x128xf32, #tpu.memory_space<hbm>> -> memref<128x128xf32, #tpu.memory_space<hbm>>
        %dma_wait3A_34 = arith.constant 0 : i32
        %dma_wait3A_35 = tpu.memref_slice %arg6[%add3A_29, %dma_wait3A_34] : memref<20480x128xf32, #tpu.memory_space<hbm>> -> memref<128x128xf32, #tpu.memory_space<hbm>>
        tpu.wait_dma2 semaphore(%run_scoped3A : memref<!tpu.dma_semaphore, #tpu.memory_space<semaphore_mem>>) src(%arg12 : memref<128x128xf32, #tpu.memory_space<vmem>>) dst(%dma_wait3A_35 : memref<128x128xf32, #tpu.memory_space<hbm>>)
        tpu.yield
      }) : () -> ()
    }
    %scan3A_20 = arith.constant 5 : i32
    return
  }
}

#map = affine_map<(d0, d1) -> (0, 0)>
module attributes {stable_mosaic.version = 14 : i64} {
  func.func @k(%arg0: i32, %arg1: i32, %arg2: memref<10240x128xf32, #tpu.memory_space<hbm>>, %arg3: memref<2560x128xi32, #tpu.memory_space<hbm>>, %arg4: memref<2560x128xi32, #tpu.memory_space<hbm>>, %arg5: memref<32x128xf32, #tpu.memory_space<hbm>>, %arg6: memref<20480x128xf32, #tpu.memory_space<hbm>>, %arg7: memref<10240x128xf32, #tpu.memory_space<vmem_shared>>, %arg8: memref<128xi32, #tpu.memory_space<vmem>>, %arg9: memref<128xi32, #tpu.memory_space<vmem>>, %arg10: memref<128xi32, #tpu.memory_space<vmem>>, %arg11: memref<128xi32, #tpu.memory_space<vmem>>, %arg12: memref<128x128xf32, #tpu.memory_space<vmem>>, %arg13: memref<128x128xf32, #tpu.memory_space<vmem>>, %arg14: memref<32x128xf32, #tpu.memory_space<vmem>>, %arg15: memref<!tpu.dma_semaphore, #tpu.memory_space<semaphore_mem>>, %arg16: memref<!tpu.dma_semaphore, #tpu.memory_space<semaphore_mem>>, %arg17: memref<!tpu.dma_semaphore, #tpu.memory_space<semaphore_mem>>, %arg18: memref<!tpu.dma_semaphore, #tpu.memory_space<semaphore_mem>>) attributes {dimension_semantics = [#tpu.dimension_semantics<core_parallel>, #tpu.dimension_semantics<subcore_parallel>], iteration_bounds = array<i64: 2, 16>, scalar_prefetch = 0 : i64, scratch_operands = 12 : i64, tpu.core_type = #tpu.core_type<sc_vector_subcore>, window_params = [{transform_indices = #map}, {transform_indices = #map}, {transform_indices = #map}, {transform_indices = #map}, {transform_indices = #map}]} {
    %mul3A = arith.constant 16 : i32
    %mul3A_0 = arith.muli %arg0, %mul3A : i32
    %add3A = arith.addi %mul3A_0, %arg1 : i32
    %mul3A_1 = arith.constant 80 : i32
    %mul3A_2 = arith.muli %add3A, %mul3A_1 : i32
    "tpu.region"() ({
      %run_scoped3A = tpu.sem_alloc : memref<!tpu.dma_semaphore, #tpu.memory_space<semaphore_mem>>
      tpu.enqueue_dma source(%arg5 : memref<32x128xf32, #tpu.memory_space<hbm>>) target(%arg14 : memref<32x128xf32, #tpu.memory_space<vmem>>) target_semaphore(%run_scoped3A : memref<!tpu.dma_semaphore, #tpu.memory_space<semaphore_mem>>)
      tpu.wait_dma2 semaphore(%run_scoped3A : memref<!tpu.dma_semaphore, #tpu.memory_space<semaphore_mem>>) src(%arg5 : memref<32x128xf32, #tpu.memory_space<hbm>>) dst(%arg14 : memref<32x128xf32, #tpu.memory_space<vmem>>)
      tpu.yield
    }) : () -> ()
    %scan3A = arith.constant 0 : i32
    %scan3A_3 = arith.constant 0 : i32
    %scan3A_4 = arith.constant 20 : i32
    %scan3A_5 = arith.addi %scan3A_3, %scan3A_4 : i32
    %scan3A_6 = arith.constant 1 : i32
    scf.for %scan3A_21 = %scan3A_3 to %scan3A_5 step %scan3A_6  : i32 {
      %mul3A_22 = arith.constant 640 : i32
      %mul3A_23 = arith.muli %arg1, %mul3A_22 : i32
      %mul3A_24 = arith.constant 32 : i32
      %mul3A_25 = arith.muli %scan3A_21, %mul3A_24 : i32
      %add3A_26 = arith.addi %mul3A_23, %mul3A_25 : i32
      "tpu.region"() ({
        %run_scoped3A = tpu.sem_alloc : memref<!tpu.dma_semaphore, #tpu.memory_space<semaphore_mem>>
        %dma_start3A = arith.constant 0 : i32
        %dma_start3A_27 = tpu.memref_slice %arg7[%add3A_26, %dma_start3A] : memref<10240x128xf32, #tpu.memory_space<vmem_shared>> -> memref<32x128xf32, #tpu.memory_space<vmem_shared>>
        %dma_start3A_28 = arith.constant 0 : i32
        %dma_start3A_29 = tpu.memref_slice %arg7[%add3A_26, %dma_start3A_28] : memref<10240x128xf32, #tpu.memory_space<vmem_shared>> -> memref<32x128xf32, #tpu.memory_space<vmem_shared>>
        tpu.enqueue_dma source(%arg14 : memref<32x128xf32, #tpu.memory_space<vmem>>) target(%dma_start3A_29 : memref<32x128xf32, #tpu.memory_space<vmem_shared>>) target_semaphore(%run_scoped3A : memref<!tpu.dma_semaphore, #tpu.memory_space<semaphore_mem>>)
        %dma_wait3A = arith.constant 0 : i32
        %dma_wait3A_30 = tpu.memref_slice %arg7[%add3A_26, %dma_wait3A] : memref<10240x128xf32, #tpu.memory_space<vmem_shared>> -> memref<32x128xf32, #tpu.memory_space<vmem_shared>>
        %dma_wait3A_31 = arith.constant 0 : i32
        %dma_wait3A_32 = tpu.memref_slice %arg7[%add3A_26, %dma_wait3A_31] : memref<10240x128xf32, #tpu.memory_space<vmem_shared>> -> memref<32x128xf32, #tpu.memory_space<vmem_shared>>
        tpu.wait_dma2 semaphore(%run_scoped3A : memref<!tpu.dma_semaphore, #tpu.memory_space<semaphore_mem>>) src(%arg14 : memref<32x128xf32, #tpu.memory_space<vmem>>) dst(%dma_wait3A_32 : memref<32x128xf32, #tpu.memory_space<vmem_shared>>)
        tpu.yield
      }) : () -> ()
    }
    %scan3A_7 = arith.constant 20 : i32
    %barrier3A = arith.constant 0 : index
    tpu.barrier barrier_id(%barrier3A)
    %scan3A_8 = arith.constant 0 : i32
    %scan3A_9 = arith.constant 0 : i32
    %scan3A_10 = arith.constant 40 : i32
    %scan3A_11 = arith.addi %scan3A_9, %scan3A_10 : i32
    %scan3A_12 = arith.constant 1 : i32
    scf.for %scan3A_21 = %scan3A_9 to %scan3A_11 step %scan3A_12  : i32 {
      %mul3A_22 = arith.constant 2 : i32
      %mul3A_23 = arith.muli %scan3A_21, %mul3A_22 : i32
      %add3A_24 = arith.addi %mul3A_2, %mul3A_23 : i32
      %dma_start3A = arith.constant 0 : i32
      %dma_start3A_25 = tpu.memref_slice %arg3[%add3A_24, %dma_start3A] : memref<2560x128xi32, #tpu.memory_space<hbm>> -> memref<1x128xi32, #tpu.memory_space<hbm>>
      %dma_start3A_26 = tpu.memref_squeeze %dma_start3A_25 : memref<1x128xi32, #tpu.memory_space<hbm>> -> memref<128xi32, #tpu.memory_space<hbm>>
      %dma_start3A_27 = arith.constant 0 : i32
      %dma_start3A_28 = tpu.memref_slice %arg3[%add3A_24, %dma_start3A_27] : memref<2560x128xi32, #tpu.memory_space<hbm>> -> memref<1x128xi32, #tpu.memory_space<hbm>>
      %dma_start3A_29 = tpu.memref_squeeze %dma_start3A_28 : memref<1x128xi32, #tpu.memory_space<hbm>> -> memref<128xi32, #tpu.memory_space<hbm>>
      tpu.enqueue_dma source(%dma_start3A_29 : memref<128xi32, #tpu.memory_space<hbm>>) target(%arg8 : memref<128xi32, #tpu.memory_space<vmem>>) target_semaphore(%arg15 : memref<!tpu.dma_semaphore, #tpu.memory_space<semaphore_mem>>)
      %add3A_30 = arith.addi %mul3A_2, %mul3A_23 : i32
      %dma_start3A_31 = arith.constant 0 : i32
      %dma_start3A_32 = tpu.memref_slice %arg4[%add3A_30, %dma_start3A_31] : memref<2560x128xi32, #tpu.memory_space<hbm>> -> memref<1x128xi32, #tpu.memory_space<hbm>>
      %dma_start3A_33 = tpu.memref_squeeze %dma_start3A_32 : memref<1x128xi32, #tpu.memory_space<hbm>> -> memref<128xi32, #tpu.memory_space<hbm>>
      %dma_start3A_34 = arith.constant 0 : i32
      %dma_start3A_35 = tpu.memref_slice %arg4[%add3A_30, %dma_start3A_34] : memref<2560x128xi32, #tpu.memory_space<hbm>> -> memref<1x128xi32, #tpu.memory_space<hbm>>
      %dma_start3A_36 = tpu.memref_squeeze %dma_start3A_35 : memref<1x128xi32, #tpu.memory_space<hbm>> -> memref<128xi32, #tpu.memory_space<hbm>>
      tpu.enqueue_dma source(%dma_start3A_36 : memref<128xi32, #tpu.memory_space<hbm>>) target(%arg10 : memref<128xi32, #tpu.memory_space<vmem>>) target_semaphore(%arg15 : memref<!tpu.dma_semaphore, #tpu.memory_space<semaphore_mem>>)
      %add3A_37 = arith.addi %mul3A_2, %mul3A_23 : i32
      %add3A_38 = arith.constant 1 : i32
      %add3A_39 = arith.addi %add3A_37, %add3A_38 : i32
      %dma_start3A_40 = arith.constant 0 : i32
      %dma_start3A_41 = tpu.memref_slice %arg3[%add3A_39, %dma_start3A_40] : memref<2560x128xi32, #tpu.memory_space<hbm>> -> memref<1x128xi32, #tpu.memory_space<hbm>>
      %dma_start3A_42 = tpu.memref_squeeze %dma_start3A_41 : memref<1x128xi32, #tpu.memory_space<hbm>> -> memref<128xi32, #tpu.memory_space<hbm>>
      %dma_start3A_43 = arith.constant 0 : i32
      %dma_start3A_44 = tpu.memref_slice %arg3[%add3A_39, %dma_start3A_43] : memref<2560x128xi32, #tpu.memory_space<hbm>> -> memref<1x128xi32, #tpu.memory_space<hbm>>
      %dma_start3A_45 = tpu.memref_squeeze %dma_start3A_44 : memref<1x128xi32, #tpu.memory_space<hbm>> -> memref<128xi32, #tpu.memory_space<hbm>>
      tpu.enqueue_dma source(%dma_start3A_45 : memref<128xi32, #tpu.memory_space<hbm>>) target(%arg9 : memref<128xi32, #tpu.memory_space<vmem>>) target_semaphore(%arg16 : memref<!tpu.dma_semaphore, #tpu.memory_space<semaphore_mem>>)
      %add3A_46 = arith.addi %mul3A_2, %mul3A_23 : i32
      %add3A_47 = arith.constant 1 : i32
      %add3A_48 = arith.addi %add3A_46, %add3A_47 : i32
      %dma_start3A_49 = arith.constant 0 : i32
      %dma_start3A_50 = tpu.memref_slice %arg4[%add3A_48, %dma_start3A_49] : memref<2560x128xi32, #tpu.memory_space<hbm>> -> memref<1x128xi32, #tpu.memory_space<hbm>>
      %dma_start3A_51 = tpu.memref_squeeze %dma_start3A_50 : memref<1x128xi32, #tpu.memory_space<hbm>> -> memref<128xi32, #tpu.memory_space<hbm>>
      %dma_start3A_52 = arith.constant 0 : i32
      %dma_start3A_53 = tpu.memref_slice %arg4[%add3A_48, %dma_start3A_52] : memref<2560x128xi32, #tpu.memory_space<hbm>> -> memref<1x128xi32, #tpu.memory_space<hbm>>
      %dma_start3A_54 = tpu.memref_squeeze %dma_start3A_53 : memref<1x128xi32, #tpu.memory_space<hbm>> -> memref<128xi32, #tpu.memory_space<hbm>>
      tpu.enqueue_dma source(%dma_start3A_54 : memref<128xi32, #tpu.memory_space<hbm>>) target(%arg11 : memref<128xi32, #tpu.memory_space<vmem>>) target_semaphore(%arg16 : memref<!tpu.dma_semaphore, #tpu.memory_space<semaphore_mem>>)
      %dma_wait3A = arith.constant 0 : i32
      %dma_wait3A_55 = tpu.memref_slice %arg3[%add3A_24, %dma_wait3A] : memref<2560x128xi32, #tpu.memory_space<hbm>> -> memref<1x128xi32, #tpu.memory_space<hbm>>
      %dma_wait3A_56 = tpu.memref_squeeze %dma_wait3A_55 : memref<1x128xi32, #tpu.memory_space<hbm>> -> memref<128xi32, #tpu.memory_space<hbm>>
      %dma_wait3A_57 = arith.constant 0 : i32
      %dma_wait3A_58 = tpu.memref_slice %arg3[%add3A_24, %dma_wait3A_57] : memref<2560x128xi32, #tpu.memory_space<hbm>> -> memref<1x128xi32, #tpu.memory_space<hbm>>
      %dma_wait3A_59 = tpu.memref_squeeze %dma_wait3A_58 : memref<1x128xi32, #tpu.memory_space<hbm>> -> memref<128xi32, #tpu.memory_space<hbm>>
      tpu.wait_dma2 semaphore(%arg15 : memref<!tpu.dma_semaphore, #tpu.memory_space<semaphore_mem>>) src(%dma_wait3A_59 : memref<128xi32, #tpu.memory_space<hbm>>) dst(%arg8 : memref<128xi32, #tpu.memory_space<vmem>>)
      %dma_wait3A_60 = arith.constant 0 : i32
      %dma_wait3A_61 = tpu.memref_slice %arg4[%add3A_30, %dma_wait3A_60] : memref<2560x128xi32, #tpu.memory_space<hbm>> -> memref<1x128xi32, #tpu.memory_space<hbm>>
      %dma_wait3A_62 = tpu.memref_squeeze %dma_wait3A_61 : memref<1x128xi32, #tpu.memory_space<hbm>> -> memref<128xi32, #tpu.memory_space<hbm>>
      %dma_wait3A_63 = arith.constant 0 : i32
      %dma_wait3A_64 = tpu.memref_slice %arg4[%add3A_30, %dma_wait3A_63] : memref<2560x128xi32, #tpu.memory_space<hbm>> -> memref<1x128xi32, #tpu.memory_space<hbm>>
      %dma_wait3A_65 = tpu.memref_squeeze %dma_wait3A_64 : memref<1x128xi32, #tpu.memory_space<hbm>> -> memref<128xi32, #tpu.memory_space<hbm>>
      tpu.wait_dma2 semaphore(%arg15 : memref<!tpu.dma_semaphore, #tpu.memory_space<semaphore_mem>>) src(%dma_wait3A_65 : memref<128xi32, #tpu.memory_space<hbm>>) dst(%arg10 : memref<128xi32, #tpu.memory_space<vmem>>)
      %dma_start3A_66 = arith.constant 0 : i32
      %dma_start3A_67 = arith.constant 0 : i32
      %dma_start3A_68 = tpu.memref_slice %arg2[%dma_start3A_66, %dma_start3A_67] : memref<10240x128xf32, #tpu.memory_space<hbm>> -> memref<10240x128xf32, #tpu.memory_space<hbm>>
      tpu.enqueue_indirect_dma source(%dma_start3A_68 : memref<10240x128xf32, #tpu.memory_space<hbm>>) target(%arg12 : memref<128x128xf32, #tpu.memory_space<vmem>>) offsets(%arg8 : memref<128xi32, #tpu.memory_space<vmem>>) semaphore(%arg17 : memref<!tpu.dma_semaphore, #tpu.memory_space<semaphore_mem>>)
      %dma_wait3A_69 = arith.constant 0 : i32
      %dma_wait3A_70 = tpu.memref_slice %arg3[%add3A_39, %dma_wait3A_69] : memref<2560x128xi32, #tpu.memory_space<hbm>> -> memref<1x128xi32, #tpu.memory_space<hbm>>
      %dma_wait3A_71 = tpu.memref_squeeze %dma_wait3A_70 : memref<1x128xi32, #tpu.memory_space<hbm>> -> memref<128xi32, #tpu.memory_space<hbm>>
      %dma_wait3A_72 = arith.constant 0 : i32
      %dma_wait3A_73 = tpu.memref_slice %arg3[%add3A_39, %dma_wait3A_72] : memref<2560x128xi32, #tpu.memory_space<hbm>> -> memref<1x128xi32, #tpu.memory_space<hbm>>
      %dma_wait3A_74 = tpu.memref_squeeze %dma_wait3A_73 : memref<1x128xi32, #tpu.memory_space<hbm>> -> memref<128xi32, #tpu.memory_space<hbm>>
      tpu.wait_dma2 semaphore(%arg16 : memref<!tpu.dma_semaphore, #tpu.memory_space<semaphore_mem>>) src(%dma_wait3A_74 : memref<128xi32, #tpu.memory_space<hbm>>) dst(%arg9 : memref<128xi32, #tpu.memory_space<vmem>>)
      %dma_wait3A_75 = arith.constant 0 : i32
      %dma_wait3A_76 = tpu.memref_slice %arg4[%add3A_48, %dma_wait3A_75] : memref<2560x128xi32, #tpu.memory_space<hbm>> -> memref<1x128xi32, #tpu.memory_space<hbm>>
      %dma_wait3A_77 = tpu.memref_squeeze %dma_wait3A_76 : memref<1x128xi32, #tpu.memory_space<hbm>> -> memref<128xi32, #tpu.memory_space<hbm>>
      %dma_wait3A_78 = arith.constant 0 : i32
      %dma_wait3A_79 = tpu.memref_slice %arg4[%add3A_48, %dma_wait3A_78] : memref<2560x128xi32, #tpu.memory_space<hbm>> -> memref<1x128xi32, #tpu.memory_space<hbm>>
      %dma_wait3A_80 = tpu.memref_squeeze %dma_wait3A_79 : memref<1x128xi32, #tpu.memory_space<hbm>> -> memref<128xi32, #tpu.memory_space<hbm>>
      tpu.wait_dma2 semaphore(%arg16 : memref<!tpu.dma_semaphore, #tpu.memory_space<semaphore_mem>>) src(%dma_wait3A_80 : memref<128xi32, #tpu.memory_space<hbm>>) dst(%arg11 : memref<128xi32, #tpu.memory_space<vmem>>)
      %dma_wait3A_81 = arith.constant 0 : i32
      %dma_wait3A_82 = arith.constant 0 : i32
      %dma_wait3A_83 = tpu.memref_slice %arg2[%dma_wait3A_81, %dma_wait3A_82] : memref<10240x128xf32, #tpu.memory_space<hbm>> -> memref<10240x128xf32, #tpu.memory_space<hbm>>
      tpu.wait_indirect_dma semaphore(%arg17 : memref<!tpu.dma_semaphore, #tpu.memory_space<semaphore_mem>>) src(%dma_wait3A_83 : memref<10240x128xf32, #tpu.memory_space<hbm>>) dst(%arg12 : memref<128x128xf32, #tpu.memory_space<vmem>>)
      %dma_start3A_84 = arith.constant 0 : i32
      %dma_start3A_85 = arith.constant 0 : i32
      %dma_start3A_86 = tpu.memref_slice %arg2[%dma_start3A_84, %dma_start3A_85] : memref<10240x128xf32, #tpu.memory_space<hbm>> -> memref<10240x128xf32, #tpu.memory_space<hbm>>
      tpu.enqueue_indirect_dma source(%dma_start3A_86 : memref<10240x128xf32, #tpu.memory_space<hbm>>) target(%arg13 : memref<128x128xf32, #tpu.memory_space<vmem>>) offsets(%arg9 : memref<128xi32, #tpu.memory_space<vmem>>) semaphore(%arg18 : memref<!tpu.dma_semaphore, #tpu.memory_space<semaphore_mem>>)
      "tpu.region"() ({
        %run_scoped3A = tpu.sem_alloc : memref<!tpu.dma_semaphore, #tpu.memory_space<semaphore_mem>>
        %dma_start3A_90 = arith.constant 0 : i32
        %dma_start3A_91 = arith.constant 0 : i32
        %dma_start3A_92 = tpu.memref_slice %arg7[%dma_start3A_90, %dma_start3A_91] : memref<10240x128xf32, #tpu.memory_space<vmem_shared>> -> memref<10240x128xf32, #tpu.memory_space<vmem_shared>>
        tpu.enqueue_indirect_dma source(%arg12 : memref<128x128xf32, #tpu.memory_space<vmem>>) target(%dma_start3A_92 : memref<10240x128xf32, #tpu.memory_space<vmem_shared>>) offsets(%arg10 : memref<128xi32, #tpu.memory_space<vmem>>) semaphore(%run_scoped3A : memref<!tpu.dma_semaphore, #tpu.memory_space<semaphore_mem>>) {add = true}
        %dma_wait3A_93 = arith.constant 0 : i32
        %dma_wait3A_94 = arith.constant 0 : i32
        %dma_wait3A_95 = tpu.memref_slice %arg7[%dma_wait3A_93, %dma_wait3A_94] : memref<10240x128xf32, #tpu.memory_space<vmem_shared>> -> memref<10240x128xf32, #tpu.memory_space<vmem_shared>>
        tpu.wait_indirect_dma semaphore(%run_scoped3A : memref<!tpu.dma_semaphore, #tpu.memory_space<semaphore_mem>>) src(%arg12 : memref<128x128xf32, #tpu.memory_space<vmem>>) dst(%dma_wait3A_95 : memref<10240x128xf32, #tpu.memory_space<vmem_shared>>)
        tpu.yield
      }) : () -> ()
      %dma_wait3A_87 = arith.constant 0 : i32
      %dma_wait3A_88 = arith.constant 0 : i32
      %dma_wait3A_89 = tpu.memref_slice %arg2[%dma_wait3A_87, %dma_wait3A_88] : memref<10240x128xf32, #tpu.memory_space<hbm>> -> memref<10240x128xf32, #tpu.memory_space<hbm>>
      tpu.wait_indirect_dma semaphore(%arg18 : memref<!tpu.dma_semaphore, #tpu.memory_space<semaphore_mem>>) src(%dma_wait3A_89 : memref<10240x128xf32, #tpu.memory_space<hbm>>) dst(%arg13 : memref<128x128xf32, #tpu.memory_space<vmem>>)
      "tpu.region"() ({
        %run_scoped3A = tpu.sem_alloc : memref<!tpu.dma_semaphore, #tpu.memory_space<semaphore_mem>>
        %dma_start3A_90 = arith.constant 0 : i32
        %dma_start3A_91 = arith.constant 0 : i32
        %dma_start3A_92 = tpu.memref_slice %arg7[%dma_start3A_90, %dma_start3A_91] : memref<10240x128xf32, #tpu.memory_space<vmem_shared>> -> memref<10240x128xf32, #tpu.memory_space<vmem_shared>>
        tpu.enqueue_indirect_dma source(%arg13 : memref<128x128xf32, #tpu.memory_space<vmem>>) target(%dma_start3A_92 : memref<10240x128xf32, #tpu.memory_space<vmem_shared>>) offsets(%arg11 : memref<128xi32, #tpu.memory_space<vmem>>) semaphore(%run_scoped3A : memref<!tpu.dma_semaphore, #tpu.memory_space<semaphore_mem>>) {add = true}
        %dma_wait3A_93 = arith.constant 0 : i32
        %dma_wait3A_94 = arith.constant 0 : i32
        %dma_wait3A_95 = tpu.memref_slice %arg7[%dma_wait3A_93, %dma_wait3A_94] : memref<10240x128xf32, #tpu.memory_space<vmem_shared>> -> memref<10240x128xf32, #tpu.memory_space<vmem_shared>>
        tpu.wait_indirect_dma semaphore(%run_scoped3A : memref<!tpu.dma_semaphore, #tpu.memory_space<semaphore_mem>>) src(%arg13 : memref<128x128xf32, #tpu.memory_space<vmem>>) dst(%dma_wait3A_95 : memref<10240x128xf32, #tpu.memory_space<vmem_shared>>)
        tpu.yield
      }) : () -> ()
    }
    %scan3A_13 = arith.constant 40 : i32
    %barrier3A_14 = arith.constant 0 : index
    tpu.barrier barrier_id(%barrier3A_14)
    %scan3A_15 = arith.constant 0 : i32
    %scan3A_16 = arith.constant 0 : i32
    %scan3A_17 = arith.constant 5 : i32
    %scan3A_18 = arith.addi %scan3A_16, %scan3A_17 : i32
    %scan3A_19 = arith.constant 1 : i32
    scf.for %scan3A_21 = %scan3A_16 to %scan3A_18 step %scan3A_19  : i32 {
      %mul3A_22 = arith.constant 640 : i32
      %mul3A_23 = arith.muli %arg1, %mul3A_22 : i32
      %mul3A_24 = arith.constant 128 : i32
      %mul3A_25 = arith.muli %scan3A_21, %mul3A_24 : i32
      %add3A_26 = arith.addi %mul3A_23, %mul3A_25 : i32
      "tpu.region"() ({
        %run_scoped3A = tpu.sem_alloc : memref<!tpu.dma_semaphore, #tpu.memory_space<semaphore_mem>>
        %dma_start3A = arith.constant 0 : i32
        %dma_start3A_30 = tpu.memref_slice %arg7[%add3A_26, %dma_start3A] : memref<10240x128xf32, #tpu.memory_space<vmem_shared>> -> memref<128x128xf32, #tpu.memory_space<vmem_shared>>
        %dma_start3A_31 = arith.constant 0 : i32
        %dma_start3A_32 = tpu.memref_slice %arg7[%add3A_26, %dma_start3A_31] : memref<10240x128xf32, #tpu.memory_space<vmem_shared>> -> memref<128x128xf32, #tpu.memory_space<vmem_shared>>
        tpu.enqueue_dma source(%dma_start3A_32 : memref<128x128xf32, #tpu.memory_space<vmem_shared>>) target(%arg12 : memref<128x128xf32, #tpu.memory_space<vmem>>) target_semaphore(%run_scoped3A : memref<!tpu.dma_semaphore, #tpu.memory_space<semaphore_mem>>)
        %dma_wait3A = arith.constant 0 : i32
        %dma_wait3A_33 = tpu.memref_slice %arg7[%add3A_26, %dma_wait3A] : memref<10240x128xf32, #tpu.memory_space<vmem_shared>> -> memref<128x128xf32, #tpu.memory_space<vmem_shared>>
        %dma_wait3A_34 = arith.constant 0 : i32
        %dma_wait3A_35 = tpu.memref_slice %arg7[%add3A_26, %dma_wait3A_34] : memref<10240x128xf32, #tpu.memory_space<vmem_shared>> -> memref<128x128xf32, #tpu.memory_space<vmem_shared>>
        tpu.wait_dma2 semaphore(%run_scoped3A : memref<!tpu.dma_semaphore, #tpu.memory_space<semaphore_mem>>) src(%dma_wait3A_35 : memref<128x128xf32, #tpu.memory_space<vmem_shared>>) dst(%arg12 : memref<128x128xf32, #tpu.memory_space<vmem>>)
        tpu.yield
      }) : () -> ()
      %mul3A_27 = arith.constant 10240 : i32
      %mul3A_28 = arith.muli %arg0, %mul3A_27 : i32
      %add3A_29 = arith.addi %mul3A_28, %add3A_26 : i32
      "tpu.region"() ({
        %run_scoped3A = tpu.sem_alloc : memref<!tpu.dma_semaphore, #tpu.memory_space<semaphore_mem>>
        %dma_start3A = arith.constant 0 : i32
        %dma_start3A_30 = tpu.memref_slice %arg6[%add3A_29, %dma_start3A] : memref<20480x128xf32, #tpu.memory_space<hbm>> -> memref<128x128xf32, #tpu.memory_space<hbm>>
        %dma_start3A_31 = arith.constant 0 : i32
        %dma_start3A_32 = tpu.memref_slice %arg6[%add3A_29, %dma_start3A_31] : memref<20480x128xf32, #tpu.memory_space<hbm>> -> memref<128x128xf32, #tpu.memory_space<hbm>>
        tpu.enqueue_dma source(%arg12 : memref<128x128xf32, #tpu.memory_space<vmem>>) target(%dma_start3A_32 : memref<128x128xf32, #tpu.memory_space<hbm>>) target_semaphore(%run_scoped3A : memref<!tpu.dma_semaphore, #tpu.memory_space<semaphore_mem>>)
        %dma_wait3A = arith.constant 0 : i32
        %dma_wait3A_33 = tpu.memref_slice %arg6[%add3A_29, %dma_wait3A] : memref<20480x128xf32, #tpu.memory_space<hbm>> -> memref<128x128xf32, #tpu.memory_space<hbm>>
        %dma_wait3A_34 = arith.constant 0 : i32
        %dma_wait3A_35 = tpu.memref_slice %arg6[%add3A_29, %dma_wait3A_34] : memref<20480x128xf32, #tpu.memory_space<hbm>> -> memref<128x128xf32, #tpu.memory_space<hbm>>
        tpu.wait_dma2 semaphore(%run_scoped3A : memref<!tpu.dma_semaphore, #tpu.memory_space<semaphore_mem>>) src(%arg12 : memref<128x128xf32, #tpu.memory_space<vmem>>) dst(%dma_wait3A_35 : memref<128x128xf32, #tpu.memory_space<hbm>>)
        tpu.yield
      }) : () -> ()
    }
    %scan3A_20 = arith.constant 5 : i32
    return
  }
}

#map = affine_map<(d0, d1) -> (0, 0)>
module attributes {stable_mosaic.version = 14 : i64} {
  func.func @k(%arg0: i32, %arg1: i32, %arg2: memref<10240x128xf32, #tpu.memory_space<hbm>>, %arg3: memref<2560x128xi32, #tpu.memory_space<hbm>>, %arg4: memref<2560x128xi32, #tpu.memory_space<hbm>>, %arg5: memref<32x128xf32, #tpu.memory_space<hbm>>, %arg6: memref<20480x128xf32, #tpu.memory_space<hbm>>, %arg7: memref<10240x128xf32, #tpu.memory_space<vmem_shared>>, %arg8: memref<128xi32, #tpu.memory_space<vmem>>, %arg9: memref<128xi32, #tpu.memory_space<vmem>>, %arg10: memref<128xi32, #tpu.memory_space<vmem>>, %arg11: memref<128xi32, #tpu.memory_space<vmem>>, %arg12: memref<128x128xf32, #tpu.memory_space<vmem>>, %arg13: memref<128x128xf32, #tpu.memory_space<vmem>>, %arg14: memref<32x128xf32, #tpu.memory_space<vmem>>, %arg15: memref<!tpu.dma_semaphore, #tpu.memory_space<semaphore_mem>>, %arg16: memref<!tpu.dma_semaphore, #tpu.memory_space<semaphore_mem>>, %arg17: memref<!tpu.dma_semaphore, #tpu.memory_space<semaphore_mem>>, %arg18: memref<!tpu.dma_semaphore, #tpu.memory_space<semaphore_mem>>) attributes {dimension_semantics = [#tpu.dimension_semantics<core_parallel>, #tpu.dimension_semantics<subcore_parallel>], iteration_bounds = array<i64: 2, 16>, scalar_prefetch = 0 : i64, scratch_operands = 12 : i64, tpu.core_type = #tpu.core_type<sc_vector_subcore>, window_params = [{transform_indices = #map}, {transform_indices = #map}, {transform_indices = #map}, {transform_indices = #map}, {transform_indices = #map}]} {
    %mul3A = arith.constant 16 : i32
    %mul3A_0 = arith.muli %arg0, %mul3A : i32
    %add3A = arith.addi %mul3A_0, %arg1 : i32
    %mul3A_1 = arith.constant 80 : i32
    %mul3A_2 = arith.muli %add3A, %mul3A_1 : i32
    "tpu.region"() ({
      %run_scoped3A = tpu.sem_alloc : memref<!tpu.dma_semaphore, #tpu.memory_space<semaphore_mem>>
      tpu.enqueue_dma source(%arg5 : memref<32x128xf32, #tpu.memory_space<hbm>>) target(%arg14 : memref<32x128xf32, #tpu.memory_space<vmem>>) target_semaphore(%run_scoped3A : memref<!tpu.dma_semaphore, #tpu.memory_space<semaphore_mem>>)
      tpu.wait_dma2 semaphore(%run_scoped3A : memref<!tpu.dma_semaphore, #tpu.memory_space<semaphore_mem>>) src(%arg5 : memref<32x128xf32, #tpu.memory_space<hbm>>) dst(%arg14 : memref<32x128xf32, #tpu.memory_space<vmem>>)
      tpu.yield
    }) : () -> ()
    %scan3A = arith.constant 0 : i32
    %scan3A_3 = arith.constant 0 : i32
    %scan3A_4 = arith.constant 20 : i32
    %scan3A_5 = arith.addi %scan3A_3, %scan3A_4 : i32
    %scan3A_6 = arith.constant 1 : i32
    scf.for %scan3A_21 = %scan3A_3 to %scan3A_5 step %scan3A_6  : i32 {
      %mul3A_22 = arith.constant 640 : i32
      %mul3A_23 = arith.muli %arg1, %mul3A_22 : i32
      %mul3A_24 = arith.constant 32 : i32
      %mul3A_25 = arith.muli %scan3A_21, %mul3A_24 : i32
      %add3A_26 = arith.addi %mul3A_23, %mul3A_25 : i32
      "tpu.region"() ({
        %run_scoped3A = tpu.sem_alloc : memref<!tpu.dma_semaphore, #tpu.memory_space<semaphore_mem>>
        %dma_start3A = arith.constant 0 : i32
        %dma_start3A_27 = tpu.memref_slice %arg7[%add3A_26, %dma_start3A] : memref<10240x128xf32, #tpu.memory_space<vmem_shared>> -> memref<32x128xf32, #tpu.memory_space<vmem_shared>>
        %dma_start3A_28 = arith.constant 0 : i32
        %dma_start3A_29 = tpu.memref_slice %arg7[%add3A_26, %dma_start3A_28] : memref<10240x128xf32, #tpu.memory_space<vmem_shared>> -> memref<32x128xf32, #tpu.memory_space<vmem_shared>>
        tpu.enqueue_dma source(%arg14 : memref<32x128xf32, #tpu.memory_space<vmem>>) target(%dma_start3A_29 : memref<32x128xf32, #tpu.memory_space<vmem_shared>>) target_semaphore(%run_scoped3A : memref<!tpu.dma_semaphore, #tpu.memory_space<semaphore_mem>>)
        %dma_wait3A = arith.constant 0 : i32
        %dma_wait3A_30 = tpu.memref_slice %arg7[%add3A_26, %dma_wait3A] : memref<10240x128xf32, #tpu.memory_space<vmem_shared>> -> memref<32x128xf32, #tpu.memory_space<vmem_shared>>
        %dma_wait3A_31 = arith.constant 0 : i32
        %dma_wait3A_32 = tpu.memref_slice %arg7[%add3A_26, %dma_wait3A_31] : memref<10240x128xf32, #tpu.memory_space<vmem_shared>> -> memref<32x128xf32, #tpu.memory_space<vmem_shared>>
        tpu.wait_dma2 semaphore(%run_scoped3A : memref<!tpu.dma_semaphore, #tpu.memory_space<semaphore_mem>>) src(%arg14 : memref<32x128xf32, #tpu.memory_space<vmem>>) dst(%dma_wait3A_32 : memref<32x128xf32, #tpu.memory_space<vmem_shared>>)
        tpu.yield
      }) : () -> ()
    }
    %scan3A_7 = arith.constant 20 : i32
    %barrier3A = arith.constant 0 : index
    tpu.barrier barrier_id(%barrier3A)
    %scan3A_8 = arith.constant 0 : i32
    %scan3A_9 = arith.constant 0 : i32
    %scan3A_10 = arith.constant 40 : i32
    %scan3A_11 = arith.addi %scan3A_9, %scan3A_10 : i32
    %scan3A_12 = arith.constant 1 : i32
    scf.for %scan3A_21 = %scan3A_9 to %scan3A_11 step %scan3A_12  : i32 {
      %mul3A_22 = arith.constant 2 : i32
      %mul3A_23 = arith.muli %scan3A_21, %mul3A_22 : i32
      %add3A_24 = arith.addi %mul3A_2, %mul3A_23 : i32
      %dma_start3A = arith.constant 0 : i32
      %dma_start3A_25 = tpu.memref_slice %arg3[%add3A_24, %dma_start3A] : memref<2560x128xi32, #tpu.memory_space<hbm>> -> memref<1x128xi32, #tpu.memory_space<hbm>>
      %dma_start3A_26 = tpu.memref_squeeze %dma_start3A_25 : memref<1x128xi32, #tpu.memory_space<hbm>> -> memref<128xi32, #tpu.memory_space<hbm>>
      %dma_start3A_27 = arith.constant 0 : i32
      %dma_start3A_28 = tpu.memref_slice %arg3[%add3A_24, %dma_start3A_27] : memref<2560x128xi32, #tpu.memory_space<hbm>> -> memref<1x128xi32, #tpu.memory_space<hbm>>
      %dma_start3A_29 = tpu.memref_squeeze %dma_start3A_28 : memref<1x128xi32, #tpu.memory_space<hbm>> -> memref<128xi32, #tpu.memory_space<hbm>>
      tpu.enqueue_dma source(%dma_start3A_29 : memref<128xi32, #tpu.memory_space<hbm>>) target(%arg8 : memref<128xi32, #tpu.memory_space<vmem>>) target_semaphore(%arg15 : memref<!tpu.dma_semaphore, #tpu.memory_space<semaphore_mem>>)
      %add3A_30 = arith.addi %mul3A_2, %mul3A_23 : i32
      %dma_start3A_31 = arith.constant 0 : i32
      %dma_start3A_32 = tpu.memref_slice %arg4[%add3A_30, %dma_start3A_31] : memref<2560x128xi32, #tpu.memory_space<hbm>> -> memref<1x128xi32, #tpu.memory_space<hbm>>
      %dma_start3A_33 = tpu.memref_squeeze %dma_start3A_32 : memref<1x128xi32, #tpu.memory_space<hbm>> -> memref<128xi32, #tpu.memory_space<hbm>>
      %dma_start3A_34 = arith.constant 0 : i32
      %dma_start3A_35 = tpu.memref_slice %arg4[%add3A_30, %dma_start3A_34] : memref<2560x128xi32, #tpu.memory_space<hbm>> -> memref<1x128xi32, #tpu.memory_space<hbm>>
      %dma_start3A_36 = tpu.memref_squeeze %dma_start3A_35 : memref<1x128xi32, #tpu.memory_space<hbm>> -> memref<128xi32, #tpu.memory_space<hbm>>
      tpu.enqueue_dma source(%dma_start3A_36 : memref<128xi32, #tpu.memory_space<hbm>>) target(%arg10 : memref<128xi32, #tpu.memory_space<vmem>>) target_semaphore(%arg15 : memref<!tpu.dma_semaphore, #tpu.memory_space<semaphore_mem>>)
      %add3A_37 = arith.addi %mul3A_2, %mul3A_23 : i32
      %add3A_38 = arith.constant 1 : i32
      %add3A_39 = arith.addi %add3A_37, %add3A_38 : i32
      %dma_start3A_40 = arith.constant 0 : i32
      %dma_start3A_41 = tpu.memref_slice %arg3[%add3A_39, %dma_start3A_40] : memref<2560x128xi32, #tpu.memory_space<hbm>> -> memref<1x128xi32, #tpu.memory_space<hbm>>
      %dma_start3A_42 = tpu.memref_squeeze %dma_start3A_41 : memref<1x128xi32, #tpu.memory_space<hbm>> -> memref<128xi32, #tpu.memory_space<hbm>>
      %dma_start3A_43 = arith.constant 0 : i32
      %dma_start3A_44 = tpu.memref_slice %arg3[%add3A_39, %dma_start3A_43] : memref<2560x128xi32, #tpu.memory_space<hbm>> -> memref<1x128xi32, #tpu.memory_space<hbm>>
      %dma_start3A_45 = tpu.memref_squeeze %dma_start3A_44 : memref<1x128xi32, #tpu.memory_space<hbm>> -> memref<128xi32, #tpu.memory_space<hbm>>
      tpu.enqueue_dma source(%dma_start3A_45 : memref<128xi32, #tpu.memory_space<hbm>>) target(%arg9 : memref<128xi32, #tpu.memory_space<vmem>>) target_semaphore(%arg16 : memref<!tpu.dma_semaphore, #tpu.memory_space<semaphore_mem>>)
      %add3A_46 = arith.addi %mul3A_2, %mul3A_23 : i32
      %add3A_47 = arith.constant 1 : i32
      %add3A_48 = arith.addi %add3A_46, %add3A_47 : i32
      %dma_start3A_49 = arith.constant 0 : i32
      %dma_start3A_50 = tpu.memref_slice %arg4[%add3A_48, %dma_start3A_49] : memref<2560x128xi32, #tpu.memory_space<hbm>> -> memref<1x128xi32, #tpu.memory_space<hbm>>
      %dma_start3A_51 = tpu.memref_squeeze %dma_start3A_50 : memref<1x128xi32, #tpu.memory_space<hbm>> -> memref<128xi32, #tpu.memory_space<hbm>>
      %dma_start3A_52 = arith.constant 0 : i32
      %dma_start3A_53 = tpu.memref_slice %arg4[%add3A_48, %dma_start3A_52] : memref<2560x128xi32, #tpu.memory_space<hbm>> -> memref<1x128xi32, #tpu.memory_space<hbm>>
      %dma_start3A_54 = tpu.memref_squeeze %dma_start3A_53 : memref<1x128xi32, #tpu.memory_space<hbm>> -> memref<128xi32, #tpu.memory_space<hbm>>
      tpu.enqueue_dma source(%dma_start3A_54 : memref<128xi32, #tpu.memory_space<hbm>>) target(%arg11 : memref<128xi32, #tpu.memory_space<vmem>>) target_semaphore(%arg16 : memref<!tpu.dma_semaphore, #tpu.memory_space<semaphore_mem>>)
      %dma_wait3A = arith.constant 0 : i32
      %dma_wait3A_55 = tpu.memref_slice %arg3[%add3A_24, %dma_wait3A] : memref<2560x128xi32, #tpu.memory_space<hbm>> -> memref<1x128xi32, #tpu.memory_space<hbm>>
      %dma_wait3A_56 = tpu.memref_squeeze %dma_wait3A_55 : memref<1x128xi32, #tpu.memory_space<hbm>> -> memref<128xi32, #tpu.memory_space<hbm>>
      %dma_wait3A_57 = arith.constant 0 : i32
      %dma_wait3A_58 = tpu.memref_slice %arg3[%add3A_24, %dma_wait3A_57] : memref<2560x128xi32, #tpu.memory_space<hbm>> -> memref<1x128xi32, #tpu.memory_space<hbm>>
      %dma_wait3A_59 = tpu.memref_squeeze %dma_wait3A_58 : memref<1x128xi32, #tpu.memory_space<hbm>> -> memref<128xi32, #tpu.memory_space<hbm>>
      tpu.wait_dma2 semaphore(%arg15 : memref<!tpu.dma_semaphore, #tpu.memory_space<semaphore_mem>>) src(%dma_wait3A_59 : memref<128xi32, #tpu.memory_space<hbm>>) dst(%arg8 : memref<128xi32, #tpu.memory_space<vmem>>)
      %dma_wait3A_60 = arith.constant 0 : i32
      %dma_wait3A_61 = tpu.memref_slice %arg4[%add3A_30, %dma_wait3A_60] : memref<2560x128xi32, #tpu.memory_space<hbm>> -> memref<1x128xi32, #tpu.memory_space<hbm>>
      %dma_wait3A_62 = tpu.memref_squeeze %dma_wait3A_61 : memref<1x128xi32, #tpu.memory_space<hbm>> -> memref<128xi32, #tpu.memory_space<hbm>>
      %dma_wait3A_63 = arith.constant 0 : i32
      %dma_wait3A_64 = tpu.memref_slice %arg4[%add3A_30, %dma_wait3A_63] : memref<2560x128xi32, #tpu.memory_space<hbm>> -> memref<1x128xi32, #tpu.memory_space<hbm>>
      %dma_wait3A_65 = tpu.memref_squeeze %dma_wait3A_64 : memref<1x128xi32, #tpu.memory_space<hbm>> -> memref<128xi32, #tpu.memory_space<hbm>>
      tpu.wait_dma2 semaphore(%arg15 : memref<!tpu.dma_semaphore, #tpu.memory_space<semaphore_mem>>) src(%dma_wait3A_65 : memref<128xi32, #tpu.memory_space<hbm>>) dst(%arg10 : memref<128xi32, #tpu.memory_space<vmem>>)
      %dma_start3A_66 = arith.constant 0 : i32
      %dma_start3A_67 = arith.constant 0 : i32
      %dma_start3A_68 = tpu.memref_slice %arg2[%dma_start3A_66, %dma_start3A_67] : memref<10240x128xf32, #tpu.memory_space<hbm>> -> memref<10240x128xf32, #tpu.memory_space<hbm>>
      tpu.enqueue_indirect_dma source(%dma_start3A_68 : memref<10240x128xf32, #tpu.memory_space<hbm>>) target(%arg12 : memref<128x128xf32, #tpu.memory_space<vmem>>) offsets(%arg8 : memref<128xi32, #tpu.memory_space<vmem>>) semaphore(%arg17 : memref<!tpu.dma_semaphore, #tpu.memory_space<semaphore_mem>>)
      %dma_wait3A_69 = arith.constant 0 : i32
      %dma_wait3A_70 = tpu.memref_slice %arg3[%add3A_39, %dma_wait3A_69] : memref<2560x128xi32, #tpu.memory_space<hbm>> -> memref<1x128xi32, #tpu.memory_space<hbm>>
      %dma_wait3A_71 = tpu.memref_squeeze %dma_wait3A_70 : memref<1x128xi32, #tpu.memory_space<hbm>> -> memref<128xi32, #tpu.memory_space<hbm>>
      %dma_wait3A_72 = arith.constant 0 : i32
      %dma_wait3A_73 = tpu.memref_slice %arg3[%add3A_39, %dma_wait3A_72] : memref<2560x128xi32, #tpu.memory_space<hbm>> -> memref<1x128xi32, #tpu.memory_space<hbm>>
      %dma_wait3A_74 = tpu.memref_squeeze %dma_wait3A_73 : memref<1x128xi32, #tpu.memory_space<hbm>> -> memref<128xi32, #tpu.memory_space<hbm>>
      tpu.wait_dma2 semaphore(%arg16 : memref<!tpu.dma_semaphore, #tpu.memory_space<semaphore_mem>>) src(%dma_wait3A_74 : memref<128xi32, #tpu.memory_space<hbm>>) dst(%arg9 : memref<128xi32, #tpu.memory_space<vmem>>)
      %dma_wait3A_75 = arith.constant 0 : i32
      %dma_wait3A_76 = tpu.memref_slice %arg4[%add3A_48, %dma_wait3A_75] : memref<2560x128xi32, #tpu.memory_space<hbm>> -> memref<1x128xi32, #tpu.memory_space<hbm>>
      %dma_wait3A_77 = tpu.memref_squeeze %dma_wait3A_76 : memref<1x128xi32, #tpu.memory_space<hbm>> -> memref<128xi32, #tpu.memory_space<hbm>>
      %dma_wait3A_78 = arith.constant 0 : i32
      %dma_wait3A_79 = tpu.memref_slice %arg4[%add3A_48, %dma_wait3A_78] : memref<2560x128xi32, #tpu.memory_space<hbm>> -> memref<1x128xi32, #tpu.memory_space<hbm>>
      %dma_wait3A_80 = tpu.memref_squeeze %dma_wait3A_79 : memref<1x128xi32, #tpu.memory_space<hbm>> -> memref<128xi32, #tpu.memory_space<hbm>>
      tpu.wait_dma2 semaphore(%arg16 : memref<!tpu.dma_semaphore, #tpu.memory_space<semaphore_mem>>) src(%dma_wait3A_80 : memref<128xi32, #tpu.memory_space<hbm>>) dst(%arg11 : memref<128xi32, #tpu.memory_space<vmem>>)
      %dma_wait3A_81 = arith.constant 0 : i32
      %dma_wait3A_82 = arith.constant 0 : i32
      %dma_wait3A_83 = tpu.memref_slice %arg2[%dma_wait3A_81, %dma_wait3A_82] : memref<10240x128xf32, #tpu.memory_space<hbm>> -> memref<10240x128xf32, #tpu.memory_space<hbm>>
      tpu.wait_indirect_dma semaphore(%arg17 : memref<!tpu.dma_semaphore, #tpu.memory_space<semaphore_mem>>) src(%dma_wait3A_83 : memref<10240x128xf32, #tpu.memory_space<hbm>>) dst(%arg12 : memref<128x128xf32, #tpu.memory_space<vmem>>)
      %dma_start3A_84 = arith.constant 0 : i32
      %dma_start3A_85 = arith.constant 0 : i32
      %dma_start3A_86 = tpu.memref_slice %arg2[%dma_start3A_84, %dma_start3A_85] : memref<10240x128xf32, #tpu.memory_space<hbm>> -> memref<10240x128xf32, #tpu.memory_space<hbm>>
      tpu.enqueue_indirect_dma source(%dma_start3A_86 : memref<10240x128xf32, #tpu.memory_space<hbm>>) target(%arg13 : memref<128x128xf32, #tpu.memory_space<vmem>>) offsets(%arg9 : memref<128xi32, #tpu.memory_space<vmem>>) semaphore(%arg18 : memref<!tpu.dma_semaphore, #tpu.memory_space<semaphore_mem>>)
      "tpu.region"() ({
        %run_scoped3A = tpu.sem_alloc : memref<!tpu.dma_semaphore, #tpu.memory_space<semaphore_mem>>
        %dma_start3A_90 = arith.constant 0 : i32
        %dma_start3A_91 = arith.constant 0 : i32
        %dma_start3A_92 = tpu.memref_slice %arg7[%dma_start3A_90, %dma_start3A_91] : memref<10240x128xf32, #tpu.memory_space<vmem_shared>> -> memref<10240x128xf32, #tpu.memory_space<vmem_shared>>
        tpu.enqueue_indirect_dma source(%arg12 : memref<128x128xf32, #tpu.memory_space<vmem>>) target(%dma_start3A_92 : memref<10240x128xf32, #tpu.memory_space<vmem_shared>>) offsets(%arg10 : memref<128xi32, #tpu.memory_space<vmem>>) semaphore(%run_scoped3A : memref<!tpu.dma_semaphore, #tpu.memory_space<semaphore_mem>>) {add = true}
        %dma_wait3A_93 = arith.constant 0 : i32
        %dma_wait3A_94 = arith.constant 0 : i32
        %dma_wait3A_95 = tpu.memref_slice %arg7[%dma_wait3A_93, %dma_wait3A_94] : memref<10240x128xf32, #tpu.memory_space<vmem_shared>> -> memref<10240x128xf32, #tpu.memory_space<vmem_shared>>
        tpu.wait_indirect_dma semaphore(%run_scoped3A : memref<!tpu.dma_semaphore, #tpu.memory_space<semaphore_mem>>) src(%arg12 : memref<128x128xf32, #tpu.memory_space<vmem>>) dst(%dma_wait3A_95 : memref<10240x128xf32, #tpu.memory_space<vmem_shared>>)
        tpu.yield
      }) : () -> ()
      %dma_wait3A_87 = arith.constant 0 : i32
      %dma_wait3A_88 = arith.constant 0 : i32
      %dma_wait3A_89 = tpu.memref_slice %arg2[%dma_wait3A_87, %dma_wait3A_88] : memref<10240x128xf32, #tpu.memory_space<hbm>> -> memref<10240x128xf32, #tpu.memory_space<hbm>>
      tpu.wait_indirect_dma semaphore(%arg18 : memref<!tpu.dma_semaphore, #tpu.memory_space<semaphore_mem>>) src(%dma_wait3A_89 : memref<10240x128xf32, #tpu.memory_space<hbm>>) dst(%arg13 : memref<128x128xf32, #tpu.memory_space<vmem>>)
      "tpu.region"() ({
        %run_scoped3A = tpu.sem_alloc : memref<!tpu.dma_semaphore, #tpu.memory_space<semaphore_mem>>
        %dma_start3A_90 = arith.constant 0 : i32
        %dma_start3A_91 = arith.constant 0 : i32
        %dma_start3A_92 = tpu.memref_slice %arg7[%dma_start3A_90, %dma_start3A_91] : memref<10240x128xf32, #tpu.memory_space<vmem_shared>> -> memref<10240x128xf32, #tpu.memory_space<vmem_shared>>
        tpu.enqueue_indirect_dma source(%arg13 : memref<128x128xf32, #tpu.memory_space<vmem>>) target(%dma_start3A_92 : memref<10240x128xf32, #tpu.memory_space<vmem_shared>>) offsets(%arg11 : memref<128xi32, #tpu.memory_space<vmem>>) semaphore(%run_scoped3A : memref<!tpu.dma_semaphore, #tpu.memory_space<semaphore_mem>>) {add = true}
        %dma_wait3A_93 = arith.constant 0 : i32
        %dma_wait3A_94 = arith.constant 0 : i32
        %dma_wait3A_95 = tpu.memref_slice %arg7[%dma_wait3A_93, %dma_wait3A_94] : memref<10240x128xf32, #tpu.memory_space<vmem_shared>> -> memref<10240x128xf32, #tpu.memory_space<vmem_shared>>
        tpu.wait_indirect_dma semaphore(%run_scoped3A : memref<!tpu.dma_semaphore, #tpu.memory_space<semaphore_mem>>) src(%arg13 : memref<128x128xf32, #tpu.memory_space<vmem>>) dst(%dma_wait3A_95 : memref<10240x128xf32, #tpu.memory_space<vmem_shared>>)
        tpu.yield
      }) : () -> ()
    }
    %scan3A_13 = arith.constant 40 : i32
    %barrier3A_14 = arith.constant 0 : index
    tpu.barrier barrier_id(%barrier3A_14)
    %scan3A_15 = arith.constant 0 : i32
    %scan3A_16 = arith.constant 0 : i32
    %scan3A_17 = arith.constant 5 : i32
    %scan3A_18 = arith.addi %scan3A_16, %scan3A_17 : i32
    %scan3A_19 = arith.constant 1 : i32
    scf.for %scan3A_21 = %scan3A_16 to %scan3A_18 step %scan3A_19  : i32 {
      %mul3A_22 = arith.constant 640 : i32
      %mul3A_23 = arith.muli %arg1, %mul3A_22 : i32
      %mul3A_24 = arith.constant 128 : i32
      %mul3A_25 = arith.muli %scan3A_21, %mul3A_24 : i32
      %add3A_26 = arith.addi %mul3A_23, %mul3A_25 : i32
      "tpu.region"() ({
        %run_scoped3A = tpu.sem_alloc : memref<!tpu.dma_semaphore, #tpu.memory_space<semaphore_mem>>
        %dma_start3A = arith.constant 0 : i32
        %dma_start3A_30 = tpu.memref_slice %arg7[%add3A_26, %dma_start3A] : memref<10240x128xf32, #tpu.memory_space<vmem_shared>> -> memref<128x128xf32, #tpu.memory_space<vmem_shared>>
        %dma_start3A_31 = arith.constant 0 : i32
        %dma_start3A_32 = tpu.memref_slice %arg7[%add3A_26, %dma_start3A_31] : memref<10240x128xf32, #tpu.memory_space<vmem_shared>> -> memref<128x128xf32, #tpu.memory_space<vmem_shared>>
        tpu.enqueue_dma source(%dma_start3A_32 : memref<128x128xf32, #tpu.memory_space<vmem_shared>>) target(%arg12 : memref<128x128xf32, #tpu.memory_space<vmem>>) target_semaphore(%run_scoped3A : memref<!tpu.dma_semaphore, #tpu.memory_space<semaphore_mem>>)
        %dma_wait3A = arith.constant 0 : i32
        %dma_wait3A_33 = tpu.memref_slice %arg7[%add3A_26, %dma_wait3A] : memref<10240x128xf32, #tpu.memory_space<vmem_shared>> -> memref<128x128xf32, #tpu.memory_space<vmem_shared>>
        %dma_wait3A_34 = arith.constant 0 : i32
        %dma_wait3A_35 = tpu.memref_slice %arg7[%add3A_26, %dma_wait3A_34] : memref<10240x128xf32, #tpu.memory_space<vmem_shared>> -> memref<128x128xf32, #tpu.memory_space<vmem_shared>>
        tpu.wait_dma2 semaphore(%run_scoped3A : memref<!tpu.dma_semaphore, #tpu.memory_space<semaphore_mem>>) src(%dma_wait3A_35 : memref<128x128xf32, #tpu.memory_space<vmem_shared>>) dst(%arg12 : memref<128x128xf32, #tpu.memory_space<vmem>>)
        tpu.yield
      }) : () -> ()
      %mul3A_27 = arith.constant 10240 : i32
      %mul3A_28 = arith.muli %arg0, %mul3A_27 : i32
      %add3A_29 = arith.addi %mul3A_28, %add3A_26 : i32
      "tpu.region"() ({
        %run_scoped3A = tpu.sem_alloc : memref<!tpu.dma_semaphore, #tpu.memory_space<semaphore_mem>>
        %dma_start3A = arith.constant 0 : i32
        %dma_start3A_30 = tpu.memref_slice %arg6[%add3A_29, %dma_start3A] : memref<20480x128xf32, #tpu.memory_space<hbm>> -> memref<128x128xf32, #tpu.memory_space<hbm>>
        %dma_start3A_31 = arith.constant 0 : i32
        %dma_start3A_32 = tpu.memref_slice %arg6[%add3A_29, %dma_start3A_31] : memref<20480x128xf32, #tpu.memory_space<hbm>> -> memref<128x128xf32, #tpu.memory_space<hbm>>
        tpu.enqueue_dma source(%arg12 : memref<128x128xf32, #tpu.memory_space<vmem>>) target(%dma_start3A_32 : memref<128x128xf32, #tpu.memory_space<hbm>>) target_semaphore(%run_scoped3A : memref<!tpu.dma_semaphore, #tpu.memory_space<semaphore_mem>>)
        %dma_wait3A = arith.constant 0 : i32
        %dma_wait3A_33 = tpu.memref_slice %arg6[%add3A_29, %dma_wait3A] : memref<20480x128xf32, #tpu.memory_space<hbm>> -> memref<128x128xf32, #tpu.memory_space<hbm>>
        %dma_wait3A_34 = arith.constant 0 : i32
        %dma_wait3A_35 = tpu.memref_slice %arg6[%add3A_29, %dma_wait3A_34] : memref<20480x128xf32, #tpu.memory_space<hbm>> -> memref<128x128xf32, #tpu.memory_space<hbm>>
        tpu.wait_dma2 semaphore(%run_scoped3A : memref<!tpu.dma_semaphore, #tpu.memory_space<semaphore_mem>>) src(%arg12 : memref<128x128xf32, #tpu.memory_space<vmem>>) dst(%dma_wait3A_35 : memref<128x128xf32, #tpu.memory_space<hbm>>)
        tpu.yield
      }) : () -> ()
    }
    %scan3A_20 = arith.constant 5 : i32
    return
  }
}

module attributes {stable_mosaic.version = 14 : i64} {
  func.func @body(%arg0: i32, %arg1: memref<1024x128xf32, #tpu.memory_space<vmem>>, %arg2: memref<1024x128xf32, #tpu.memory_space<vmem>>, %arg3: memref<1024x128xf32, #tpu.memory_space<vmem>>, %arg4: memref<1024x128xf32, #tpu.memory_space<vmem>>) attributes {dimension_semantics = [#tpu.dimension_semantics<arbitrary>], iteration_bounds = array<i64: 10>, scalar_prefetch = 0 : i64, scratch_operands = 0 : i64, tpu.core_type = #tpu.core_type<tc>, window_params = [{transform_indices = @transform_0, window_bounds = array<i64: 1024, 128>}, {transform_indices = @transform_1, window_bounds = array<i64: 1024, 128>}, {transform_indices = @transform_2, window_bounds = array<i64: 1024, 128>}, {transform_indices = @transform_3, window_bounds = array<i64: 1024, 128>}]} {
    %get3A = arith.constant 0 : index
    %get3A_0 = arith.constant 0 : index
    %get3A_1 = vector.load %arg3[%get3A, %get3A_0] : memref<1024x128xf32, #tpu.memory_space<vmem>>, vector<1024x128xf32>
    %get3A_2 = arith.constant 0 : index
    %get3A_3 = arith.constant 0 : index
    %get3A_4 = vector.load %arg1[%get3A_2, %get3A_3] : memref<1024x128xf32, #tpu.memory_space<vmem>>, vector<1024x128xf32>
    %get3A_5 = arith.constant 0 : index
    %get3A_6 = arith.constant 0 : index
    %get3A_7 = vector.load %arg2[%get3A_5, %get3A_6] : memref<1024x128xf32, #tpu.memory_space<vmem>>, vector<1024x128xf32>
    %slice3A = vector.extract_strided_slice %get3A_4 {offsets = [0, 0], sizes = [1024, 1], strides = [1, 1]} : vector<1024x128xf32> to vector<1024x1xf32>
    %slice3A_8 = vector.extract_strided_slice %get3A_7 {offsets = [0, 0], sizes = [1024, 1], strides = [1, 1]} : vector<1024x128xf32> to vector<1024x1xf32>
    %add3A = arith.addf %slice3A, %slice3A_8 : vector<1024x1xf32>
    %gt3A = arith.constant 0.000000e+00 : f32
    %gt3A_9 = vector.broadcast %gt3A : f32 to vector<1024x1xf32>
    %gt3A_10 = arith.cmpf ogt, %add3A, %gt3A_9 : vector<1024x1xf32>
    %rsqrt3A = math.rsqrt %add3A : vector<1024x1xf32>
    %jit3A = arith.constant 0.000000e+00 : f32
    %broadcast_in_dim3A = vector.broadcast %jit3A : f32 to vector<1024x1xf32>
    %select_n3A = arith.select %gt3A_10, %rsqrt3A, %broadcast_in_dim3A : vector<1024x1xi1>, vector<1024x1xf32>
    %mul3A = vector.broadcast %select_n3A : vector<1024x1xf32> to vector<1024x128xf32>
    %mul3A_11 = arith.mulf %get3A_1, %mul3A : vector<1024x128xf32>
    %swap3A = arith.constant 0 : index
    %swap3A_12 = arith.constant 0 : index
    %swap3A_13 = vector.load %arg4[%swap3A, %swap3A_12] : memref<1024x128xf32, #tpu.memory_space<vmem>>, vector<1024x128xf32>
    tpu.vector_store %arg4[%swap3A, %swap3A_12], %mul3A_11 {strides = array<i32>} : memref<1024x128xf32, #tpu.memory_space<vmem>>, vector<1024x128xf32>,
    return
  }
  func.func @transform_0(%arg0: i32) -> (i32, i32) {
    %c0_i32 = arith.constant 0 : i32
    %c0_i32_0 = arith.constant 0 : i32
    return %arg0, %c0_i32 : i32, i32
  }
  func.func @transform_1(%arg0: i32) -> (i32, i32) {
    %add3A = arith.constant 10 : i32
    %add3A_0 = arith.addi %add3A, %arg0 : i32
    %c0_i32 = arith.constant 0 : i32
    %c0_i32_1 = arith.constant 0 : i32
    return %add3A_0, %c0_i32 : i32, i32
  }
  func.func @transform_2(%arg0: i32) -> (i32, i32) {
    %c0_i32 = arith.constant 0 : i32
    %c0_i32_0 = arith.constant 0 : i32
    return %arg0, %c0_i32 : i32, i32
  }
  func.func @transform_3(%arg0: i32) -> (i32, i32) {
    %c0_i32 = arith.constant 0 : i32
    %c0_i32_0 = arith.constant 0 : i32
    return %arg0, %c0_i32 : i32, i32
  }
}

module attributes {stable_mosaic.version = 14 : i64} {
  func.func @body(%arg0: i32, %arg1: i32, %arg2: memref<1024x128xf32, #tpu.memory_space<vmem>>, %arg3: memref<1024x128xf32, #tpu.memory_space<vmem>>, %arg4: memref<1024x128xf32, #tpu.memory_space<vmem>>, %arg5: memref<1024x128xf32, #tpu.memory_space<vmem>>, %arg6: memref<128x128xf32, #tpu.memory_space<vmem>>, %arg7: memref<2x128xf32, #tpu.memory_space<vmem>>, %arg8: memref<1024x128xf32, #tpu.memory_space<vmem>>) attributes {dimension_semantics = [#tpu.dimension_semantics<arbitrary>, #tpu.dimension_semantics<arbitrary>], iteration_bounds = array<i64: 10, 2>, scalar_prefetch = 0 : i64, scratch_operands = 0 : i64, tpu.core_type = #tpu.core_type<tc>, window_params = [{transform_indices = @transform_0, window_bounds = array<i64: 1024, 128>}, {transform_indices = @transform_1, window_bounds = array<i64: 1024, 128>}, {transform_indices = @transform_2, window_bounds = array<i64: 1024, 128>}, {transform_indices = @transform_3, window_bounds = array<i64: 1024, 128>}, {transform_indices = @transform_4, window_bounds = array<i64: 128, 128>}, {pipeline_mode = #tpu.pipeline_mode<synchronous>, transform_indices = @transform_5, window_bounds = array<i64: 2, 128>}, {transform_indices = @transform_6, window_bounds = array<i64: 1024, 128>}]} {
    %get3A = arith.constant 0 : index
    %get3A_0 = arith.constant 0 : index
    %get3A_1 = vector.load %arg2[%get3A, %get3A_0] : memref<1024x128xf32, #tpu.memory_space<vmem>>, vector<1024x128xf32>
    %get3A_2 = arith.constant 0 : index
    %get3A_3 = arith.constant 0 : index
    %get3A_4 = vector.load %arg3[%get3A_2, %get3A_3] : memref<1024x128xf32, #tpu.memory_space<vmem>>, vector<1024x128xf32>
    %slice3A = vector.extract_strided_slice %get3A_1 {offsets = [0, 0], sizes = [1024, 1], strides = [1, 1]} : vector<1024x128xf32> to vector<1024x1xf32>
    %slice3A_5 = vector.extract_strided_slice %get3A_4 {offsets = [0, 0], sizes = [1024, 1], strides = [1, 1]} : vector<1024x128xf32> to vector<1024x1xf32>
    %add3A = arith.addf %slice3A, %slice3A_5 : vector<1024x1xf32>
    %gt3A = arith.constant 0.000000e+00 : f32
    %gt3A_6 = vector.broadcast %gt3A : f32 to vector<1024x1xf32>
    %gt3A_7 = arith.cmpf ogt, %add3A, %gt3A_6 : vector<1024x1xf32>
    %rsqrt3A = math.rsqrt %add3A : vector<1024x1xf32>
    %jit3A = arith.constant 0.000000e+00 : f32
    %broadcast_in_dim3A = vector.broadcast %jit3A : f32 to vector<1024x1xf32>
    %select_n3A = arith.select %gt3A_7, %rsqrt3A, %broadcast_in_dim3A : vector<1024x1xi1>, vector<1024x1xf32>
    %get3A_8 = arith.constant 0 : index
    %get3A_9 = arith.constant 0 : index
    %get3A_10 = vector.load %arg4[%get3A_8, %get3A_9] : memref<1024x128xf32, #tpu.memory_space<vmem>>, vector<1024x128xf32>
    %get3A_11 = arith.constant 0 : index
    %get3A_12 = arith.constant 0 : index
    %get3A_13 = vector.load %arg5[%get3A_11, %get3A_12] : memref<1024x128xf32, #tpu.memory_space<vmem>>, vector<1024x128xf32>
    %add3A_14 = arith.addf %get3A_10, %get3A_13 : vector<1024x128xf32>
    %mul3A = vector.broadcast %select_n3A : vector<1024x1xf32> to vector<1024x128xf32>
    %mul3A_15 = arith.mulf %add3A_14, %mul3A : vector<1024x128xf32>
    %get3A_16 = arith.constant 0 : index
    %get3A_17 = arith.constant 0 : index
    %get3A_18 = vector.load %arg6[%get3A_16, %get3A_17] : memref<128x128xf32, #tpu.memory_space<vmem>>, vector<128x128xf32>
    %dot_general3A = arith.constant dense<0.000000e+00> : vector<1024x128xf32>
    %dot_general3A_19 = tpu.matmul %mul3A_15, %get3A_18, %dot_general3A {dimension_numbers = #tpu.dot_dimension_numbers<[1], [1], [0], [0], [0, 0, 1, 0], [], []>, transpose_lhs_hint = false} : vector<1024x128xf32>, vector<128x128xf32>, vector<1024x128xf32> -> vector<1024x128xf32>
    %get3A_20 = arith.index_cast %arg1 : i32 to index
    %get3A_21 = arith.constant 0 : index
    %get3A_22 = vector.load %arg7[%get3A_20, %get3A_21] : memref<2x128xf32, #tpu.memory_space<vmem>>, vector<1x128xf32>
    %add3A_23 = vector.broadcast %get3A_22 : vector<1x128xf32> to vector<1024x128xf32>
    %add3A_24 = arith.addf %dot_general3A_19, %add3A_23 : vector<1024x128xf32>
    %max3A = arith.constant 0.000000e+00 : f32
    %max3A_25 = vector.broadcast %max3A : f32 to vector<1024x128xf32>
    %max3A_26 = arith.maximumf %add3A_24, %max3A_25 : vector<1024x128xf32>
    %mul3A_27 = vector.broadcast %select_n3A : vector<1024x1xf32> to vector<1024x128xf32>
    %mul3A_28 = arith.mulf %max3A_26, %mul3A_27 : vector<1024x128xf32>
    %swap3A = arith.constant 0 : index
    %swap3A_29 = arith.constant 0 : index
    %swap3A_30 = vector.load %arg8[%swap3A, %swap3A_29] : memref<1024x128xf32, #tpu.memory_space<vmem>>, vector<1024x128xf32>
    tpu.vector_store %arg8[%swap3A, %swap3A_29], %mul3A_28 {strides = array<i32>} : memref<1024x128xf32, #tpu.memory_space<vmem>>, vector<1024x128xf32>,
    return
  }
  func.func @transform_0(%arg0: i32, %arg1: i32) -> (i32, i32) {
    %c0_i32 = arith.constant 0 : i32
    %c0_i32_0 = arith.constant 0 : i32
    return %arg0, %c0_i32 : i32, i32
  }
  func.func @transform_1(%arg0: i32, %arg1: i32) -> (i32, i32) {
    %add3A = arith.constant 10 : i32
    %add3A_0 = arith.addi %add3A, %arg0 : i32
    %c0_i32 = arith.constant 0 : i32
    %c0_i32_1 = arith.constant 0 : i32
    return %add3A_0, %c0_i32 : i32, i32
  }
  func.func @transform_2(%arg0: i32, %arg1: i32) -> (i32, i32) {
    %c0_i32 = arith.constant 0 : i32
    %c0_i32_0 = arith.constant 0 : i32
    return %arg0, %c0_i32 : i32, i32
  }
  func.func @transform_3(%arg0: i32, %arg1: i32) -> (i32, i32) {
    %add3A = arith.constant 10 : i32
    %add3A_0 = arith.addi %add3A, %arg0 : i32
    %c0_i32 = arith.constant 0 : i32
    %c0_i32_1 = arith.constant 0 : i32
    return %add3A_0, %c0_i32 : i32, i32
  }
  func.func @transform_4(%arg0: i32, %arg1: i32) -> (i32, i32) {
    %c0_i32 = arith.constant 0 : i32
    %c0_i32_0 = arith.constant 0 : i32
    return %arg1, %c0_i32 : i32, i32
  }
  func.func @transform_5(%arg0: i32, %arg1: i32) -> (i32, i32) {
    %c0_i32 = arith.constant 0 : i32
    %c0_i32_0 = arith.constant 0 : i32
    %c0_i32_1 = arith.constant 0 : i32
    return %c0_i32, %c0_i32_0 : i32, i32
  }
  func.func @transform_6(%arg0: i32, %arg1: i32) -> (i32, i32) {
    %mul3A = arith.constant 10 : i32
    %mul3A_0 = arith.muli %arg1, %mul3A : i32
    %add3A = arith.addi %mul3A_0, %arg0 : i32
    %c0_i32 = arith.constant 0 : i32
    %c0_i32_1 = arith.constant 0 : i32
    return %add3A, %c0_i32 : i32, i32
  }
}

module attributes {stable_mosaic.version = 14 : i64} {
  func.func @body(%arg0: i32, %arg1: memref<1024x128xf32, #tpu.memory_space<vmem>>, %arg2: memref<1024x128xf32, #tpu.memory_space<vmem>>, %arg3: memref<1024x128xf32, #tpu.memory_space<vmem>>, %arg4: memref<1024x128xf32, #tpu.memory_space<vmem>>, %arg5: memref<256x256xf32, #tpu.memory_space<vmem>>, %arg6: memref<1x256xf32, #tpu.memory_space<vmem>>, %arg7: memref<128x256xf32, #tpu.memory_space<vmem>>, %arg8: memref<1024x128xf32, #tpu.memory_space<vmem>>) attributes {dimension_semantics = [#tpu.dimension_semantics<arbitrary>], iteration_bounds = array<i64: 10>, scalar_prefetch = 0 : i64, scratch_operands = 0 : i64, tpu.core_type = #tpu.core_type<tc>, window_params = [{transform_indices = @transform_0, window_bounds = array<i64: 1024, 128>}, {transform_indices = @transform_1, window_bounds = array<i64: 1024, 128>}, {transform_indices = @transform_2, window_bounds = array<i64: 1024, 128>}, {transform_indices = @transform_3, window_bounds = array<i64: 1024, 128>}, {pipeline_mode = #tpu.pipeline_mode<synchronous>, transform_indices = @transform_4, window_bounds = array<i64: 256, 256>}, {pipeline_mode = #tpu.pipeline_mode<synchronous>, transform_indices = @transform_5, window_bounds = array<i64: 1, 256>}, {pipeline_mode = #tpu.pipeline_mode<synchronous>, transform_indices = @transform_6, window_bounds = array<i64: 128, 256>}, {transform_indices = @transform_7, window_bounds = array<i64: 1024, 128>}]} {
    %get3A = arith.constant 0 : index
    %get3A_0 = arith.constant 0 : index
    %get3A_1 = vector.load %arg1[%get3A, %get3A_0] : memref<1024x128xf32, #tpu.memory_space<vmem>>, vector<1024x128xf32>
    %get3A_2 = arith.constant 0 : index
    %get3A_3 = arith.constant 0 : index
    %get3A_4 = vector.load %arg2[%get3A_2, %get3A_3] : memref<1024x128xf32, #tpu.memory_space<vmem>>, vector<1024x128xf32>
    %slice3A = vector.extract_strided_slice %get3A_1 {offsets = [0, 0], sizes = [1024, 1], strides = [1, 1]} : vector<1024x128xf32> to vector<1024x1xf32>
    %slice3A_5 = vector.extract_strided_slice %get3A_4 {offsets = [0, 0], sizes = [1024, 1], strides = [1, 1]} : vector<1024x128xf32> to vector<1024x1xf32>
    %add3A = arith.addf %slice3A, %slice3A_5 : vector<1024x1xf32>
    %gt3A = arith.constant 0.000000e+00 : f32
    %gt3A_6 = vector.broadcast %gt3A : f32 to vector<1024x1xf32>
    %gt3A_7 = arith.cmpf ogt, %add3A, %gt3A_6 : vector<1024x1xf32>
    %rsqrt3A = math.rsqrt %add3A : vector<1024x1xf32>
    %jit3A = arith.constant 0.000000e+00 : f32
    %broadcast_in_dim3A = vector.broadcast %jit3A : f32 to vector<1024x1xf32>
    %select_n3A = arith.select %gt3A_7, %rsqrt3A, %broadcast_in_dim3A : vector<1024x1xi1>, vector<1024x1xf32>
    %get3A_8 = arith.constant 0 : index
    %get3A_9 = arith.constant 0 : index
    %get3A_10 = vector.load %arg3[%get3A_8, %get3A_9] : memref<1024x128xf32, #tpu.memory_space<vmem>>, vector<1024x128xf32>
    %mul3A = vector.broadcast %select_n3A : vector<1024x1xf32> to vector<1024x128xf32>
    %mul3A_11 = arith.mulf %get3A_10, %mul3A : vector<1024x128xf32>
    %get3A_12 = arith.constant 0 : index
    %get3A_13 = arith.constant 0 : index
    %get3A_14 = vector.load %arg4[%get3A_12, %get3A_13] : memref<1024x128xf32, #tpu.memory_space<vmem>>, vector<1024x128xf32>
    %mul3A_15 = vector.broadcast %select_n3A : vector<1024x1xf32> to vector<1024x128xf32>
    %mul3A_16 = arith.mulf %get3A_14, %mul3A_15 : vector<1024x128xf32>
    %get3A_17 = arith.constant 0 : index
    %get3A_18 = arith.constant 0 : index
    %get3A_19 = vector.load %arg5[%get3A_17, %get3A_18] : memref<256x256xf32, #tpu.memory_space<vmem>>, vector<256x128xf32>
    %dot_general3A = arith.constant dense<0.000000e+00> : vector<1024x256xf32>
    %dot_general3A_20 = tpu.matmul %mul3A_11, %get3A_19, %dot_general3A {dimension_numbers = #tpu.dot_dimension_numbers<[1], [1], [0], [0], [0, 0, 1, 0], [], []>, transpose_lhs_hint = false} : vector<1024x128xf32>, vector<256x128xf32>, vector<1024x256xf32> -> vector<1024x256xf32>
    %get3A_21 = arith.constant 0 : index
    %get3A_22 = arith.constant 128 : index
    %get3A_23 = vector.load %arg5[%get3A_21, %get3A_22] : memref<256x256xf32, #tpu.memory_space<vmem>>, vector<256x128xf32>
    %dot_general3A_24 = arith.constant dense<0.000000e+00> : vector<1024x256xf32>
    %dot_general3A_25 = tpu.matmul %mul3A_16, %get3A_23, %dot_general3A_24 {dimension_numbers = #tpu.dot_dimension_numbers<[1], [1], [0], [0], [0, 0, 1, 0], [], []>, transpose_lhs_hint = false} : vector<1024x128xf32>, vector<256x128xf32>, vector<1024x256xf32> -> vector<1024x256xf32>
    %add3A_26 = arith.addf %dot_general3A_20, %dot_general3A_25 : vector<1024x256xf32>
    %get3A_27 = arith.constant 0 : index
    %get3A_28 = arith.constant 0 : index
    %get3A_29 = vector.load %arg6[%get3A_27, %get3A_28] : memref<1x256xf32, #tpu.memory_space<vmem>>, vector<1x256xf32>
    %sub3A = vector.broadcast %get3A_29 : vector<1x256xf32> to vector<1024x256xf32>
    %sub3A_30 = arith.subf %sub3A, %add3A_26 : vector<1024x256xf32>
    %max3A = arith.constant 0.000000e+00 : f32
    %max3A_31 = vector.broadcast %max3A : f32 to vector<1024x256xf32>
    %max3A_32 = arith.maximumf %sub3A_30, %max3A_31 : vector<1024x256xf32>
    %get3A_33 = arith.constant 0 : index
    %get3A_34 = arith.constant 0 : index
    %get3A_35 = vector.load %arg7[%get3A_33, %get3A_34] : memref<128x256xf32, #tpu.memory_space<vmem>>, vector<128x256xf32>
    %dot_general3A_36 = arith.constant dense<0.000000e+00> : vector<1024x128xf32>
    %dot_general3A_37 = tpu.matmul %max3A_32, %get3A_35, %dot_general3A_36 {dimension_numbers = #tpu.dot_dimension_numbers<[1], [1], [0], [0], [0, 0, 1, 0], [], []>, transpose_lhs_hint = false} : vector<1024x256xf32>, vector<128x256xf32>, vector<1024x128xf32> -> vector<1024x128xf32>
    %mul3A_38 = vector.broadcast %select_n3A : vector<1024x1xf32> to vector<1024x128xf32>
    %mul3A_39 = arith.mulf %dot_general3A_37, %mul3A_38 : vector<1024x128xf32>
    %swap3A = arith.constant 0 : index
    %swap3A_40 = arith.constant 0 : index
    %swap3A_41 = vector.load %arg8[%swap3A, %swap3A_40] : memref<1024x128xf32, #tpu.memory_space<vmem>>, vector<1024x128xf32>
    tpu.vector_store %arg8[%swap3A, %swap3A_40], %mul3A_39 {strides = array<i32>} : memref<1024x128xf32, #tpu.memory_space<vmem>>, vector<1024x128xf32>,
    return
  }
  func.func @transform_0(%arg0: i32) -> (i32, i32) {
    %c0_i32 = arith.constant 0 : i32
    %c0_i32_0 = arith.constant 0 : i32
    return %arg0, %c0_i32 : i32, i32
  }
  func.func @transform_1(%arg0: i32) -> (i32, i32) {
    %add3A = arith.constant 10 : i32
    %add3A_0 = arith.addi %add3A, %arg0 : i32
    %c0_i32 = arith.constant 0 : i32
    %c0_i32_1 = arith.constant 0 : i32
    return %add3A_0, %c0_i32 : i32, i32
  }
  func.func @transform_2(%arg0: i32) -> (i32, i32) {
    %c0_i32 = arith.constant 0 : i32
    %c0_i32_0 = arith.constant 0 : i32
    return %arg0, %c0_i32 : i32, i32
  }
  func.func @transform_3(%arg0: i32) -> (i32, i32) {
    %add3A = arith.constant 10 : i32
    %add3A_0 = arith.addi %add3A, %arg0 : i32
    %c0_i32 = arith.constant 0 : i32
    %c0_i32_1 = arith.constant 0 : i32
    return %add3A_0, %c0_i32 : i32, i32
  }
  func.func @transform_4(%arg0: i32) -> (i32, i32) {
    %c0_i32 = arith.constant 0 : i32
    %c0_i32_0 = arith.constant 0 : i32
    %c0_i32_1 = arith.constant 0 : i32
    return %c0_i32, %c0_i32_0 : i32, i32
  }
  func.func @transform_5(%arg0: i32) -> (i32, i32) {
    %c0_i32 = arith.constant 0 : i32
    %c0_i32_0 = arith.constant 0 : i32
    %c0_i32_1 = arith.constant 0 : i32
    return %c0_i32, %c0_i32_0 : i32, i32
  }
  func.func @transform_6(%arg0: i32) -> (i32, i32) {
    %c0_i32 = arith.constant 0 : i32
    %c0_i32_0 = arith.constant 0 : i32
    %c0_i32_1 = arith.constant 0 : i32
    return %c0_i32, %c0_i32_0 : i32, i32
  }
  func.func @transform_7(%arg0: i32) -> (i32, i32) {
    %c0_i32 = arith.constant 0 : i32
    %c0_i32_0 = arith.constant 0 : i32
    return %arg0, %c0_i32 : i32, i32
  }
}

module attributes {stable_mosaic.version = 14 : i64} {
  func.func @body(%arg0: i32, %arg1: memref<1024x128xf32, #tpu.memory_space<vmem>>, %arg2: memref<1024x128xf32, #tpu.memory_space<vmem>>, %arg3: memref<1024x128xf32, #tpu.memory_space<vmem>>, %arg4: memref<1024x128xf32, #tpu.memory_space<vmem>>, %arg5: memref<1x128xf32, #tpu.memory_space<vmem>>, %arg6: memref<1024x128xf32, #tpu.memory_space<vmem>>) attributes {dimension_semantics = [#tpu.dimension_semantics<arbitrary>], iteration_bounds = array<i64: 10>, scalar_prefetch = 0 : i64, scratch_operands = 0 : i64, tpu.core_type = #tpu.core_type<tc>, window_params = [{transform_indices = @transform_0, window_bounds = array<i64: 1024, 128>}, {transform_indices = @transform_1, window_bounds = array<i64: 1024, 128>}, {transform_indices = @transform_2, window_bounds = array<i64: 1024, 128>}, {transform_indices = @transform_3, window_bounds = array<i64: 1024, 128>}, {pipeline_mode = #tpu.pipeline_mode<synchronous>, transform_indices = @transform_4, window_bounds = array<i64: 1, 128>}, {transform_indices = @transform_5, window_bounds = array<i64: 1024, 128>}]} {
    %get3A = arith.constant 0 : index
    %get3A_0 = arith.constant 0 : index
    %get3A_1 = vector.load %arg1[%get3A, %get3A_0] : memref<1024x128xf32, #tpu.memory_space<vmem>>, vector<1024x128xf32>
    %get3A_2 = arith.constant 0 : index
    %get3A_3 = arith.constant 0 : index
    %get3A_4 = vector.load %arg2[%get3A_2, %get3A_3] : memref<1024x128xf32, #tpu.memory_space<vmem>>, vector<1024x128xf32>
    %slice3A = vector.extract_strided_slice %get3A_1 {offsets = [0, 0], sizes = [1024, 1], strides = [1, 1]} : vector<1024x128xf32> to vector<1024x1xf32>
    %slice3A_5 = vector.extract_strided_slice %get3A_4 {offsets = [0, 0], sizes = [1024, 1], strides = [1, 1]} : vector<1024x128xf32> to vector<1024x1xf32>
    %add3A = arith.addf %slice3A, %slice3A_5 : vector<1024x1xf32>
    %gt3A = arith.constant 0.000000e+00 : f32
    %gt3A_6 = vector.broadcast %gt3A : f32 to vector<1024x1xf32>
    %gt3A_7 = arith.cmpf ogt, %add3A, %gt3A_6 : vector<1024x1xf32>
    %rsqrt3A = math.rsqrt %add3A : vector<1024x1xf32>
    %jit3A = arith.constant 0.000000e+00 : f32
    %broadcast_in_dim3A = vector.broadcast %jit3A : f32 to vector<1024x1xf32>
    %select_n3A = arith.select %gt3A_7, %rsqrt3A, %broadcast_in_dim3A : vector<1024x1xi1>, vector<1024x1xf32>
    %get3A_8 = arith.constant 0 : index
    %get3A_9 = arith.constant 0 : index
    %get3A_10 = vector.load %arg3[%get3A_8, %get3A_9] : memref<1024x128xf32, #tpu.memory_space<vmem>>, vector<1024x128xf32>
    %get3A_11 = arith.constant 0 : index
    %get3A_12 = arith.constant 0 : index
    %get3A_13 = vector.load %arg4[%get3A_11, %get3A_12] : memref<1024x128xf32, #tpu.memory_space<vmem>>, vector<1024x128xf32>
    %add3A_14 = arith.addf %get3A_10, %get3A_13 : vector<1024x128xf32>
    %mul3A = vector.broadcast %select_n3A : vector<1024x1xf32> to vector<1024x128xf32>
    %mul3A_15 = arith.mulf %add3A_14, %mul3A : vector<1024x128xf32>
    %get3A_16 = arith.constant 0 : index
    %get3A_17 = arith.constant 0 : index
    %get3A_18 = vector.load %arg5[%get3A_16, %get3A_17] : memref<1x128xf32, #tpu.memory_space<vmem>>, vector<1x128xf32>
    %add3A_19 = vector.broadcast %get3A_18 : vector<1x128xf32> to vector<1024x128xf32>
    %add3A_20 = arith.addf %mul3A_15, %add3A_19 : vector<1024x128xf32>
    %swap3A = arith.constant 0 : index
    %swap3A_21 = arith.constant 0 : index
    %swap3A_22 = vector.load %arg6[%swap3A, %swap3A_21] : memref<1024x128xf32, #tpu.memory_space<vmem>>, vector<1024x128xf32>
    tpu.vector_store %arg6[%swap3A, %swap3A_21], %add3A_20 {strides = array<i32>} : memref<1024x128xf32, #tpu.memory_space<vmem>>, vector<1024x128xf32>,
    return
  }
  func.func @transform_0(%arg0: i32) -> (i32, i32) {
    %c0_i32 = arith.constant 0 : i32
    %c0_i32_0 = arith.constant 0 : i32
    return %arg0, %c0_i32 : i32, i32
  }
  func.func @transform_1(%arg0: i32) -> (i32, i32) {
    %add3A = arith.constant 10 : i32
    %add3A_0 = arith.addi %add3A, %arg0 : i32
    %c0_i32 = arith.constant 0 : i32
    %c0_i32_1 = arith.constant 0 : i32
    return %add3A_0, %c0_i32 : i32, i32
  }
  func.func @transform_2(%arg0: i32) -> (i32, i32) {
    %c0_i32 = arith.constant 0 : i32
    %c0_i32_0 = arith.constant 0 : i32
    return %arg0, %c0_i32 : i32, i32
  }
  func.func @transform_3(%arg0: i32) -> (i32, i32) {
    %add3A = arith.constant 10 : i32
    %add3A_0 = arith.addi %add3A, %arg0 : i32
    %c0_i32 = arith.constant 0 : i32
    %c0_i32_1 = arith.constant 0 : i32
    return %add3A_0, %c0_i32 : i32, i32
  }
  func.func @transform_4(%arg0: i32) -> (i32, i32) {
    %c0_i32 = arith.constant 0 : i32
    %c0_i32_0 = arith.constant 0 : i32
    %c0_i32_1 = arith.constant 0 : i32
    return %c0_i32, %c0_i32_0 : i32, i32
  }
  func.func @transform_5(%arg0: i32) -> (i32, i32) {
    %c0_i32 = arith.constant 0 : i32
    %c0_i32_0 = arith.constant 0 : i32
    return %arg0, %c0_i32 : i32, i32
  }
}

</mosaic_0001>

<sc_bundles>
// kernel: kernel.10.cloned.1.call-start
scs
__scs_entry_jumppad:
0x0: {  	(pc) =	sbr.rel $0x88, $3  }
0x1: {  	(tag) =	ssettag $0x0;
	lr =	simm.s32 $0x1  }
0x2: {  	[smem:$0x3F99] =	sst lr;
	_ =	strace $0xD0000000  }
0x3: {  	_ = 	snop  }
0x4: {  	_ = 	snop  }
0x5: {  	_ = 	snop  }
0x6: {  	_ = 	snop  }
0x7: {  	_ = 	snop  }
__scs_overlays_trampoline_lowered:
0x8: {  	[smem:$0x3FA8] =	sst s0  }
0x9: {  	[smem:$0x3FA9] =	sst s1  }
0xa: {  	[smem:$0x3FAA] =	sst s2  }
0xb: {  	[smem:$0x3FAB] =	sst s3  }
0xc: {  	[smem:$0x3FAC] =	sst s4  }
0xd: {  	[smem:$0x3FAD] =	sst s5  }
0xe: {  	[smem:$0x3FAE] =	sst s6  }
0xf: {  	[smem:$0x3FAF] =	sst s7  }
0x10: {  	[smem:$0x3FB0] =	sst s8  }
0x11: {  	[smem:$0x3FB1] =	sst s9;
	s0 =	simm.s32 @!p0 $0x0  }
0x12: {  	s1 =	sld [smem:$0x3F97];
	s0 =	simm.s32 @p0 $0x1  }
0x13: {  	[smem:$0x3FB2] =	sst s0;
	s0 =	simm.s32 @!p1 $0x0  }
0x14: {  	s2 =	sld [smem:$0x3F96];
	s0 =	simm.s32 @p1 $0x1  }
0x15: {  	[smem:$0x3FB3] =	sst s0;
	s0 =	simm.s32 @!p2 $0x0  }
0x16: {  	s3 =	sld [smem:$0x3FDB];
	s0 =	simm.s32 @p2 $0x1  }
0x17: {  	s4 =	simm.s32 $0x1BF5;
	[smem:$0x3FB5] =	sst s0  }
0x18: {  	s0 =	sld [smem:$0x3F98];
	_ =	swait.ge [sflag:s4], $0x0  }
0x19: {  	s7 =	sld [smem:$0x3F99]  }
0x1a: {  	s8 =	sadd.s32 $0xFFFFE003, lr  }
0x1b: {  	s9 =	sadd.s32 $0xFFFFFEF7, lr;
	s5 =	simm.s32 $0xFFFFFFFF;
	p2 =	slt.u32 s8, $0xFFFFF086  }
0x1c: {  	p1 =	slt.u32 s9, $0xF7A;
	s5 =	simm.s32 @!p2 $0x0  }
0x1d: {  	s5 =	simm.s32 @p1 $0x1;
	p0 =	seq.s32 s7, s2  }
0x1e: {  	s7 =	smul.u32 @!p0 $0xF7A, s2;
	p2 =	seq.s32 @!p0 s5, $0x0  }
0x1f: {  	s9 =	smul.u32 $0xF7A, s1;
	s8 =	simm.s32 @!p0 $0x1BF5;
	p2 =	por !p2, p0  }
0x20: {  	[sflag:s8] =	ssyncset.s32 @!p0 $0xFFFFF086;
	s6 =	sadd.s32 @!p0 s3, s7;
	s7 =	simm.s32 @!p0 $0x108  }
0x21: {  	s3 =	sadd.s32 s3, s9;
	s6 =	sadd.s32 @!p0 $0x88, s6;
	s7 =	simm.s32 @p2 $0x1082  }
0x22: {  	[simem:s7], [sflag:s8] =	dma.local @!p0 [hbm:s6], $0xF7A  }
0x23: {  	s9 =	sor.u32 $0xD0000000, s2;
	s6 =	simm.s32 $0x108;
	_ =	swait.ge @!p0 [sflag:s8], $0x0  }
0x24: {  	s3 =	sadd.s32 $0x88, s3;
	s6 =	simm.s32 @!p1 $0x1082;
	[sflag:s4] =	ssyncset.s32 $0xFFFFF086  }
0x25: {  	[simem:s6], [sflag:s4] =	dma.local [hbm:s3], $0xF7A  }
0x26: {  	[smem:$0x3F99] =	sst s1;
	(tag) =	ssettag s2;
	_ =	strace s9  }
0x27: {  	s1 =	sld [smem:$0x3FA9]  }
0x28: {  	s2 =	sld [smem:$0x3FAA]  }
0x29: {  	s4 =	sld [smem:$0x3FAC]  }
0x2a: {  	p0 =	seq.s32 s5, $0x0;
	s5 =	sld [smem:$0x3FAD]  }
0x2b: {  	s6 =	sld [smem:$0x3FAE]  }
0x2c: {  	s7 =	sld [smem:$0x3FAF]  }
0x2d: {  	s3 =	simm.s32 $0x108;
	s8 =	sld [smem:$0x3FB0]  }
0x2e: {  	s3 =	simm.s32 @!p0 $0x1082;
	s9 =	sld [smem:$0x3FB1]  }
0x2f: {  	lr =	sadd.s32 s0, s3;
	s0 =	sld [smem:$0x3FA8]  }
0x30: {  	s3 =	sld [smem:$0x3FAB]  }
0x31: {  	[smem:$0x3FB4] =	sst s10  }
0x32: {  	s10 =	sld [smem:$0x3FB2];
	_ =	sdelay $0x3  }
0x33: {  	p0 =	seq.s32 s10, $0x1;
	s10 =	sld [smem:$0x3FB4];
	_ =	sdelay $0x3  }
0x34: {  	[smem:$0x3FB4] =	sst s10  }
0x35: {  	s10 =	sld [smem:$0x3FB3];
	_ =	sdelay $0x3  }
0x36: {  	p1 =	seq.s32 s10, $0x1;
	s10 =	sld [smem:$0x3FB4];
	_ =	sdelay $0x3  }
0x37: {  	[smem:$0x3FB4] =	sst s10  }
0x38: {  	s10 =	sld [smem:$0x3FB5]  }
0x39: {  	_ = 	snop;
	(pc) =	sbr.ind lr, $3  }
0x3a: {  	_ = 	snop  }
0x3b: {  	_ = 	snop  }
0x3c: {  	p2 =	seq.s32 s10, $0x1;
	s10 =	sld [smem:$0x3FB4]  }
0x3d: {  	_ =	shalt  }
0x3e: {  	_ =	shalt  }
0x3f: {  	_ =	shalt  }
0x40: {  	_ =	shalt  }
0x41: {  	_ =	shalt  }
0x42: {  	_ =	shalt  }
0x43: {  	_ =	shalt  }
0x44: {  	_ =	shalt  }
0x45: {  	_ =	shalt  }
0x46: {  	_ =	shalt  }
0x47: {  	_ =	shalt  }
0x48: {  	_ =	shalt  }
0x49: {  	_ =	shalt  }
0x4a: {  	_ =	shalt  }
0x4b: {  	_ =	shalt  }
0x4c: {  	_ =	shalt  }
0x4d: {  	_ =	shalt  }
0x4e: {  	_ =	shalt  }
0x4f: {  	_ =	shalt  }
0x50: {  	_ =	shalt  }
0x51: {  	_ =	shalt  }
0x52: {  	_ =	shalt  }
0x53: {  	_ =	shalt  }
0x54: {  	_ =	shalt  }
0x55: {  	_ =	shalt  }
0x56: {  	_ =	shalt  }
0x57: {  	_ =	shalt  }
0x58: {  	_ =	shalt  }
0x59: {  	_ =	shalt  }
0x5a: {  	_ =	shalt  }
0x5b: {  	_ =	shalt  }
0x5c: {  	_ =	shalt  }
0x5d: {  	_ =	shalt  }
0x5e: {  	_ =	shalt  }
0x5f: {  	_ =	shalt  }
0x60: {  	_ =	shalt  }
0x61: {  	_ =	shalt  }
0x62: {  	_ =	shalt  }
0x63: {  	_ =	shalt  }
0x64: {  	_ =	shalt  }
0x65: {  	_ =	shalt  }
0x66: {  	_ =	shalt  }
0x67: {  	_ =	shalt  }
0x68: {  	_ =	shalt  }
0x69: {  	_ =	shalt  }
0x6a: {  	_ =	shalt  }
0x6b: {  	_ =	shalt  }
0x6c: {  	_ =	shalt  }
0x6d: {  	_ =	shalt  }
0x6e: {  	_ =	shalt  }
0x6f: {  	_ =	shalt  }
0x70: {  	_ =	shalt  }
0x71: {  	_ =	shalt  }
0x72: {  	_ =	shalt  }
0x73: {  	_ =	shalt  }
0x74: {  	_ =	shalt  }
0x75: {  	_ =	shalt  }
0x76: {  	_ =	shalt  }
0x77: {  	_ =	shalt  }
0x78: {  	_ =	shalt  }
0x79: {  	_ =	shalt  }
0x7a: {  	_ =	shalt  }
0x7b: {  	_ =	shalt  }
0x7c: {  	_ =	shalt  }
0x7d: {  	_ =	shalt  }
0x7e: {  	_ =	shalt  }
0x7f: {  	_ =	shalt  }
0x80: {  	_ =	shalt  }
0x81: {  	_ =	shalt  }
0x82: {  	_ =	shalt  }
0x83: {  	_ =	shalt  }
0x84: {  	_ =	shalt  }
0x85: {  	_ =	shalt  }
0x86: {  	_ =	shalt  }
0x87: {  	_ =	shalt  }
.Lfunc_end0:
.L_simem_size_0:
called_computation_lowered:
.L_overlay_start_0:
0x88: {  	s2 =	sld [smem:$0x3FD9]  }
0x89: {  	s3 =	sld [smem:$0x3FFE];
	_ =	sdelay $0x1  }
0x8a: {  	s1 =	srdreg.scid  }
0x8b: {  	s0 =	sand.u32 $0x1, s1  }
0x8c: {  	s16 =	sshll.u32 s0, $0xA;
	s2 =	sadd.s32 s3, s2  }
0x8d: {  	s2 =	sadd.s32 s2, s16  }
0x8e: {  	[smem:$0x3FC0] =	sst s2  }
0x8f: {  	_ = 	snop  }
0x90: {  	(tm) =	ssettm $0x1  }
0x91: {  	s17 =	sld [smem:$0x3FFB];
	_ =	sdelay $0x3  }
0x92: {  	_ =	strace s17  }
0x93: {  	s2 =	sld [smem:$0x3FFC];
	_ =	sdelay $0x3  }
0x94: {  	_ =	strace s2  }
0x95: {  	s2 =	sld [smem:$0x3FFD];
	_ =	sdelay $0x3  }
0x96: {  	_ =	strace s2  }
0x97: {  	_ =	strace $0x8FFFFFFF  }
0x98: {  	s18 =	sld [smem:$0x3FDB];
	_ =	sdelay $0x1  }
0x99: {  	s19 =	simm.s32 $_scs_section_size  }
0x9a: {  	s4 =	simm.s32 $_size__tile_overlayer_lowered;
	s5 =	simm.s32 $_tile_overlayer_lowered  }
0x9b: {  	s22 =	simm.s32 $0x1BFF;
	s21 =	sshll.u32 s5, $0x1;
	s2 =	sadd.s32 s19, s18  }
0x9c: {  	s6 =	simm.s32 $0x0;
	s20 =	sshll.u32 s4, $0x1;
	s4 =	sadd.s32 s21, s2  }
0x9d: {  	[timem:s6], [sflag:s22] =	dma.local [hbm:s4], s20  }
0x9e: {  	_ =	swait.ge [sflag:s22], s20  }
0x9f: {  	s3 =	ssub.s32 $0x0, s20;
	[sflag:s22] =	ssyncset.done $0x0  }
0xa0: {  	[sflag:s22] =	ssyncadd.s32 s3;
	_ =	sdelay $0x1  }
0xa1: {  	s23 =	simm.s32 $0x1B8B  }
0xa2: {  	_ =	swait.ge [sflag:s23], $0x1  }
0xa3: {  	[sflag:s23] =	ssyncset.done $0x0  }
0xa4: {  	s25 =	simm.s32 $0x1B8E;
	s24 =	sld [smem:$0x3FFE];
	[sflag:s23] =	ssyncadd.s32 $0xFFFFFFFF  }
0xa5: {  	s26 =	simm.s32 $execute0_lowered;
	[smem:$0x3FD2] =	sst s25  }
0xa6: {  	s4 =	sshll.u32 s26, $0x1;
	_ =	strace $0x80000046;
	[dreg:$0x1] =	wrdreg $0xFFFFFFFF  }
0xa7: {  	s28 =	simm.s32 $_size_execute0_lowered;
	s2 =	sadd.s32 s2, s4;
	[dreg:$0x0] =	wrdreg $0x0  }
0xa8: {  	s4 =	sshll.u32 s28, $0x1;
	[dreg:$0x2] =	wrdreg s2  }
0xa9: {  	[dreg:$0x3] =	wrdreg s4  }
0xaa: {  	[dreg:$0x4] =	wrdreg $0xC0  }
0xab: {  	_ =	task [dreg:s6], $0x5FFFF  }
0xac: {  	[dreg:$0x1] =	wrdreg $0xFFFFFFFF  }
0xad: {  	[dreg:$0x0] =	wrdreg $0x60  }
0xae: {  	[dreg:$0x2] =	wrdreg s24  }
0xaf: {  	[dreg:$0x3] =	wrdreg $0x0  }
0xb0: {  	[dreg:$0x4] =	wrdreg $0x9  }
0xb1: {  	_ =	task.clear_ibuf [dreg:s6], $0x5FFFF;
	_ =	strace $0x90000046  }
0xb2: {  	s29 =	simm.s32 $0x9;
	_ =	strace $0x80000048  }
0xb3: {  	_ =	swait.ge [sflag:s29], $0x1  }
0xb4: {  	[sflag:s29] =	ssyncadd.s32 $0xFFFFFFFF  }
0xb5: {  	_ =	strace $0x90000048  }
0xb6: {  	_ =	sfence  }
0xb7: {  	s30 =	sld [smem:$0x0];
	_ =	sdelay $0x2  }
0xb8: {  	s31 =	sshll.u32 s1, $0xD;
	s1 =	sshrl.u32 s1, $0x2  }
0xb9: {  	s3 =	sand.u32 $0x4000, s31;
	s1 =	sadd.s32 s1, s30  }
0xba: {  	s0 =	sor.u32 s3, s0;
	s1 =	sshll.u32 s1, $0x11  }
0xbb: {  	s0 =	sor.u32 s1, s0  }
0xbc: {  	s0 =	sadd.s32 $0x8F2B, s0  }
0xbd: {  	[sflag:s0] =	ssyncadd.remote.s32 $0x1  }
0xbe: {  	_ =	sfence.sel $0xFFFF  }
0xbf: {  	[dreg:$0x0] =	wrdreg $0xFFFFFFFF;
	(pc) =	sbr.abs _section_cstart, $3  }
0xc0: {  	[dreg:$0x1] =	wrdreg $0xFFFFFFFF  }
0xc1: {  	_ =	task.clear_ibuf [dreg:s6], $0x2FFFF;
	_ =	strace $0x9FFFFFFF  }
0xc2: {  	(tm) =	ssettm $0x7FFFFFFF  }
0xc3: {  	_ =	shalt  }
tec
execute0_lowered:
.L_overlay_start_1:
0x0: {  	(tag) =	ssettag $0x1  }
0x1: {  	s0 =	rddreg [dreg:$0x0]  }
0x2: {  	s1 =	rddreg [dreg:$0x1]  }
0x3: {  	s2 =	simm.s32 $0x0;
	s3 =	srdreg.scid;
	s14 =	stileid.u32  }
0x4: {  	[smem:$0x7FF] =	sst s2;
	s4 =	sadd.s32 $0xCA00, s0;
	s7 =	smul.u32 $0x50000, s14  }
0x5: {  	s3 =	sand.u32 $0x1, s3;
	s5 =	sadd.s32 $0x2800, s0;
	s24 =	smul.u32 $0x280, s14  }
0x6: {  	s8 =	sadd.s32 $0xC800, s0;
	s0 =	sadd.s32 $0x34A00, s0;
	s17 =	smul.u32 $0x500, s14  }
0x7: {  	s14 =	simm.s32 $0x14000;
	_ =	strace $0x80000047;
	s9 =	smul.u32 $0x2800, s3  }
0x8: {  	s6 =	ssub.s32 $0x2, s3;
	[dreg:$0x3] =	wrdreg s8;
	s3 =	smul.u32 $0x5000, s3  }
0x9: {  	s23 =	sshrl.u32 s6, $0x1;
	s7 =	sshrl.u32 s7, $0x2;
	s31 =	sadd.s32 $0x80, s24  }
0xa: {  	s12 =	sadd.s32 $0x100, s24;
	s15 =	sadd.s32 $0x180, s24;
	s8 =	sadd.s32 $0x200, s24  }
0xb: {  	s6 =	ssub.s32 s6, s23;
	s7 =	sadd.s32 s7, s1;
	s10 =	sadd.s32 s9, s24  }
0xc: {  	s11 =	sadd.s32 s9, s31;
	s13 =	sadd.s32 s9, s12;
	s16 =	sadd.s32 s9, s15  }
0xd: {  	s9 =	sadd.s32 s9, s8;
	s20 =	sadd.s32 s17, s3;
	s21 =	sshll.u32 s31, $0x7  }
0xe: {  	s22 =	sshll.u32 s12, $0x7;
	s23 =	sshll.u32 s15, $0x7;
	s6 =	smax.u32 s6, $0x1  }
0xf: {  	s12 =	simm.s32 $0x1C200;
	s25 =	sadd.s32 $0x1000, s7;
	[dreg:$0x4] =	wrdreg s6  }
0x10: {  	s15 =	simm.s32 $0x14100;
	s26 =	sadd.s32 $0x2000, s7;
	[dreg:$0x5] =	wrdreg s25  }
0x11: {  	s17 =	simm.s32 $0x14180;
	s28 =	sadd.s32 $0x3000, s7;
	[dreg:$0x6] =	wrdreg s26  }
0x12: {  	s29 =	sadd.s32 $0x4000, s7;
	s30 =	sadd.s32 $0x5000, s7;
	[dreg:$0x7] =	wrdreg s28  }
0x13: {  	s10 =	sshll.u32 s10, $0x4;
	s11 =	sshll.u32 s11, $0x4;
	[dreg:$0x8] =	wrdreg s29  }
0x14: {  	s13 =	sshll.u32 s13, $0x4;
	s18 =	sadd.s32 $0x6000, s7;
	[dreg:$0x9] =	wrdreg s30  }
0x15: {  	s9 =	sshll.u32 s9, $0x4;
	s19 =	sadd.s32 $0x7000, s7;
	[dreg:$0xf] =	wrdreg s18  }
0x16: {  	s24 =	sadd.s32 s23, s1;
	s31 =	sadd.s32 $0xC000, s7;
	[dreg:$0x10] =	wrdreg s19  }
0x17: {  	s3 =	sadd.s32 $0xE000, s7;
	s23 =	simm.s32 $0x3;
	[dreg:$0x13] =	wrdreg s24  }
0x18: {  	s10 =	sadd.s32 s0, s10;
	s11 =	sadd.s32 s0, s11;
	[dreg:$0x19] =	wrdreg s31  }
0x19: {  	s25 =	sshll.u32 s8, $0x7;
	s26 =	sadd.s32 $0x8000, s7;
	[dreg:$0xa] =	wrdreg s10  }
0x1a: {  	s28 =	sadd.s32 $0x9000, s7;
	s29 =	sadd.s32 $0xA000, s7;
	[dreg:$0xb] =	wrdreg s11  }
0x1b: {  	s30 =	sadd.s32 $0xB000, s7;
	s6 =	sadd.s32 $0xF000, s7;
	[dreg:$0x15] =	wrdreg s26  }
0x1c: {  	s8 =	sadd.s32 $0x10000, s7;
	s18 =	simm.s32 $0x1;
	[dreg:$0x16] =	wrdreg s28  }
0x1d: {  	s19 =	simm.s32 $0x80;
	s24 =	simm.s32 $0x18200;
	[dreg:$0x17] =	wrdreg s29  }
0x1e: {  	s10 =	sadd.s32 s0, s13;
	s11 =	sshll.u32 s16, $0x4;
	[dreg:$0x18] =	wrdreg s30  }
0x1f: {  	s13 =	simm.s32 $0x5;
	s16 =	simm.s32 $0x14080;
	s26 =	simm.s32 $0x0  }
0x20: {  	[dreg:$0xc] =	wrdreg s10;
	s11 =	sadd.s32 s0, s11;
	s0 =	sadd.s32 s0, s9  }
0x21: {  	s9 =	sadd.s32 $0x11000, s7;
	s10 =	sadd.s32 $0x12000, s7;
	[dreg:$0xd] =	wrdreg s11  }
0x22: {  	[dreg:$0xe] =	wrdreg s0;
	s0 =	sadd.s32 s21, s1;
	s11 =	sadd.s32 $0x13000, s7  }
0x23: {  	s21 =	simm.s32 $0x14200;
	[dreg:$0x11] =	wrdreg s0;
	s0 =	sadd.s32 s22, s1  }
0x24: {  	s22 =	simm.s32 $0x2;
	[dreg:$0x12] =	wrdreg s0;
	s0 =	sadd.s32 s25, s1  }
0x25: {  	s25 =	simm.s32 $0x4;
	[dreg:$0x14] =	wrdreg s0;
	s0 =	sadd.s32 $0xD000, s7  }
.LBB2_1:
0x26: {  	s28 =	rddreg [dreg:$0x3]  }
0x27: {  	[tilespmem:s12], [sflag:$0x5] =	stream.linear.gather [hbm4b:s28+s2], $0x1000, $0x38;
	[tilespmem:$0x1D200] =	vst v63  }
0x28: {  	_ =	swait.ge [sflag:s13], $0x1000  }
0x29: {  	[sflag:s13] =	ssyncset.done $0x0  }
0x2a: {  	[sflag:s13] =	ssyncadd.s32 $0xFFFFF000  }
0x2b: {  	[spmem:s7] =	stream.linear.scatter [tilespmem:s12], [sflag:$0x5], $0x1000, $0x38;
	[tilespmem:$0x1D200] =	vst v63  }
0x2c: {  	_ =	swait.ge [sflag:s13], $0x1000  }
0x2d: {  	[sflag:s13] =	ssyncset.done $0x0  }
0x2e: {  	s28 =	rddreg [dreg:$0x5];
	[sflag:s13] =	ssyncadd.s32 $0xFFFFF000  }
0x2f: {  	[spmem:s28] =	stream.linear.scatter [tilespmem:s12], [sflag:$0x5], $0x1000, $0x38;
	[tilespmem:$0x1D200] =	vst v63  }
0x30: {  	_ =	swait.ge [sflag:s13], $0x1000  }
0x31: {  	[sflag:s13] =	ssyncset.done $0x0  }
0x32: {  	s28 =	rddreg [dreg:$0x6];
	[sflag:s13] =	ssyncadd.s32 $0xFFFFF000  }
0x33: {  	[spmem:s28] =	stream.linear.scatter [tilespmem:s12], [sflag:$0x5], $0x1000, $0x38;
	[tilespmem:$0x1D200] =	vst v63  }
0x34: {  	_ =	swait.ge [sflag:s13], $0x1000  }
0x35: {  	[sflag:s13] =	ssyncset.done $0x0  }
0x36: {  	s28 =	rddreg [dreg:$0x7];
	[sflag:s13] =	ssyncadd.s32 $0xFFFFF000  }
0x37: {  	[spmem:s28] =	stream.linear.scatter [tilespmem:s12], [sflag:$0x5], $0x1000, $0x38;
	[tilespmem:$0x1D200] =	vst v63  }
0x38: {  	_ =	swait.ge [sflag:s13], $0x1000  }
0x39: {  	[sflag:s13] =	ssyncset.done $0x0  }
0x3a: {  	s28 =	rddreg [dreg:$0x8];
	[sflag:s13] =	ssyncadd.s32 $0xFFFFF000  }
0x3b: {  	[spmem:s28] =	stream.linear.scatter [tilespmem:s12], [sflag:$0x5], $0x1000, $0x38;
	[tilespmem:$0x1D200] =	vst v63  }
0x3c: {  	_ =	swait.ge [sflag:s13], $0x1000  }
0x3d: {  	[sflag:s13] =	ssyncset.done $0x0  }
0x3e: {  	s28 =	rddreg [dreg:$0x9];
	[sflag:s13] =	ssyncadd.s32 $0xFFFFF000  }
0x3f: {  	[spmem:s28] =	stream.linear.scatter [tilespmem:s12], [sflag:$0x5], $0x1000, $0x38;
	[tilespmem:$0x1D200] =	vst v63  }
0x40: {  	_ =	swait.ge [sflag:s13], $0x1000  }
0x41: {  	[sflag:s13] =	ssyncset.done $0x0  }
0x42: {  	s28 =	rddreg [dreg:$0xf];
	[sflag:s13] =	ssyncadd.s32 $0xFFFFF000  }
0x43: {  	[spmem:s28] =	stream.linear.scatter [tilespmem:s12], [sflag:$0x5], $0x1000, $0x38;
	[tilespmem:$0x1D200] =	vst v63  }
0x44: {  	_ =	swait.ge [sflag:s13], $0x1000  }
0x45: {  	[sflag:s13] =	ssyncset.done $0x0  }
0x46: {  	s28 =	rddreg [dreg:$0x10];
	[sflag:s13] =	ssyncadd.s32 $0xFFFFF000  }
0x47: {  	[spmem:s28] =	stream.linear.scatter [tilespmem:s12], [sflag:$0x5], $0x1000, $0x38;
	[tilespmem:$0x1D200] =	vst v63  }
0x48: {  	_ =	swait.ge [sflag:s13], $0x1000  }
0x49: {  	[sflag:s13] =	ssyncset.done $0x0  }
0x4a: {  	s28 =	rddreg [dreg:$0x15];
	[sflag:s13] =	ssyncadd.s32 $0xFFFFF000  }
0x4b: {  	[spmem:s28] =	stream.linear.scatter [tilespmem:s12], [sflag:$0x5], $0x1000, $0x38;
	[tilespmem:$0x1D200] =	vst v63  }
0x4c: {  	_ =	swait.ge [sflag:s13], $0x1000  }
0x4d: {  	[sflag:s13] =	ssyncset.done $0x0  }
0x4e: {  	s28 =	rddreg [dreg:$0x16];
	[sflag:s13] =	ssyncadd.s32 $0xFFFFF000  }
0x4f: {  	[spmem:s28] =	stream.linear.scatter [tilespmem:s12], [sflag:$0x5], $0x1000, $0x38;
	[tilespmem:$0x1D200] =	vst v63  }
0x50: {  	_ =	swait.ge [sflag:s13], $0x1000  }
0x51: {  	[sflag:s13] =	ssyncset.done $0x0  }
0x52: {  	s28 =	rddreg [dreg:$0x17];
	[sflag:s13] =	ssyncadd.s32 $0xFFFFF000  }
0x53: {  	[spmem:s28] =	stream.linear.scatter [tilespmem:s12], [sflag:$0x5], $0x1000, $0x38;
	[tilespmem:$0x1D200] =	vst v63  }
0x54: {  	_ =	swait.ge [sflag:s13], $0x1000  }
0x55: {  	[sflag:s13] =	ssyncset.done $0x0  }
0x56: {  	s28 =	rddreg [dreg:$0x18];
	[sflag:s13] =	ssyncadd.s32 $0xFFFFF000  }
0x57: {  	[spmem:s28] =	stream.linear.scatter [tilespmem:s12], [sflag:$0x5], $0x1000, $0x38;
	[tilespmem:$0x1D200] =	vst v63  }
0x58: {  	_ =	swait.ge [sflag:s13], $0x1000  }
0x59: {  	[sflag:s13] =	ssyncset.done $0x0  }
0x5a: {  	s28 =	rddreg [dreg:$0x19];
	[sflag:s13] =	ssyncadd.s32 $0xFFFFF000  }
0x5b: {  	[spmem:s28] =	stream.linear.scatter [tilespmem:s12], [sflag:$0x5], $0x1000, $0x38;
	[tilespmem:$0x1D200] =	vst v63  }
0x5c: {  	_ =	swait.ge [sflag:s13], $0x1000  }
0x5d: {  	[sflag:s13] =	ssyncset.done $0x0  }
0x5e: {  	[sflag:s13] =	ssyncadd.s32 $0xFFFFF000  }
0x5f: {  	[spmem:s0] =	stream.linear.scatter [tilespmem:s12], [sflag:$0x5], $0x1000, $0x38;
	[tilespmem:$0x1D200] =	vst v63  }
0x60: {  	_ =	swait.ge [sflag:s13], $0x1000  }
0x61: {  	[sflag:s13] =	ssyncset.done $0x0  }
0x62: {  	[sflag:s13] =	ssyncadd.s32 $0xFFFFF000  }
0x63: {  	[spmem:s3] =	stream.linear.scatter [tilespmem:s12], [sflag:$0x5], $0x1000, $0x38;
	[tilespmem:$0x1D200] =	vst v63  }
0x64: {  	_ =	swait.ge [sflag:s13], $0x1000  }
0x65: {  	[sflag:s13] =	ssyncset.done $0x0  }
0x66: {  	[sflag:s13] =	ssyncadd.s32 $0xFFFFF000  }
0x67: {  	[spmem:s6] =	stream.linear.scatter [tilespmem:s12], [sflag:$0x5], $0x1000, $0x38;
	[tilespmem:$0x1D200] =	vst v63  }
0x68: {  	_ =	swait.ge [sflag:s13], $0x1000  }
0x69: {  	[sflag:s13] =	ssyncset.done $0x0  }
0x6a: {  	[sflag:s13] =	ssyncadd.s32 $0xFFFFF000  }
0x6b: {  	[spmem:s8] =	stream.linear.scatter [tilespmem:s12], [sflag:$0x5], $0x1000, $0x38;
	[tilespmem:$0x1D200] =	vst v63  }
0x6c: {  	_ =	swait.ge [sflag:s13], $0x1000  }
0x6d: {  	[sflag:s13] =	ssyncset.done $0x0  }
0x6e: {  	[sflag:s13] =	ssyncadd.s32 $0xFFFFF000  }
0x6f: {  	[spmem:s9] =	stream.linear.scatter [tilespmem:s12], [sflag:$0x5], $0x1000, $0x38;
	[tilespmem:$0x1D200] =	vst v63  }
0x70: {  	_ =	swait.ge [sflag:s13], $0x1000  }
0x71: {  	[sflag:s13] =	ssyncset.done $0x0  }
0x72: {  	[sflag:s13] =	ssyncadd.s32 $0xFFFFF000  }
0x73: {  	[spmem:s10] =	stream.linear.scatter [tilespmem:s12], [sflag:$0x5], $0x1000, $0x38;
	[tilespmem:$0x1D200] =	vst v63  }
0x74: {  	_ =	swait.ge [sflag:s13], $0x1000  }
0x75: {  	[sflag:s13] =	ssyncset.done $0x0  }
0x76: {  	[sflag:s13] =	ssyncadd.s32 $0xFFFFF000  }
0x77: {  	[spmem:s11] =	stream.linear.scatter [tilespmem:s12], [sflag:$0x5], $0x1000, $0x38;
	[tilespmem:$0x1D200] =	vst v63  }
0x78: {  	_ =	swait.ge [sflag:s13], $0x1000  }
0x79: {  	s29 =	sand.u32 $0x60, s2;
	s28 =	sadd.s32 $0x0, s20;
	[sflag:s13] =	ssyncset.done $0x0  }
0x7a: {  	s29 =	sadd.s32 s5, s29;
	s28 =	sand.u32 $0x1FF80, s28;
	[sflag:s13] =	ssyncadd.s32 $0xFFFFF000  }
0x7b: {  	s28 =	sadd.s32 s28, s29;
	[bflag:$0x0] =	sbarrier.arrive $0xFFFF  }
0x7c: {  	[tilespmem:s14], [sflag:$0x1] =	stream.linear.gather [hbm4b:s28+s2], $0x80, $0x38;
	[tilespmem:$0x1D200] =	vst v63  }
0x7d: {  	_ = 	snop  }
0x7e: {  	[tilespmem:s15], [sflag:$0x1] =	stream.linear.gather [hbm4b:s28+s2], $0x80, $0x38;
	[tilespmem:$0x1D200] =	vst v63  }
0x7f: {  	s28 =	sadd.s32 $0x10, s28  }
0x80: {  	[tilespmem:s16], [sflag:$0x2] =	stream.linear.gather [hbm4b:s28+s2], $0x80, $0x38;
	[tilespmem:$0x1D200] =	vst v63  }
0x81: {  	_ = 	snop  }
0x82: {  	[tilespmem:s17], [sflag:$0x2] =	stream.linear.gather [hbm4b:s28+s2], $0x80, $0x38;
	[tilespmem:$0x1D200] =	vst v63  }
0x83: {  	_ =	swait.ge [sflag:s18], $0x80  }
0x84: {  	[sflag:s18] =	ssyncset.done $0x0  }
0x85: {  	[sflag:s18] =	ssyncadd.s32 $0xFFFFFF80  }
0x86: {  	_ =	swait.ge [sflag:s18], $0x80  }
0x87: {  	[sflag:s18] =	ssyncset.done $0x0  }
0x88: {  	[sflag:s18] =	ssyncadd.s32 $0xFFFFFF80  }
0x89: {  	[tilespmem:s21], [sflag:$0x3] =	stream.indirect.gather [hbm4b:s4+s19], $0x80, s14, s19, $0xb8;
	[tilespmem:$0x1D200] =	vst v63  }
0x8a: {  	_ =	swait.ge [sflag:s22], $0x80  }
0x8b: {  	[sflag:s22] =	ssyncset.done $0x0  }
0x8c: {  	[sflag:s22] =	ssyncadd.s32 $0xFFFFFF80  }
0x8d: {  	_ =	swait.ge [sflag:s22], $0x80  }
0x8e: {  	[sflag:s22] =	ssyncset.done $0x0  }
0x8f: {  	[sflag:s22] =	ssyncadd.s32 $0xFFFFFF80  }
0x90: {  	_ =	swait.ge [sflag:s23], $0x4000  }
0x91: {  	[sflag:s23] =	ssyncset.done $0x0  }
0x92: {  	[sflag:s23] =	ssyncadd.s32 $0xFFFFC000  }
0x93: {  	[tilespmem:s24], [sflag:$0x4] =	stream.indirect.gather [hbm4b:s4+s19], $0x80, s16, s19, $0xb8;
	[tilespmem:$0x1D200] =	vst v63  }
0x94: {  	_ = 	snop  }
0x95: {  	[spmem:s1] =	stream.indirect.scatter.add.f32 [tilespmem:s21], [sflag:$0x5], $0x80, s15, s19, $0xb8;
	[tilespmem:$0x1D200] =	vst v63  }
0x96: {  	_ =	swait.ge [sflag:s13], $0x4000  }
0x97: {  	[sflag:s13] =	ssyncset.done $0x0  }
0x98: {  	[sflag:s13] =	ssyncadd.s32 $0xFFFFC000  }
0x99: {  	_ =	swait.ge [sflag:s25], $0x4000  }
0x9a: {  	[sflag:s25] =	ssyncset.done $0x0  }
0x9b: {  	s30 =	sadd.s32 $0x20, s20;
	s29 =	simm.s32 $0x20;
	[sflag:s25] =	ssyncadd.s32 $0xFFFFC000  }
0x9c: {  	[spmem:s1] =	stream.indirect.scatter.add.f32 [tilespmem:s24], [sflag:$0x5], $0x80, s17, s19, $0xb8;
	[tilespmem:$0x1D200] =	vst v63  }
0x9d: {  	s31 =	sand.u32 $0x60, s29;
	s29 =	sand.u32 $0x1FF80, s30;
	_ =	swait.ge [sflag:s13], $0x4000  }
0x9e: {  	s31 =	sadd.s32 s5, s31;
	s28 =	simm.s32 $0x40;
	[sflag:s13] =	ssyncset.done $0x0  }
.LBB2_2:
0x9f: {  	s31 =	sadd.s32 s29, s31  }
0xa0: {  	[sflag:s13] =	ssyncadd.s32 $0xFFFFC000;
	s29 =	smov.u32 s28;
	s30 =	sadd.s32 $0x20, s28  }
0xa1: {  	[tilespmem:s14], [sflag:$0x1] =	stream.linear.gather [hbm4b:s31+s2], $0x80, $0x38;
	[tilespmem:$0x1D200] =	vst v63  }
0xa2: {  	p0 =	sne.s32 s28, $0x4E0  }
0xa3: {  	[tilespmem:s15], [sflag:$0x1] =	stream.linear.gather [hbm4b:s31+s2], $0x80, $0x38;
	[tilespmem:$0x1D200] =	vst v63  }
0xa4: {  	s28 =	sadd.s32 $0x10, s31  }
0xa5: {  	[tilespmem:s16], [sflag:$0x2] =	stream.linear.gather [hbm4b:s28+s2], $0x80, $0x38;
	[tilespmem:$0x1D200] =	vst v63  }
0xa6: {  	_ = 	snop  }
0xa7: {  	[tilespmem:s17], [sflag:$0x2] =	stream.linear.gather [hbm4b:s28+s2], $0x80, $0x38;
	[tilespmem:$0x1D200] =	vst v63  }
0xa8: {  	_ =	swait.ge [sflag:s18], $0x80  }
0xa9: {  	[sflag:s18] =	ssyncset.done $0x0  }
0xaa: {  	[sflag:s18] =	ssyncadd.s32 $0xFFFFFF80  }
0xab: {  	_ =	swait.ge [sflag:s18], $0x80  }
0xac: {  	[sflag:s18] =	ssyncset.done $0x0  }
0xad: {  	[sflag:s18] =	ssyncadd.s32 $0xFFFFFF80  }
0xae: {  	[tilespmem:s21], [sflag:$0x3] =	stream.indirect.gather [hbm4b:s4+s19], $0x80, s14, s19, $0xb8;
	[tilespmem:$0x1D200] =	vst v63  }
0xaf: {  	_ =	swait.ge [sflag:s22], $0x80  }
0xb0: {  	[sflag:s22] =	ssyncset.done $0x0  }
0xb1: {  	[sflag:s22] =	ssyncadd.s32 $0xFFFFFF80  }
0xb2: {  	_ =	swait.ge [sflag:s22], $0x80  }
0xb3: {  	[sflag:s22] =	ssyncset.done $0x0  }
0xb4: {  	[sflag:s22] =	ssyncadd.s32 $0xFFFFFF80  }
0xb5: {  	_ =	swait.ge [sflag:s23], $0x4000  }
0xb6: {  	[sflag:s23] =	ssyncset.done $0x0  }
0xb7: {  	[sflag:s23] =	ssyncadd.s32 $0xFFFFC000  }
0xb8: {  	[tilespmem:s24], [sflag:$0x4] =	stream.indirect.gather [hbm4b:s4+s19], $0x80, s16, s19, $0xb8;
	[tilespmem:$0x1D200] =	vst v63  }
0xb9: {  	_ = 	snop  }
0xba: {  	[spmem:s1] =	stream.indirect.scatter.add.f32 [tilespmem:s21], [sflag:$0x5], $0x80, s15, s19, $0xb8;
	[tilespmem:$0x1D200] =	vst v63  }
0xbb: {  	_ =	swait.ge [sflag:s13], $0x4000  }
0xbc: {  	[sflag:s13] =	ssyncset.done $0x0  }
0xbd: {  	[sflag:s13] =	ssyncadd.s32 $0xFFFFC000  }
0xbe: {  	_ =	swait.ge [sflag:s25], $0x4000  }
.Ltmp0:
0xbf: {  	[sflag:s25] =	ssyncset.done $0x0;
	(pc) =	sbr.rel @p0 .LBB2_2-.Ltmp0, $4  }
0xc0: {  	s31 =	sand.u32 $0x60, s29;
	[sflag:s25] =	ssyncadd.s32 $0xFFFFC000  }
0xc1: {  	[spmem:s1] =	stream.indirect.scatter.add.f32 [tilespmem:s24], [sflag:$0x5], $0x80, s17, s19, $0xb8;
	[tilespmem:$0x1D200] =	vst v63  }
0xc2: {  	s31 =	sadd.s32 s5, s31;
	s28 =	sadd.s32 s29, s20;
	_ =	swait.ge [sflag:s13], $0x4000  }
0xc3: {  	s29 =	sand.u32 $0x1FF80, s28;
	s28 =	smov.u32 s30;
	[sflag:s13] =	ssyncset.done $0x0  }
0xc4: {  	s28 =	sadd.s32 s29, s31;
	[sflag:s13] =	ssyncadd.s32 $0xFFFFC000  }
0xc5: {  	[tilespmem:s14], [sflag:$0x1] =	stream.linear.gather [hbm4b:s28+s2], $0x80, $0x38;
	[tilespmem:$0x1D200] =	vst v63  }
0xc6: {  	_ = 	snop  }
0xc7: {  	[tilespmem:s15], [sflag:$0x1] =	stream.linear.gather [hbm4b:s28+s2], $0x80, $0x38;
	[tilespmem:$0x1D200] =	vst v63  }
0xc8: {  	s28 =	sadd.s32 $0x10, s28  }
0xc9: {  	[tilespmem:s16], [sflag:$0x2] =	stream.linear.gather [hbm4b:s28+s2], $0x80, $0x38;
	[tilespmem:$0x1D200] =	vst v63  }
0xca: {  	_ = 	snop  }
0xcb: {  	[tilespmem:s17], [sflag:$0x2] =	stream.linear.gather [hbm4b:s28+s2], $0x80, $0x38;
	[tilespmem:$0x1D200] =	vst v63  }
0xcc: {  	_ =	swait.ge [sflag:s18], $0x80  }
0xcd: {  	[sflag:s18] =	ssyncset.done $0x0  }
0xce: {  	[sflag:s18] =	ssyncadd.s32 $0xFFFFFF80  }
0xcf: {  	_ =	swait.ge [sflag:s18], $0x80  }
0xd0: {  	[sflag:s18] =	ssyncset.done $0x0  }
0xd1: {  	[sflag:s18] =	ssyncadd.s32 $0xFFFFFF80  }
0xd2: {  	[tilespmem:s21], [sflag:$0x3] =	stream.indirect.gather [hbm4b:s4+s19], $0x80, s14, s19, $0xb8;
	[tilespmem:$0x1D200] =	vst v63  }
0xd3: {  	_ =	swait.ge [sflag:s22], $0x80  }
0xd4: {  	[sflag:s22] =	ssyncset.done $0x0  }
0xd5: {  	[sflag:s22] =	ssyncadd.s32 $0xFFFFFF80  }
0xd6: {  	_ =	swait.ge [sflag:s22], $0x80  }
0xd7: {  	[sflag:s22] =	ssyncset.done $0x0  }
0xd8: {  	[sflag:s22] =	ssyncadd.s32 $0xFFFFFF80  }
0xd9: {  	_ =	swait.ge [sflag:s23], $0x4000  }
0xda: {  	[sflag:s23] =	ssyncset.done $0x0  }
0xdb: {  	[sflag:s23] =	ssyncadd.s32 $0xFFFFC000  }
0xdc: {  	[tilespmem:s24], [sflag:$0x4] =	stream.indirect.gather [hbm4b:s4+s19], $0x80, s16, s19, $0xb8;
	[tilespmem:$0x1D200] =	vst v63  }
0xdd: {  	_ = 	snop  }
0xde: {  	[spmem:s1] =	stream.indirect.scatter.add.f32 [tilespmem:s21], [sflag:$0x5], $0x80, s15, s19, $0xb8;
	[tilespmem:$0x1D200] =	vst v63  }
0xdf: {  	_ =	swait.ge [sflag:s13], $0x4000  }
0xe0: {  	[sflag:s13] =	ssyncset.done $0x0  }
0xe1: {  	[sflag:s13] =	ssyncadd.s32 $0xFFFFC000  }
0xe2: {  	_ =	swait.ge [sflag:s25], $0x4000  }
0xe3: {  	[sflag:s25] =	ssyncset.done $0x0  }
0xe4: {  	[sflag:s25] =	ssyncadd.s32 $0xFFFFC000  }
0xe5: {  	[spmem:s1] =	stream.indirect.scatter.add.f32 [tilespmem:s24], [sflag:$0x5], $0x80, s17, s19, $0xb8;
	[tilespmem:$0x1D200] =	vst v63  }
0xe6: {  	_ =	swait.ge [sflag:s13], $0x4000  }
0xe7: {  	[sflag:s13] =	ssyncset.done $0x0  }
0xe8: {  	[sflag:s13] =	ssyncadd.s32 $0xFFFFC000  }
0xe9: {  	[bflag:$0x0] =	sbarrier.arrive $0xFFFF  }
0xea: {  	[tilespmem:s21], [sflag:$0x5] =	stream.linear.gather [spmem:s7], $0x4000, $0x38;
	[tilespmem:$0x1D200] =	vst v63  }
0xeb: {  	_ =	swait.ge [sflag:s13], $0x4000  }
0xec: {  	[sflag:s13] =	ssyncset.done $0x0  }
0xed: {  	s31 =	rddreg [dreg:$0xa];
	[sflag:s13] =	ssyncadd.s32 $0xFFFFC000  }
0xee: {  	[hbm4b:s31+s2] =	stream.linear.scatter [tilespmem:s21], [sflag:$0x5], $0x4000, $0x38;
	[tilespmem:$0x1D200] =	vst v63  }
0xef: {  	_ =	swait.ge [sflag:s13], $0x4000  }
0xf0: {  	[sflag:s13] =	ssyncset.done $0x0  }
0xf1: {  	s29 =	rddreg [dreg:$0x11];
	[sflag:s13] =	ssyncadd.s32 $0xFFFFC000  }
0xf2: {  	[tilespmem:s21], [sflag:$0x5] =	stream.linear.gather [spmem:s29], $0x4000, $0x38;
	[tilespmem:$0x1D200] =	vst v63  }
0xf3: {  	_ =	swait.ge [sflag:s13], $0x4000  }
0xf4: {  	[sflag:s13] =	ssyncset.done $0x0  }
0xf5: {  	s30 =	rddreg [dreg:$0xb];
	[sflag:s13] =	ssyncadd.s32 $0xFFFFC000  }
0xf6: {  	[hbm4b:s30+s2] =	stream.linear.scatter [tilespmem:s21], [sflag:$0x5], $0x4000, $0x38;
	[tilespmem:$0x1D200] =	vst v63  }
0xf7: {  	_ =	swait.ge [sflag:s13], $0x4000  }
0xf8: {  	[sflag:s13] =	ssyncset.done $0x0  }
0xf9: {  	s31 =	rddreg [dreg:$0x12];
	[sflag:s13] =	ssyncadd.s32 $0xFFFFC000  }
0xfa: {  	[tilespmem:s21], [sflag:$0x5] =	stream.linear.gather [spmem:s31], $0x4000, $0x38;
	[tilespmem:$0x1D200] =	vst v63  }
0xfb: {  	_ =	swait.ge [sflag:s13], $0x4000  }
0xfc: {  	[sflag:s13] =	ssyncset.done $0x0  }
0xfd: {  	s29 =	rddreg [dreg:$0xc];
	[sflag:s13] =	ssyncadd.s32 $0xFFFFC000  }
0xfe: {  	[hbm4b:s29+s2] =	stream.linear.scatter [tilespmem:s21], [sflag:$0x5], $0x4000, $0x38;
	[tilespmem:$0x1D200] =	vst v63  }
0xff: {  	_ =	swait.ge [sflag:s13], $0x4000  }
0x100: {  	[sflag:s13] =	ssyncset.done $0x0  }
0x101: {  	s30 =	rddreg [dreg:$0x13];
	[sflag:s13] =	ssyncadd.s32 $0xFFFFC000  }
0x102: {  	[tilespmem:s21], [sflag:$0x5] =	stream.linear.gather [spmem:s30], $0x4000, $0x38;
	[tilespmem:$0x1D200] =	vst v63  }
0x103: {  	_ =	swait.ge [sflag:s13], $0x4000  }
0x104: {  	[sflag:s13] =	ssyncset.done $0x0  }
0x105: {  	s31 =	rddreg [dreg:$0xd];
	[sflag:s13] =	ssyncadd.s32 $0xFFFFC000  }
0x106: {  	[hbm4b:s31+s2] =	stream.linear.scatter [tilespmem:s21], [sflag:$0x5], $0x4000, $0x38;
	[tilespmem:$0x1D200] =	vst v63  }
0x107: {  	_ =	swait.ge [sflag:s13], $0x4000  }
0x108: {  	[sflag:s13] =	ssyncset.done $0x0  }
0x109: {  	s29 =	rddreg [dreg:$0x14];
	[sflag:s13] =	ssyncadd.s32 $0xFFFFC000  }
0x10a: {  	[tilespmem:s21], [sflag:$0x5] =	stream.linear.gather [spmem:s29], $0x4000, $0x38;
	[tilespmem:$0x1D200] =	vst v63  }
0x10b: {  	_ =	swait.ge [sflag:s13], $0x4000  }
0x10c: {  	[sflag:s13] =	ssyncset.done $0x0  }
0x10d: {  	s30 =	rddreg [dreg:$0xe];
	[sflag:s13] =	ssyncadd.s32 $0xFFFFC000  }
0x10e: {  	[hbm4b:s30+s2] =	stream.linear.scatter [tilespmem:s21], [sflag:$0x5], $0x4000, $0x38;
	[tilespmem:$0x1D200] =	vst v63  }
0x10f: {  	_ =	swait.ge [sflag:s13], $0x4000  }
0x110: {  	s26 =	sadd.s32 $0x1, s26;
	s31 =	rddreg [dreg:$0x4]  }
0x111: {  	p0 =	sne.s32 s26, s31  }
.Ltmp1:
0x112: {  	_ = 	snop;
	(pc) =	sbr.rel @p0 .LBB2_1-.Ltmp1, $3  }
0x113: {  	_ =	sdelay $0x1  }
0x114: {  	[sflag:s13] =	ssyncset.done $0x0  }
0x115: {  	[sflag:s13] =	ssyncadd.s32 $0xFFFFC000  }
0x116: {  	_ =	sfence.sel $0x180000  }
0x117: {  	[bflag:$0x0] =	sbarrier.arrive $0xFFFF  }
0x118: {  	_ =	strace $0x90000047  }
0x119: {  	s0 =	stileid.u32;
	[bflag:$0x2] =	sbarrier.arrive $0xFFFF  }
0x11a: {  	p0 =	sne.s32 s0, $0x0;
	s0 =	rddreg [dreg:$0x2]  }
0x11b: {  	s0 =	sadd.s32 @!p0 $0x100000, s0  }
0x11c: {  	[sflag:s0] =	ssyncadd.tile.s32 @!p0 $0x1;
	_ =	shalt  }
.Lfunc_end2:
_tile_overlayer_lowered:
.L_overlay_start_2:
0x11d: {  	(tag) =	ssettag $0x2  }
0x11e: {  	s0 =	rddreg [dreg:$0x0];
	s2 =	stileid.u32  }
0x11f: {  	s1 =	rddreg [dreg:$0x1];
	p0 =	sne.s32 s2, $0x0  }
0x120: {  	s3 =	rddreg [dreg:$0x2];
	[bflag:$0x3] =	sbarrier.arrive $0xFFFF;
	s2 =	simm.s32 @!p0 $0x1C05  }
0x121: {  	[timem:s3], [sflag:s2] =	dma.local @!p0 [hbm:s0], s1  }
0x122: {  	s0 =	simm.s32 @!p0 $0x5  }
0x123: {  	_ =	swait.ge @!p0 [sflag:s0], s1  }
0x124: {  	s1 =	ssub.s32 @!p0 $0x0, s1;
	[sflag:s0] =	ssyncset.done @!p0 $0x0  }
0x125: {  	[sflag:s0] =	ssyncadd.s32 @!p0 s1  }
0x126: {  	[bflag:$0x3] =	sbarrier.arrive $0xFFFF  }
0x127: {  	_ =	shalt  }

// kernel: kernel.13.cloned.1.call-start
scs
__scs_entry_jumppad:
0x0: {  	(pc) =	sbr.rel $0x88, $3  }
0x1: {  	(tag) =	ssettag $0x0;
	lr =	simm.s32 $0x1  }
0x2: {  	[smem:$0x3F99] =	sst lr;
	_ =	strace $0xD0000000  }
0x3: {  	_ = 	snop  }
0x4: {  	_ = 	snop  }
0x5: {  	_ = 	snop  }
0x6: {  	_ = 	snop  }
0x7: {  	_ = 	snop  }
__scs_overlays_trampoline_lowered:
0x8: {  	[smem:$0x3FA8] =	sst s0  }
0x9: {  	[smem:$0x3FA9] =	sst s1  }
0xa: {  	[smem:$0x3FAA] =	sst s2  }
0xb: {  	[smem:$0x3FAB] =	sst s3  }
0xc: {  	[smem:$0x3FAC] =	sst s4  }
0xd: {  	[smem:$0x3FAD] =	sst s5  }
0xe: {  	[smem:$0x3FAE] =	sst s6  }
0xf: {  	[smem:$0x3FAF] =	sst s7  }
0x10: {  	[smem:$0x3FB0] =	sst s8  }
0x11: {  	[smem:$0x3FB1] =	sst s9;
	s0 =	simm.s32 @!p0 $0x0  }
0x12: {  	s1 =	sld [smem:$0x3F97];
	s0 =	simm.s32 @p0 $0x1  }
0x13: {  	[smem:$0x3FB2] =	sst s0;
	s0 =	simm.s32 @!p1 $0x0  }
0x14: {  	s2 =	sld [smem:$0x3F96];
	s0 =	simm.s32 @p1 $0x1  }
0x15: {  	[smem:$0x3FB3] =	sst s0;
	s0 =	simm.s32 @!p2 $0x0  }
0x16: {  	s3 =	sld [smem:$0x3FDB];
	s0 =	simm.s32 @p2 $0x1  }
0x17: {  	s4 =	simm.s32 $0x1BF5;
	[smem:$0x3FB5] =	sst s0  }
0x18: {  	s0 =	sld [smem:$0x3F98];
	_ =	swait.ge [sflag:s4], $0x0  }
0x19: {  	s7 =	sld [smem:$0x3F99]  }
0x1a: {  	s8 =	sadd.s32 $0xFFFFE003, lr  }
0x1b: {  	s9 =	sadd.s32 $0xFFFFFEF7, lr;
	s5 =	simm.s32 $0xFFFFFFFF;
	p2 =	slt.u32 s8, $0xFFFFF086  }
0x1c: {  	p1 =	slt.u32 s9, $0xF7A;
	s5 =	simm.s32 @!p2 $0x0  }
0x1d: {  	s5 =	simm.s32 @p1 $0x1;
	p0 =	seq.s32 s7, s2  }
0x1e: {  	s7 =	smul.u32 @!p0 $0xF7A, s2;
	p2 =	seq.s32 @!p0 s5, $0x0  }
0x1f: {  	s9 =	smul.u32 $0xF7A, s1;
	s8 =	simm.s32 @!p0 $0x1BF5;
	p2 =	por !p2, p0  }
0x20: {  	[sflag:s8] =	ssyncset.s32 @!p0 $0xFFFFF086;
	s6 =	sadd.s32 @!p0 s3, s7;
	s7 =	simm.s32 @!p0 $0x108  }
0x21: {  	s3 =	sadd.s32 s3, s9;
	s6 =	sadd.s32 @!p0 $0x88, s6;
	s7 =	simm.s32 @p2 $0x1082  }
0x22: {  	[simem:s7], [sflag:s8] =	dma.local @!p0 [hbm:s6], $0xF7A  }
0x23: {  	s9 =	sor.u32 $0xD0000000, s2;
	s6 =	simm.s32 $0x108;
	_ =	swait.ge @!p0 [sflag:s8], $0x0  }
0x24: {  	s3 =	sadd.s32 $0x88, s3;
	s6 =	simm.s32 @!p1 $0x1082;
	[sflag:s4] =	ssyncset.s32 $0xFFFFF086  }
0x25: {  	[simem:s6], [sflag:s4] =	dma.local [hbm:s3], $0xF7A  }
0x26: {  	[smem:$0x3F99] =	sst s1;
	(tag) =	ssettag s2;
	_ =	strace s9  }
0x27: {  	s1 =	sld [smem:$0x3FA9]  }
0x28: {  	s2 =	sld [smem:$0x3FAA]  }
0x29: {  	s4 =	sld [smem:$0x3FAC]  }
0x2a: {  	p0 =	seq.s32 s5, $0x0;
	s5 =	sld [smem:$0x3FAD]  }
0x2b: {  	s6 =	sld [smem:$0x3FAE]  }
0x2c: {  	s7 =	sld [smem:$0x3FAF]  }
0x2d: {  	s3 =	simm.s32 $0x108;
	s8 =	sld [smem:$0x3FB0]  }
0x2e: {  	s3 =	simm.s32 @!p0 $0x1082;
	s9 =	sld [smem:$0x3FB1]  }
0x2f: {  	lr =	sadd.s32 s0, s3;
	s0 =	sld [smem:$0x3FA8]  }
0x30: {  	s3 =	sld [smem:$0x3FAB]  }
0x31: {  	[smem:$0x3FB4] =	sst s10  }
0x32: {  	s10 =	sld [smem:$0x3FB2];
	_ =	sdelay $0x3  }
0x33: {  	p0 =	seq.s32 s10, $0x1;
	s10 =	sld [smem:$0x3FB4];
	_ =	sdelay $0x3  }
0x34: {  	[smem:$0x3FB4] =	sst s10  }
0x35: {  	s10 =	sld [smem:$0x3FB3];
	_ =	sdelay $0x3  }
0x36: {  	p1 =	seq.s32 s10, $0x1;
	s10 =	sld [smem:$0x3FB4];
	_ =	sdelay $0x3  }
0x37: {  	[smem:$0x3FB4] =	sst s10  }
0x38: {  	s10 =	sld [smem:$0x3FB5]  }
0x39: {  	_ = 	snop;
	(pc) =	sbr.ind lr, $3  }
0x3a: {  	_ = 	snop  }
0x3b: {  	_ = 	snop  }
0x3c: {  	p2 =	seq.s32 s10, $0x1;
	s10 =	sld [smem:$0x3FB4]  }
0x3d: {  	_ =	shalt  }
0x3e: {  	_ =	shalt  }
0x3f: {  	_ =	shalt  }
0x40: {  	_ =	shalt  }
0x41: {  	_ =	shalt  }
0x42: {  	_ =	shalt  }
0x43: {  	_ =	shalt  }
0x44: {  	_ =	shalt  }
0x45: {  	_ =	shalt  }
0x46: {  	_ =	shalt  }
0x47: {  	_ =	shalt  }
0x48: {  	_ =	shalt  }
0x49: {  	_ =	shalt  }
0x4a: {  	_ =	shalt  }
0x4b: {  	_ =	shalt  }
0x4c: {  	_ =	shalt  }
0x4d: {  	_ =	shalt  }
0x4e: {  	_ =	shalt  }
0x4f: {  	_ =	shalt  }
0x50: {  	_ =	shalt  }
0x51: {  	_ =	shalt  }
0x52: {  	_ =	shalt  }
0x53: {  	_ =	shalt  }
0x54: {  	_ =	shalt  }
0x55: {  	_ =	shalt  }
0x56: {  	_ =	shalt  }
0x57: {  	_ =	shalt  }
0x58: {  	_ =	shalt  }
0x59: {  	_ =	shalt  }
0x5a: {  	_ =	shalt  }
0x5b: {  	_ =	shalt  }
0x5c: {  	_ =	shalt  }
0x5d: {  	_ =	shalt  }
0x5e: {  	_ =	shalt  }
0x5f: {  	_ =	shalt  }
0x60: {  	_ =	shalt  }
0x61: {  	_ =	shalt  }
0x62: {  	_ =	shalt  }
0x63: {  	_ =	shalt  }
0x64: {  	_ =	shalt  }
0x65: {  	_ =	shalt  }
0x66: {  	_ =	shalt  }
0x67: {  	_ =	shalt  }
0x68: {  	_ =	shalt  }
0x69: {  	_ =	shalt  }
0x6a: {  	_ =	shalt  }
0x6b: {  	_ =	shalt  }
0x6c: {  	_ =	shalt  }
0x6d: {  	_ =	shalt  }
0x6e: {  	_ =	shalt  }
0x6f: {  	_ =	shalt  }
0x70: {  	_ =	shalt  }
0x71: {  	_ =	shalt  }
0x72: {  	_ =	shalt  }
0x73: {  	_ =	shalt  }
0x74: {  	_ =	shalt  }
0x75: {  	_ =	shalt  }
0x76: {  	_ =	shalt  }
0x77: {  	_ =	shalt  }
0x78: {  	_ =	shalt  }
0x79: {  	_ =	shalt  }
0x7a: {  	_ =	shalt  }
0x7b: {  	_ =	shalt  }
0x7c: {  	_ =	shalt  }
0x7d: {  	_ =	shalt  }
0x7e: {  	_ =	shalt  }
0x7f: {  	_ =	shalt  }
0x80: {  	_ =	shalt  }
0x81: {  	_ =	shalt  }
0x82: {  	_ =	shalt  }
0x83: {  	_ =	shalt  }
0x84: {  	_ =	shalt  }
0x85: {  	_ =	shalt  }
0x86: {  	_ =	shalt  }
0x87: {  	_ =	shalt  }
.Lfunc_end0:
.L_simem_size_0:
called_computation.1_lowered:
.L_overlay_start_0:
0x88: {  	s2 =	sld [smem:$0x3FD9]  }
0x89: {  	s3 =	sld [smem:$0x3FFE];
	_ =	sdelay $0x1  }
0x8a: {  	s1 =	srdreg.scid  }
0x8b: {  	s0 =	sand.u32 $0x1, s1  }
0x8c: {  	s16 =	sshll.u32 s0, $0xA;
	s2 =	sadd.s32 s3, s2  }
0x8d: {  	s2 =	sadd.s32 s2, s16  }
0x8e: {  	[smem:$0x3FC0] =	sst s2  }
0x8f: {  	_ = 	snop  }
0x90: {  	(tm) =	ssettm $0x1  }
0x91: {  	s17 =	sld [smem:$0x3FFB];
	_ =	sdelay $0x3  }
0x92: {  	_ =	strace s17  }
0x93: {  	s2 =	sld [smem:$0x3FFC];
	_ =	sdelay $0x3  }
0x94: {  	_ =	strace s2  }
0x95: {  	s2 =	sld [smem:$0x3FFD];
	_ =	sdelay $0x3  }
0x96: {  	_ =	strace s2  }
0x97: {  	_ =	strace $0x8FFFFFFF  }
0x98: {  	s18 =	sld [smem:$0x3FDB];
	_ =	sdelay $0x1  }
0x99: {  	s19 =	simm.s32 $_scs_section_size  }
0x9a: {  	s4 =	simm.s32 $_size__tile_overlayer_lowered;
	s5 =	simm.s32 $_tile_overlayer_lowered  }
0x9b: {  	s22 =	simm.s32 $0x1BFF;
	s21 =	sshll.u32 s5, $0x1;
	s2 =	sadd.s32 s19, s18  }
0x9c: {  	s6 =	simm.s32 $0x0;
	s20 =	sshll.u32 s4, $0x1;
	s4 =	sadd.s32 s21, s2  }
0x9d: {  	[timem:s6], [sflag:s22] =	dma.local [hbm:s4], s20  }
0x9e: {  	_ =	swait.ge [sflag:s22], s20  }
0x9f: {  	s3 =	ssub.s32 $0x0, s20;
	[sflag:s22] =	ssyncset.done $0x0  }
0xa0: {  	[sflag:s22] =	ssyncadd.s32 s3;
	_ =	sdelay $0x1  }
0xa1: {  	s23 =	simm.s32 $0x1B8B  }
0xa2: {  	_ =	swait.ge [sflag:s23], $0x1  }
0xa3: {  	[sflag:s23] =	ssyncset.done $0x0  }
0xa4: {  	s25 =	simm.s32 $0x1B8E;
	s24 =	sld [smem:$0x3FFE];
	[sflag:s23] =	ssyncadd.s32 $0xFFFFFFFF  }
0xa5: {  	s26 =	simm.s32 $execute0_lowered;
	[smem:$0x3FD2] =	sst s25  }
0xa6: {  	s4 =	sshll.u32 s26, $0x1;
	_ =	strace $0x80000049;
	[dreg:$0x1] =	wrdreg $0xFFFFFFFF  }
0xa7: {  	s28 =	simm.s32 $_size_execute0_lowered;
	s2 =	sadd.s32 s2, s4;
	[dreg:$0x0] =	wrdreg $0x0  }
0xa8: {  	s4 =	sshll.u32 s28, $0x1;
	[dreg:$0x2] =	wrdreg s2  }
0xa9: {  	[dreg:$0x3] =	wrdreg s4  }
0xaa: {  	[dreg:$0x4] =	wrdreg $0xC0  }
0xab: {  	_ =	task [dreg:s6], $0x5FFFF  }
0xac: {  	[dreg:$0x1] =	wrdreg $0xFFFFFFFF  }
0xad: {  	[dreg:$0x0] =	wrdreg $0x60  }
0xae: {  	[dreg:$0x2] =	wrdreg s24  }
0xaf: {  	[dreg:$0x3] =	wrdreg $0x0  }
0xb0: {  	[dreg:$0x4] =	wrdreg $0x9  }
0xb1: {  	_ =	task.clear_ibuf [dreg:s6], $0x5FFFF;
	_ =	strace $0x90000049  }
0xb2: {  	s29 =	simm.s32 $0x9;
	_ =	strace $0x8000004B  }
0xb3: {  	_ =	swait.ge [sflag:s29], $0x1  }
0xb4: {  	[sflag:s29] =	ssyncadd.s32 $0xFFFFFFFF  }
0xb5: {  	_ =	strace $0x9000004B  }
0xb6: {  	_ =	sfence  }
0xb7: {  	s30 =	sld [smem:$0x0];
	_ =	sdelay $0x2  }
0xb8: {  	s31 =	sshll.u32 s1, $0xD;
	s1 =	sshrl.u32 s1, $0x2  }
0xb9: {  	s3 =	sand.u32 $0x4000, s31;
	s1 =	sadd.s32 s1, s30  }
0xba: {  	s0 =	sor.u32 s3, s0;
	s1 =	sshll.u32 s1, $0x11  }
0xbb: {  	s0 =	sor.u32 s1, s0  }
0xbc: {  	s0 =	sadd.s32 $0x8F2B, s0  }
0xbd: {  	[sflag:s0] =	ssyncadd.remote.s32 $0x1  }
0xbe: {  	_ =	sfence.sel $0xFFFF  }
0xbf: {  	[dreg:$0x0] =	wrdreg $0xFFFFFFFF;
	(pc) =	sbr.abs _section_cstart, $3  }
0xc0: {  	[dreg:$0x1] =	wrdreg $0xFFFFFFFF  }
0xc1: {  	_ =	task.clear_ibuf [dreg:s6], $0x2FFFF;
	_ =	strace $0x9FFFFFFF  }
0xc2: {  	(tm) =	ssettm $0x7FFFFFFF  }
0xc3: {  	_ =	shalt  }
tec
execute0_lowered:
.L_overlay_start_1:
0x0: {  	(tag) =	ssettag $0x1  }
0x1: {  	s0 =	rddreg [dreg:$0x0]  }
0x2: {  	s1 =	rddreg [dreg:$0x1]  }
0x3: {  	s2 =	simm.s32 $0x0;
	s3 =	srdreg.scid;
	s14 =	stileid.u32  }
0x4: {  	s28 =	simm.s32 $0x4;
	s29 =	simm.s32 $0x0;
	[smem:$0x7FF] =	sst s2  }
0x5: {  	s4 =	sadd.s32 $0xCA00, s0;
	s5 =	sadd.s32 $0x2800, s0;
	s8 =	smul.u32 $0x50000, s14  }
0x6: {  	s3 =	sand.u32 $0x1, s3;
	s6 =	sadd.s32 $0x84A00, s0;
	s16 =	smul.u32 $0x280, s14  }
0x7: {  	s9 =	sadd.s32 $0xC800, s0;
	s0 =	sadd.s32 $0x34A00, s0;
	s31 =	smul.u32 $0x500, s14  }
0x8: {  	_ =	strace $0x8000004A;
	s7 =	ssub.s32 $0x2, s3;
	s10 =	smul.u32 $0x2800, s3  }
0x9: {  	[dreg:$0x3] =	wrdreg s9;
	s3 =	smul.u32 $0x5000, s3;
	s15 =	sshrl.u32 s7, $0x1  }
0xa: {  	s8 =	sshrl.u32 s8, $0x2;
	s11 =	sadd.s32 $0x80, s16;
	s13 =	sadd.s32 $0x100, s16  }
0xb: {  	s25 =	sadd.s32 $0x180, s16;
	s9 =	sadd.s32 $0x200, s16;
	s7 =	ssub.s32 s7, s15  }
0xc: {  	s8 =	sadd.s32 s8, s1;
	s21 =	sadd.s32 s10, s16;
	s12 =	sadd.s32 s10, s11  }
0xd: {  	s23 =	sadd.s32 s10, s13;
	s26 =	sadd.s32 s10, s25;
	s10 =	sadd.s32 s10, s9  }
0xe: {  	s11 =	sshll.u32 s11, $0x7;
	s15 =	sshll.u32 s13, $0x7;
	s7 =	smax.u32 s7, $0x1  }
0xf: {  	s16 =	sshll.u32 s25, $0x7;
	s17 =	sadd.s32 $0x1000, s8;
	[dreg:$0x4] =	wrdreg s7  }
0x10: {  	s18 =	sadd.s32 $0x2000, s8;
	s19 =	sadd.s32 $0x3000, s8;
	[dreg:$0x5] =	wrdreg s17  }
0x11: {  	s20 =	sadd.s32 $0x4000, s8;
	s22 =	sshll.u32 s12, $0x4;
	[dreg:$0x6] =	wrdreg s18  }
0x12: {  	s24 =	sshll.u32 s23, $0x4;
	s30 =	sshll.u32 s10, $0x4;
	[dreg:$0x7] =	wrdreg s19  }
0x13: {  	s14 =	sadd.s32 $0x6000, s8;
	s23 =	sadd.s32 $0x9000, s8;
	[dreg:$0x8] =	wrdreg s20  }
0x14: {  	s25 =	sadd.s32 $0xB000, s8;
	s10 =	sadd.s32 $0x10000, s8;
	[dreg:$0xf] =	wrdreg s14  }
0x15: {  	s12 =	sadd.s32 $0x12000, s8;
	s13 =	sadd.s32 $0x13000, s8;
	[dreg:$0x16] =	wrdreg s23  }
0x16: {  	s7 =	sshll.u32 s21, $0x4;
	s18 =	sadd.s32 s16, s1;
	[dreg:$0x18] =	wrdreg s25  }
0x17: {  	s20 =	sadd.s32 s31, s3;
	s21 =	sadd.s32 $0x7000, s8;
	[dreg:$0x12] =	wrdreg s18  }
0x18: {  	s17 =	sshll.u32 s9, $0x7;
	s31 =	sadd.s32 $0xE000, s8;
	[dreg:$0x14] =	wrdreg s21  }
0x19: {  	s9 =	sadd.s32 $0xF000, s8;
	s7 =	sadd.s32 s0, s7;
	[dreg:$0x1b] =	wrdreg s31  }
0x1a: {  	s14 =	simm.s32 $0x1C200;
	s19 =	sadd.s32 s17, s1;
	[dreg:$0x9] =	wrdreg s7  }
0x1b: {  	s16 =	simm.s32 $0x14000;
	s7 =	sadd.s32 s0, s22;
	[dreg:$0x13] =	wrdreg s19  }
0x1c: {  	s23 =	simm.s32 $0x14200;
	s22 =	sadd.s32 $0x8000, s8;
	[dreg:$0xa] =	wrdreg s7  }
0x1d: {  	s25 =	simm.s32 $0x3;
	s7 =	sadd.s32 s0, s24;
	[dreg:$0x15] =	wrdreg s22  }
0x1e: {  	s17 =	simm.s32 $0x14100;
	s24 =	sadd.s32 $0xA000, s8;
	[dreg:$0xb] =	wrdreg s7  }
0x1f: {  	s7 =	sshll.u32 s26, $0x4;
	[dreg:$0x17] =	wrdreg s24;
	s26 =	sadd.s32 $0xC000, s8  }
0x20: {  	s18 =	simm.s32 $0x14080;
	s7 =	sadd.s32 s0, s7;
	[dreg:$0x19] =	wrdreg s26  }
0x21: {  	s21 =	simm.s32 $0x1;
	s0 =	sadd.s32 s0, s30;
	[dreg:$0xc] =	wrdreg s7  }
0x22: {  	s19 =	simm.s32 $0x14180;
	s30 =	sadd.s32 $0xD000, s8;
	[dreg:$0xd] =	wrdreg s0  }
0x23: {  	s22 =	simm.s32 $0x80;
	s7 =	sadd.s32 $0x5000, s8;
	[dreg:$0x1a] =	wrdreg s30  }
0x24: {  	s24 =	simm.s32 $0x2;
	s0 =	sadd.s32 s11, s1;
	[dreg:$0xe] =	wrdreg s7  }
0x25: {  	s26 =	simm.s32 $0x18200;
	[dreg:$0x10] =	wrdreg s0;
	s0 =	sadd.s32 s15, s1  }
0x26: {  	s11 =	sadd.s32 $0x11000, s8;
	s15 =	simm.s32 $0x5;
	[dreg:$0x11] =	wrdreg s0  }
.LBB2_1:
0x27: {  	s0 =	rddreg [dreg:$0x3]  }
0x28: {  	[tilespmem:s14], [sflag:$0x5] =	stream.linear.gather [hbm4b:s0+s2], $0x1000, $0x38;
	[tilespmem:$0x1D200] =	vst v63  }
0x29: {  	_ =	swait.ge [sflag:s15], $0x1000  }
0x2a: {  	[sflag:s15] =	ssyncset.done $0x0  }
0x2b: {  	[sflag:s15] =	ssyncadd.s32 $0xFFFFF000  }
0x2c: {  	[spmem:s8] =	stream.linear.scatter [tilespmem:s14], [sflag:$0x5], $0x1000, $0x38;
	[tilespmem:$0x1D200] =	vst v63  }
0x2d: {  	_ =	swait.ge [sflag:s15], $0x1000  }
0x2e: {  	[sflag:s15] =	ssyncset.done $0x0  }
0x2f: {  	s7 =	rddreg [dreg:$0x5];
	[sflag:s15] =	ssyncadd.s32 $0xFFFFF000  }
0x30: {  	[spmem:s7] =	stream.linear.scatter [tilespmem:s14], [sflag:$0x5], $0x1000, $0x38;
	[tilespmem:$0x1D200] =	vst v63  }
0x31: {  	_ =	swait.ge [sflag:s15], $0x1000  }
0x32: {  	[sflag:s15] =	ssyncset.done $0x0  }
0x33: {  	s31 =	rddreg [dreg:$0x6];
	[sflag:s15] =	ssyncadd.s32 $0xFFFFF000  }
0x34: {  	[spmem:s31] =	stream.linear.scatter [tilespmem:s14], [sflag:$0x5], $0x1000, $0x38;
	[tilespmem:$0x1D200] =	vst v63  }
0x35: {  	_ =	swait.ge [sflag:s15], $0x1000  }
0x36: {  	[sflag:s15] =	ssyncset.done $0x0  }
0x37: {  	s3 =	rddreg [dreg:$0x7];
	[sflag:s15] =	ssyncadd.s32 $0xFFFFF000  }
0x38: {  	[spmem:s3] =	stream.linear.scatter [tilespmem:s14], [sflag:$0x5], $0x1000, $0x38;
	[tilespmem:$0x1D200] =	vst v63  }
0x39: {  	_ =	swait.ge [sflag:s15], $0x1000  }
0x3a: {  	[sflag:s15] =	ssyncset.done $0x0  }
0x3b: {  	s7 =	rddreg [dreg:$0x8];
	[sflag:s15] =	ssyncadd.s32 $0xFFFFF000  }
0x3c: {  	[spmem:s7] =	stream.linear.scatter [tilespmem:s14], [sflag:$0x5], $0x1000, $0x38;
	[tilespmem:$0x1D200] =	vst v63  }
0x3d: {  	_ =	swait.ge [sflag:s15], $0x1000  }
0x3e: {  	[sflag:s15] =	ssyncset.done $0x0  }
0x3f: {  	s31 =	rddreg [dreg:$0xe];
	[sflag:s15] =	ssyncadd.s32 $0xFFFFF000  }
0x40: {  	[spmem:s31] =	stream.linear.scatter [tilespmem:s14], [sflag:$0x5], $0x1000, $0x38;
	[tilespmem:$0x1D200] =	vst v63  }
0x41: {  	_ =	swait.ge [sflag:s15], $0x1000  }
0x42: {  	[sflag:s15] =	ssyncset.done $0x0  }
0x43: {  	s3 =	rddreg [dreg:$0xf];
	[sflag:s15] =	ssyncadd.s32 $0xFFFFF000  }
0x44: {  	[spmem:s3] =	stream.linear.scatter [tilespmem:s14], [sflag:$0x5], $0x1000, $0x38;
	[tilespmem:$0x1D200] =	vst v63  }
0x45: {  	_ =	swait.ge [sflag:s15], $0x1000  }
0x46: {  	[sflag:s15] =	ssyncset.done $0x0  }
0x47: {  	s7 =	rddreg [dreg:$0x14];
	[sflag:s15] =	ssyncadd.s32 $0xFFFFF000  }
0x48: {  	[spmem:s7] =	stream.linear.scatter [tilespmem:s14], [sflag:$0x5], $0x1000, $0x38;
	[tilespmem:$0x1D200] =	vst v63  }
0x49: {  	_ =	swait.ge [sflag:s15], $0x1000  }
0x4a: {  	[sflag:s15] =	ssyncset.done $0x0  }
0x4b: {  	s31 =	rddreg [dreg:$0x15];
	[sflag:s15] =	ssyncadd.s32 $0xFFFFF000  }
0x4c: {  	[spmem:s31] =	stream.linear.scatter [tilespmem:s14], [sflag:$0x5], $0x1000, $0x38;
	[tilespmem:$0x1D200] =	vst v63  }
0x4d: {  	_ =	swait.ge [sflag:s15], $0x1000  }
0x4e: {  	[sflag:s15] =	ssyncset.done $0x0  }
0x4f: {  	s3 =	rddreg [dreg:$0x16];
	[sflag:s15] =	ssyncadd.s32 $0xFFFFF000  }
0x50: {  	[spmem:s3] =	stream.linear.scatter [tilespmem:s14], [sflag:$0x5], $0x1000, $0x38;
	[tilespmem:$0x1D200] =	vst v63  }
0x51: {  	_ =	swait.ge [sflag:s15], $0x1000  }
0x52: {  	[sflag:s15] =	ssyncset.done $0x0  }
0x53: {  	s7 =	rddreg [dreg:$0x17];
	[sflag:s15] =	ssyncadd.s32 $0xFFFFF000  }
0x54: {  	[spmem:s7] =	stream.linear.scatter [tilespmem:s14], [sflag:$0x5], $0x1000, $0x38;
	[tilespmem:$0x1D200] =	vst v63  }
0x55: {  	_ =	swait.ge [sflag:s15], $0x1000  }
0x56: {  	[sflag:s15] =	ssyncset.done $0x0  }
0x57: {  	s31 =	rddreg [dreg:$0x18];
	[sflag:s15] =	ssyncadd.s32 $0xFFFFF000  }
0x58: {  	[spmem:s31] =	stream.linear.scatter [tilespmem:s14], [sflag:$0x5], $0x1000, $0x38;
	[tilespmem:$0x1D200] =	vst v63  }
0x59: {  	_ =	swait.ge [sflag:s15], $0x1000  }
0x5a: {  	[sflag:s15] =	ssyncset.done $0x0  }
0x5b: {  	s3 =	rddreg [dreg:$0x19];
	[sflag:s15] =	ssyncadd.s32 $0xFFFFF000  }
0x5c: {  	[spmem:s3] =	stream.linear.scatter [tilespmem:s14], [sflag:$0x5], $0x1000, $0x38;
	[tilespmem:$0x1D200] =	vst v63  }
0x5d: {  	_ =	swait.ge [sflag:s15], $0x1000  }
0x5e: {  	[sflag:s15] =	ssyncset.done $0x0  }
0x5f: {  	s7 =	rddreg [dreg:$0x1a];
	[sflag:s15] =	ssyncadd.s32 $0xFFFFF000  }
0x60: {  	[spmem:s7] =	stream.linear.scatter [tilespmem:s14], [sflag:$0x5], $0x1000, $0x38;
	[tilespmem:$0x1D200] =	vst v63  }
0x61: {  	_ =	swait.ge [sflag:s15], $0x1000  }
0x62: {  	[sflag:s15] =	ssyncset.done $0x0  }
0x63: {  	s31 =	rddreg [dreg:$0x1b];
	[sflag:s15] =	ssyncadd.s32 $0xFFFFF000  }
0x64: {  	[spmem:s31] =	stream.linear.scatter [tilespmem:s14], [sflag:$0x5], $0x1000, $0x38;
	[tilespmem:$0x1D200] =	vst v63  }
0x65: {  	_ =	swait.ge [sflag:s15], $0x1000  }
0x66: {  	[sflag:s15] =	ssyncset.done $0x0  }
0x67: {  	[sflag:s15] =	ssyncadd.s32 $0xFFFFF000  }
0x68: {  	[spmem:s9] =	stream.linear.scatter [tilespmem:s14], [sflag:$0x5], $0x1000, $0x38;
	[tilespmem:$0x1D200] =	vst v63  }
0x69: {  	_ =	swait.ge [sflag:s15], $0x1000  }
0x6a: {  	[sflag:s15] =	ssyncset.done $0x0  }
0x6b: {  	[sflag:s15] =	ssyncadd.s32 $0xFFFFF000  }
0x6c: {  	[spmem:s10] =	stream.linear.scatter [tilespmem:s14], [sflag:$0x5], $0x1000, $0x38;
	[tilespmem:$0x1D200] =	vst v63  }
0x6d: {  	_ =	swait.ge [sflag:s15], $0x1000  }
0x6e: {  	[sflag:s15] =	ssyncset.done $0x0  }
0x6f: {  	[sflag:s15] =	ssyncadd.s32 $0xFFFFF000  }
0x70: {  	[spmem:s11] =	stream.linear.scatter [tilespmem:s14], [sflag:$0x5], $0x1000, $0x38;
	[tilespmem:$0x1D200] =	vst v63  }
0x71: {  	_ =	swait.ge [sflag:s15], $0x1000  }
0x72: {  	[sflag:s15] =	ssyncset.done $0x0  }
0x73: {  	[sflag:s15] =	ssyncadd.s32 $0xFFFFF000  }
0x74: {  	[spmem:s12] =	stream.linear.scatter [tilespmem:s14], [sflag:$0x5], $0x1000, $0x38;
	[tilespmem:$0x1D200] =	vst v63  }
0x75: {  	_ =	swait.ge [sflag:s15], $0x1000  }
0x76: {  	[sflag:s15] =	ssyncset.done $0x0  }
0x77: {  	[sflag:s15] =	ssyncadd.s32 $0xFFFFF000  }
0x78: {  	[spmem:s13] =	stream.linear.scatter [tilespmem:s14], [sflag:$0x5], $0x1000, $0x38;
	[tilespmem:$0x1D200] =	vst v63  }
0x79: {  	s3 =	sadd.s32 $0x0, s20;
	_ =	swait.ge [sflag:s15], $0x1000  }
0x7a: {  	s0 =	sand.u32 $0x1FF80, s3;
	s3 =	sand.u32 $0x60, s2;
	[sflag:s15] =	ssyncset.done $0x0  }
0x7b: {  	s0 =	sor.u32 s3, s0;
	[sflag:s15] =	ssyncadd.s32 $0xFFFFF000  }
0x7c: {  	s3 =	sadd.s32 s5, s0;
	[bflag:$0x0] =	sbarrier.arrive $0xFFFF  }
0x7d: {  	[tilespmem:s16], [sflag:$0x1] =	stream.linear.gather [hbm4b:s3+s2], $0x80, $0x38;
	[tilespmem:$0x1D200] =	vst v63  }
0x7e: {  	s7 =	sadd.s32 s6, s0;
	s0 =	sor.u32 $0x10, s0  }
0x7f: {  	[tilespmem:s17], [sflag:$0x1] =	stream.linear.gather [hbm4b:s7+s2], $0x80, $0x38;
	[tilespmem:$0x1D200] =	vst v63  }
0x80: {  	s31 =	sadd.s32 s5, s0  }
0x81: {  	[tilespmem:s18], [sflag:$0x2] =	stream.linear.gather [hbm4b:s31+s2], $0x80, $0x38;
	[tilespmem:$0x1D200] =	vst v63  }
0x82: {  	s0 =	sadd.s32 s6, s0  }
0x83: {  	[tilespmem:s19], [sflag:$0x2] =	stream.linear.gather [hbm4b:s0+s2], $0x80, $0x38;
	[tilespmem:$0x1D200] =	vst v63  }
0x84: {  	_ =	swait.ge [sflag:s21], $0x80  }
0x85: {  	[sflag:s21] =	ssyncset.done $0x0  }
0x86: {  	[sflag:s21] =	ssyncadd.s32 $0xFFFFFF80  }
0x87: {  	_ =	swait.ge [sflag:s21], $0x80  }
0x88: {  	[sflag:s21] =	ssyncset.done $0x0  }
0x89: {  	[sflag:s21] =	ssyncadd.s32 $0xFFFFFF80  }
0x8a: {  	[tilespmem:s23], [sflag:$0x3] =	stream.indirect.gather [hbm4b:s4+s22], $0x80, s16, s22, $0xb8;
	[tilespmem:$0x1D200] =	vst v63  }
0x8b: {  	_ =	swait.ge [sflag:s24], $0x80  }
0x8c: {  	[sflag:s24] =	ssyncset.done $0x0  }
0x8d: {  	[sflag:s24] =	ssyncadd.s32 $0xFFFFFF80  }
0x8e: {  	_ =	swait.ge [sflag:s24], $0x80  }
0x8f: {  	[sflag:s24] =	ssyncset.done $0x0  }
0x90: {  	[sflag:s24] =	ssyncadd.s32 $0xFFFFFF80  }
0x91: {  	_ =	swait.ge [sflag:s25], $0x4000  }
0x92: {  	[sflag:s25] =	ssyncset.done $0x0  }
0x93: {  	[sflag:s25] =	ssyncadd.s32 $0xFFFFC000  }
0x94: {  	[tilespmem:s26], [sflag:$0x4] =	stream.indirect.gather [hbm4b:s4+s22], $0x80, s18, s22, $0xb8;
	[tilespmem:$0x1D200] =	vst v63  }
0x95: {  	_ = 	snop  }
0x96: {  	[spmem:s1] =	stream.indirect.scatter.add.f32 [tilespmem:s23], [sflag:$0x5], $0x80, s17, s22, $0xb8;
	[tilespmem:$0x1D200] =	vst v63  }
0x97: {  	_ =	swait.ge [sflag:s15], $0x4000  }
0x98: {  	[sflag:s15] =	ssyncset.done $0x0  }
0x99: {  	[sflag:s15] =	ssyncadd.s32 $0xFFFFC000  }
0x9a: {  	_ =	swait.ge [sflag:s28], $0x4000  }
0x9b: {  	[sflag:s28] =	ssyncset.done $0x0  }
0x9c: {  	s7 =	simm.s32 $0x20;
	s31 =	sadd.s32 $0x20, s20;
	[sflag:s28] =	ssyncadd.s32 $0xFFFFC000  }
0x9d: {  	[spmem:s1] =	stream.indirect.scatter.add.f32 [tilespmem:s26], [sflag:$0x5], $0x80, s19, s22, $0xb8;
	[tilespmem:$0x1D200] =	vst v63  }
0x9e: {  	s3 =	sand.u32 $0x1FF80, s31;
	s0 =	sand.u32 $0x60, s7;
	_ =	swait.ge [sflag:s15], $0x4000  }
0x9f: {  	s30 =	simm.s32 $0x40;
	s0 =	sor.u32 s0, s3;
	[sflag:s15] =	ssyncset.done $0x0  }
.LBB2_2:
0xa0: {  	s7 =	sadd.s32 s5, s0  }
0xa1: {  	[sflag:s15] =	ssyncadd.s32 $0xFFFFC000;
	s31 =	smov.u32 s30;
	s3 =	sadd.s32 $0x20, s30  }
0xa2: {  	[tilespmem:s16], [sflag:$0x1] =	stream.linear.gather [hbm4b:s7+s2], $0x80, $0x38;
	[tilespmem:$0x1D200] =	vst v63  }
0xa3: {  	p0 =	sne.s32 s30, $0x4E0;
	s7 =	sadd.s32 s6, s0;
	s0 =	sor.u32 $0x10, s0  }
0xa4: {  	[tilespmem:s17], [sflag:$0x1] =	stream.linear.gather [hbm4b:s7+s2], $0x80, $0x38;
	[tilespmem:$0x1D200] =	vst v63  }
0xa5: {  	s7 =	sadd.s32 s5, s0  }
0xa6: {  	[tilespmem:s18], [sflag:$0x2] =	stream.linear.gather [hbm4b:s7+s2], $0x80, $0x38;
	[tilespmem:$0x1D200] =	vst v63  }
0xa7: {  	s0 =	sadd.s32 s6, s0  }
0xa8: {  	[tilespmem:s19], [sflag:$0x2] =	stream.linear.gather [hbm4b:s0+s2], $0x80, $0x38;
	[tilespmem:$0x1D200] =	vst v63  }
0xa9: {  	_ =	swait.ge [sflag:s21], $0x80  }
0xaa: {  	[sflag:s21] =	ssyncset.done $0x0  }
0xab: {  	[sflag:s21] =	ssyncadd.s32 $0xFFFFFF80  }
0xac: {  	_ =	swait.ge [sflag:s21], $0x80  }
0xad: {  	[sflag:s21] =	ssyncset.done $0x0  }
0xae: {  	[sflag:s21] =	ssyncadd.s32 $0xFFFFFF80  }
0xaf: {  	[tilespmem:s23], [sflag:$0x3] =	stream.indirect.gather [hbm4b:s4+s22], $0x80, s16, s22, $0xb8;
	[tilespmem:$0x1D200] =	vst v63  }
0xb0: {  	_ =	swait.ge [sflag:s24], $0x80  }
0xb1: {  	[sflag:s24] =	ssyncset.done $0x0  }
0xb2: {  	[sflag:s24] =	ssyncadd.s32 $0xFFFFFF80  }
0xb3: {  	_ =	swait.ge [sflag:s24], $0x80  }
0xb4: {  	[sflag:s24] =	ssyncset.done $0x0  }
0xb5: {  	[sflag:s24] =	ssyncadd.s32 $0xFFFFFF80  }
0xb6: {  	_ =	swait.ge [sflag:s25], $0x4000  }
0xb7: {  	[sflag:s25] =	ssyncset.done $0x0  }
0xb8: {  	[sflag:s25] =	ssyncadd.s32 $0xFFFFC000  }
0xb9: {  	[tilespmem:s26], [sflag:$0x4] =	stream.indirect.gather [hbm4b:s4+s22], $0x80, s18, s22, $0xb8;
	[tilespmem:$0x1D200] =	vst v63  }
0xba: {  	_ = 	snop  }
0xbb: {  	[spmem:s1] =	stream.indirect.scatter.add.f32 [tilespmem:s23], [sflag:$0x5], $0x80, s17, s22, $0xb8;
	[tilespmem:$0x1D200] =	vst v63  }
0xbc: {  	_ =	swait.ge [sflag:s15], $0x4000  }
0xbd: {  	[sflag:s15] =	ssyncset.done $0x0  }
0xbe: {  	[sflag:s15] =	ssyncadd.s32 $0xFFFFC000  }
0xbf: {  	_ =	swait.ge [sflag:s28], $0x4000  }
.Ltmp0:
0xc0: {  	[sflag:s28] =	ssyncset.done $0x0;
	(pc) =	sbr.rel @p0 .LBB2_2-.Ltmp0, $4  }
0xc1: {  	s0 =	sadd.s32 s31, s20;
	[sflag:s28] =	ssyncadd.s32 $0xFFFFC000  }
0xc2: {  	[spmem:s1] =	stream.indirect.scatter.add.f32 [tilespmem:s26], [sflag:$0x5], $0x80, s19, s22, $0xb8;
	[tilespmem:$0x1D200] =	vst v63  }
0xc3: {  	s7 =	sand.u32 $0x60, s31;
	s0 =	sand.u32 $0x1FF80, s0;
	_ =	swait.ge [sflag:s15], $0x4000  }
0xc4: {  	s30 =	smov.u32 s3;
	s0 =	sor.u32 s7, s0;
	[sflag:s15] =	ssyncset.done $0x0  }
0xc5: {  	s3 =	sadd.s32 s5, s0;
	[sflag:s15] =	ssyncadd.s32 $0xFFFFC000  }
0xc6: {  	[tilespmem:s16], [sflag:$0x1] =	stream.linear.gather [hbm4b:s3+s2], $0x80, $0x38;
	[tilespmem:$0x1D200] =	vst v63  }
0xc7: {  	s30 =	sadd.s32 s6, s0;
	s31 =	sor.u32 $0x10, s0  }
0xc8: {  	[tilespmem:s17], [sflag:$0x1] =	stream.linear.gather [hbm4b:s30+s2], $0x80, $0x38;
	[tilespmem:$0x1D200] =	vst v63  }
0xc9: {  	s7 =	sadd.s32 s5, s31  }
0xca: {  	[tilespmem:s18], [sflag:$0x2] =	stream.linear.gather [hbm4b:s7+s2], $0x80, $0x38;
	[tilespmem:$0x1D200] =	vst v63  }
0xcb: {  	s0 =	sadd.s32 s6, s31  }
0xcc: {  	[tilespmem:s19], [sflag:$0x2] =	stream.linear.gather [hbm4b:s0+s2], $0x80, $0x38;
	[tilespmem:$0x1D200] =	vst v63  }
0xcd: {  	_ =	swait.ge [sflag:s21], $0x80  }
0xce: {  	[sflag:s21] =	ssyncset.done $0x0  }
0xcf: {  	[sflag:s21] =	ssyncadd.s32 $0xFFFFFF80  }
0xd0: {  	_ =	swait.ge [sflag:s21], $0x80  }
0xd1: {  	[sflag:s21] =	ssyncset.done $0x0  }
0xd2: {  	[sflag:s21] =	ssyncadd.s32 $0xFFFFFF80  }
0xd3: {  	[tilespmem:s23], [sflag:$0x3] =	stream.indirect.gather [hbm4b:s4+s22], $0x80, s16, s22, $0xb8;
	[tilespmem:$0x1D200] =	vst v63  }
0xd4: {  	_ =	swait.ge [sflag:s24], $0x80  }
0xd5: {  	[sflag:s24] =	ssyncset.done $0x0  }
0xd6: {  	[sflag:s24] =	ssyncadd.s32 $0xFFFFFF80  }
0xd7: {  	_ =	swait.ge [sflag:s24], $0x80  }
0xd8: {  	[sflag:s24] =	ssyncset.done $0x0  }
0xd9: {  	[sflag:s24] =	ssyncadd.s32 $0xFFFFFF80  }
0xda: {  	_ =	swait.ge [sflag:s25], $0x4000  }
0xdb: {  	[sflag:s25] =	ssyncset.done $0x0  }
0xdc: {  	[sflag:s25] =	ssyncadd.s32 $0xFFFFC000  }
0xdd: {  	[tilespmem:s26], [sflag:$0x4] =	stream.indirect.gather [hbm4b:s4+s22], $0x80, s18, s22, $0xb8;
	[tilespmem:$0x1D200] =	vst v63  }
0xde: {  	_ = 	snop  }
0xdf: {  	[spmem:s1] =	stream.indirect.scatter.add.f32 [tilespmem:s23], [sflag:$0x5], $0x80, s17, s22, $0xb8;
	[tilespmem:$0x1D200] =	vst v63  }
0xe0: {  	_ =	swait.ge [sflag:s15], $0x4000  }
0xe1: {  	[sflag:s15] =	ssyncset.done $0x0  }
0xe2: {  	[sflag:s15] =	ssyncadd.s32 $0xFFFFC000  }
0xe3: {  	_ =	swait.ge [sflag:s28], $0x4000  }
0xe4: {  	[sflag:s28] =	ssyncset.done $0x0  }
0xe5: {  	[sflag:s28] =	ssyncadd.s32 $0xFFFFC000  }
0xe6: {  	[spmem:s1] =	stream.indirect.scatter.add.f32 [tilespmem:s26], [sflag:$0x5], $0x80, s19, s22, $0xb8;
	[tilespmem:$0x1D200] =	vst v63  }
0xe7: {  	_ =	swait.ge [sflag:s15], $0x4000  }
0xe8: {  	[sflag:s15] =	ssyncset.done $0x0  }
0xe9: {  	[sflag:s15] =	ssyncadd.s32 $0xFFFFC000  }
0xea: {  	[bflag:$0x0] =	sbarrier.arrive $0xFFFF  }
0xeb: {  	[tilespmem:s23], [sflag:$0x5] =	stream.linear.gather [spmem:s8], $0x4000, $0x38;
	[tilespmem:$0x1D200] =	vst v63  }
0xec: {  	_ =	swait.ge [sflag:s15], $0x4000  }
0xed: {  	[sflag:s15] =	ssyncset.done $0x0  }
0xee: {  	s30 =	rddreg [dreg:$0x9];
	[sflag:s15] =	ssyncadd.s32 $0xFFFFC000  }
0xef: {  	[hbm4b:s30+s2] =	stream.linear.scatter [tilespmem:s23], [sflag:$0x5], $0x4000, $0x38;
	[tilespmem:$0x1D200] =	vst v63  }
0xf0: {  	_ =	swait.ge [sflag:s15], $0x4000  }
0xf1: {  	[sflag:s15] =	ssyncset.done $0x0  }
0xf2: {  	s31 =	rddreg [dreg:$0x10];
	[sflag:s15] =	ssyncadd.s32 $0xFFFFC000  }
0xf3: {  	[tilespmem:s23], [sflag:$0x5] =	stream.linear.gather [spmem:s31], $0x4000, $0x38;
	[tilespmem:$0x1D200] =	vst v63  }
0xf4: {  	_ =	swait.ge [sflag:s15], $0x4000  }
0xf5: {  	[sflag:s15] =	ssyncset.done $0x0  }
0xf6: {  	s3 =	rddreg [dreg:$0xa];
	[sflag:s15] =	ssyncadd.s32 $0xFFFFC000  }
0xf7: {  	[hbm4b:s3+s2] =	stream.linear.scatter [tilespmem:s23], [sflag:$0x5], $0x4000, $0x38;
	[tilespmem:$0x1D200] =	vst v63  }
0xf8: {  	_ =	swait.ge [sflag:s15], $0x4000  }
0xf9: {  	[sflag:s15] =	ssyncset.done $0x0  }
0xfa: {  	s7 =	rddreg [dreg:$0x11];
	[sflag:s15] =	ssyncadd.s32 $0xFFFFC000  }
0xfb: {  	[tilespmem:s23], [sflag:$0x5] =	stream.linear.gather [spmem:s7], $0x4000, $0x38;
	[tilespmem:$0x1D200] =	vst v63  }
0xfc: {  	_ =	swait.ge [sflag:s15], $0x4000  }
0xfd: {  	[sflag:s15] =	ssyncset.done $0x0  }
0xfe: {  	s30 =	rddreg [dreg:$0xb];
	[sflag:s15] =	ssyncadd.s32 $0xFFFFC000  }
0xff: {  	[hbm4b:s30+s2] =	stream.linear.scatter [tilespmem:s23], [sflag:$0x5], $0x4000, $0x38;
	[tilespmem:$0x1D200] =	vst v63  }
0x100: {  	_ =	swait.ge [sflag:s15], $0x4000  }
0x101: {  	[sflag:s15] =	ssyncset.done $0x0  }
0x102: {  	s31 =	rddreg [dreg:$0x12];
	[sflag:s15] =	ssyncadd.s32 $0xFFFFC000  }
0x103: {  	[tilespmem:s23], [sflag:$0x5] =	stream.linear.gather [spmem:s31], $0x4000, $0x38;
	[tilespmem:$0x1D200] =	vst v63  }
0x104: {  	_ =	swait.ge [sflag:s15], $0x4000  }
0x105: {  	[sflag:s15] =	ssyncset.done $0x0  }
0x106: {  	s3 =	rddreg [dreg:$0xc];
	[sflag:s15] =	ssyncadd.s32 $0xFFFFC000  }
0x107: {  	[hbm4b:s3+s2] =	stream.linear.scatter [tilespmem:s23], [sflag:$0x5], $0x4000, $0x38;
	[tilespmem:$0x1D200] =	vst v63  }
0x108: {  	_ =	swait.ge [sflag:s15], $0x4000  }
0x109: {  	[sflag:s15] =	ssyncset.done $0x0  }
0x10a: {  	s7 =	rddreg [dreg:$0x13];
	[sflag:s15] =	ssyncadd.s32 $0xFFFFC000  }
0x10b: {  	[tilespmem:s23], [sflag:$0x5] =	stream.linear.gather [spmem:s7], $0x4000, $0x38;
	[tilespmem:$0x1D200] =	vst v63  }
0x10c: {  	_ =	swait.ge [sflag:s15], $0x4000  }
0x10d: {  	[sflag:s15] =	ssyncset.done $0x0  }
0x10e: {  	s30 =	rddreg [dreg:$0xd];
	[sflag:s15] =	ssyncadd.s32 $0xFFFFC000  }
0x10f: {  	[hbm4b:s30+s2] =	stream.linear.scatter [tilespmem:s23], [sflag:$0x5], $0x4000, $0x38;
	[tilespmem:$0x1D200] =	vst v63  }
0x110: {  	_ =	swait.ge [sflag:s15], $0x4000  }
0x111: {  	s29 =	sadd.s32 $0x1, s29;
	s31 =	rddreg [dreg:$0x4]  }
0x112: {  	p0 =	sne.s32 s29, s31  }
.Ltmp1:
0x113: {  	_ = 	snop;
	(pc) =	sbr.rel @p0 .LBB2_1-.Ltmp1, $3  }
0x114: {  	_ =	sdelay $0x1  }
0x115: {  	[sflag:s15] =	ssyncset.done $0x0  }
0x116: {  	[sflag:s15] =	ssyncadd.s32 $0xFFFFC000  }
0x117: {  	_ =	sfence.sel $0x180000  }
0x118: {  	[bflag:$0x0] =	sbarrier.arrive $0xFFFF  }
0x119: {  	_ =	strace $0x9000004A  }
0x11a: {  	s0 =	stileid.u32;
	[bflag:$0x2] =	sbarrier.arrive $0xFFFF  }
0x11b: {  	p0 =	sne.s32 s0, $0x0;
	s0 =	rddreg [dreg:$0x2]  }
0x11c: {  	s0 =	sadd.s32 @!p0 $0x100000, s0  }
0x11d: {  	[sflag:s0] =	ssyncadd.tile.s32 @!p0 $0x1;
	_ =	shalt  }
.Lfunc_end2:
_tile_overlayer_lowered:
.L_overlay_start_2:
0x11e: {  	(tag) =	ssettag $0x2  }
0x11f: {  	s0 =	rddreg [dreg:$0x0];
	s2 =	stileid.u32  }
0x120: {  	s1 =	rddreg [dreg:$0x1];
	p0 =	sne.s32 s2, $0x0  }
0x121: {  	s3 =	rddreg [dreg:$0x2];
	[bflag:$0x3] =	sbarrier.arrive $0xFFFF;
	s2 =	simm.s32 @!p0 $0x1C05  }
0x122: {  	[timem:s3], [sflag:s2] =	dma.local @!p0 [hbm:s0], s1  }
0x123: {  	s0 =	simm.s32 @!p0 $0x5  }
0x124: {  	_ =	swait.ge @!p0 [sflag:s0], s1  }
0x125: {  	s1 =	ssub.s32 @!p0 $0x0, s1;
	[sflag:s0] =	ssyncset.done @!p0 $0x0  }
0x126: {  	[sflag:s0] =	ssyncadd.s32 @!p0 s1  }
0x127: {  	[bflag:$0x3] =	sbarrier.arrive $0xFFFF  }
0x128: {  	_ =	shalt  }

// kernel: kernel.16.cloned.1.call-start
scs
__scs_entry_jumppad:
0x0: {  	(pc) =	sbr.rel $0x88, $3  }
0x1: {  	(tag) =	ssettag $0x0;
	lr =	simm.s32 $0x1  }
0x2: {  	[smem:$0x3F99] =	sst lr;
	_ =	strace $0xD0000000  }
0x3: {  	_ = 	snop  }
0x4: {  	_ = 	snop  }
0x5: {  	_ = 	snop  }
0x6: {  	_ = 	snop  }
0x7: {  	_ = 	snop  }
__scs_overlays_trampoline_lowered:
0x8: {  	[smem:$0x3FA8] =	sst s0  }
0x9: {  	[smem:$0x3FA9] =	sst s1  }
0xa: {  	[smem:$0x3FAA] =	sst s2  }
0xb: {  	[smem:$0x3FAB] =	sst s3  }
0xc: {  	[smem:$0x3FAC] =	sst s4  }
0xd: {  	[smem:$0x3FAD] =	sst s5  }
0xe: {  	[smem:$0x3FAE] =	sst s6  }
0xf: {  	[smem:$0x3FAF] =	sst s7  }
0x10: {  	[smem:$0x3FB0] =	sst s8  }
0x11: {  	[smem:$0x3FB1] =	sst s9;
	s0 =	simm.s32 @!p0 $0x0  }
0x12: {  	s1 =	sld [smem:$0x3F97];
	s0 =	simm.s32 @p0 $0x1  }
0x13: {  	[smem:$0x3FB2] =	sst s0;
	s0 =	simm.s32 @!p1 $0x0  }
0x14: {  	s2 =	sld [smem:$0x3F96];
	s0 =	simm.s32 @p1 $0x1  }
0x15: {  	[smem:$0x3FB3] =	sst s0;
	s0 =	simm.s32 @!p2 $0x0  }
0x16: {  	s3 =	sld [smem:$0x3FDB];
	s0 =	simm.s32 @p2 $0x1  }
0x17: {  	s4 =	simm.s32 $0x1BF5;
	[smem:$0x3FB5] =	sst s0  }
0x18: {  	s0 =	sld [smem:$0x3F98];
	_ =	swait.ge [sflag:s4], $0x0  }
0x19: {  	s7 =	sld [smem:$0x3F99]  }
0x1a: {  	s8 =	sadd.s32 $0xFFFFE003, lr  }
0x1b: {  	s9 =	sadd.s32 $0xFFFFFEF7, lr;
	s5 =	simm.s32 $0xFFFFFFFF;
	p2 =	slt.u32 s8, $0xFFFFF086  }
0x1c: {  	p1 =	slt.u32 s9, $0xF7A;
	s5 =	simm.s32 @!p2 $0x0  }
0x1d: {  	s5 =	simm.s32 @p1 $0x1;
	p0 =	seq.s32 s7, s2  }
0x1e: {  	s7 =	smul.u32 @!p0 $0xF7A, s2;
	p2 =	seq.s32 @!p0 s5, $0x0  }
0x1f: {  	s9 =	smul.u32 $0xF7A, s1;
	s8 =	simm.s32 @!p0 $0x1BF5;
	p2 =	por !p2, p0  }
0x20: {  	[sflag:s8] =	ssyncset.s32 @!p0 $0xFFFFF086;
	s6 =	sadd.s32 @!p0 s3, s7;
	s7 =	simm.s32 @!p0 $0x108  }
0x21: {  	s3 =	sadd.s32 s3, s9;
	s6 =	sadd.s32 @!p0 $0x88, s6;
	s7 =	simm.s32 @p2 $0x1082  }
0x22: {  	[simem:s7], [sflag:s8] =	dma.local @!p0 [hbm:s6], $0xF7A  }
0x23: {  	s9 =	sor.u32 $0xD0000000, s2;
	s6 =	simm.s32 $0x108;
	_ =	swait.ge @!p0 [sflag:s8], $0x0  }
0x24: {  	s3 =	sadd.s32 $0x88, s3;
	s6 =	simm.s32 @!p1 $0x1082;
	[sflag:s4] =	ssyncset.s32 $0xFFFFF086  }
0x25: {  	[simem:s6], [sflag:s4] =	dma.local [hbm:s3], $0xF7A  }
0x26: {  	[smem:$0x3F99] =	sst s1;
	(tag) =	ssettag s2;
	_ =	strace s9  }
0x27: {  	s1 =	sld [smem:$0x3FA9]  }
0x28: {  	s2 =	sld [smem:$0x3FAA]  }
0x29: {  	s4 =	sld [smem:$0x3FAC]  }
0x2a: {  	p0 =	seq.s32 s5, $0x0;
	s5 =	sld [smem:$0x3FAD]  }
0x2b: {  	s6 =	sld [smem:$0x3FAE]  }
0x2c: {  	s7 =	sld [smem:$0x3FAF]  }
0x2d: {  	s3 =	simm.s32 $0x108;
	s8 =	sld [smem:$0x3FB0]  }
0x2e: {  	s3 =	simm.s32 @!p0 $0x1082;
	s9 =	sld [smem:$0x3FB1]  }
0x2f: {  	lr =	sadd.s32 s0, s3;
	s0 =	sld [smem:$0x3FA8]  }
0x30: {  	s3 =	sld [smem:$0x3FAB]  }
0x31: {  	[smem:$0x3FB4] =	sst s10  }
0x32: {  	s10 =	sld [smem:$0x3FB2];
	_ =	sdelay $0x3  }
0x33: {  	p0 =	seq.s32 s10, $0x1;
	s10 =	sld [smem:$0x3FB4];
	_ =	sdelay $0x3  }
0x34: {  	[smem:$0x3FB4] =	sst s10  }
0x35: {  	s10 =	sld [smem:$0x3FB3];
	_ =	sdelay $0x3  }
0x36: {  	p1 =	seq.s32 s10, $0x1;
	s10 =	sld [smem:$0x3FB4];
	_ =	sdelay $0x3  }
0x37: {  	[smem:$0x3FB4] =	sst s10  }
0x38: {  	s10 =	sld [smem:$0x3FB5]  }
0x39: {  	_ = 	snop;
	(pc) =	sbr.ind lr, $3  }
0x3a: {  	_ = 	snop  }
0x3b: {  	_ = 	snop  }
0x3c: {  	p2 =	seq.s32 s10, $0x1;
	s10 =	sld [smem:$0x3FB4]  }
0x3d: {  	_ =	shalt  }
0x3e: {  	_ =	shalt  }
0x3f: {  	_ =	shalt  }
0x40: {  	_ =	shalt  }
0x41: {  	_ =	shalt  }
0x42: {  	_ =	shalt  }
0x43: {  	_ =	shalt  }
0x44: {  	_ =	shalt  }
0x45: {  	_ =	shalt  }
0x46: {  	_ =	shalt  }
0x47: {  	_ =	shalt  }
0x48: {  	_ =	shalt  }
0x49: {  	_ =	shalt  }
0x4a: {  	_ =	shalt  }
0x4b: {  	_ =	shalt  }
0x4c: {  	_ =	shalt  }
0x4d: {  	_ =	shalt  }
0x4e: {  	_ =	shalt  }
0x4f: {  	_ =	shalt  }
0x50: {  	_ =	shalt  }
0x51: {  	_ =	shalt  }
0x52: {  	_ =	shalt  }
0x53: {  	_ =	shalt  }
0x54: {  	_ =	shalt  }
0x55: {  	_ =	shalt  }
0x56: {  	_ =	shalt  }
0x57: {  	_ =	shalt  }
0x58: {  	_ =	shalt  }
0x59: {  	_ =	shalt  }
0x5a: {  	_ =	shalt  }
0x5b: {  	_ =	shalt  }
0x5c: {  	_ =	shalt  }
0x5d: {  	_ =	shalt  }
0x5e: {  	_ =	shalt  }
0x5f: {  	_ =	shalt  }
0x60: {  	_ =	shalt  }
0x61: {  	_ =	shalt  }
0x62: {  	_ =	shalt  }
0x63: {  	_ =	shalt  }
0x64: {  	_ =	shalt  }
0x65: {  	_ =	shalt  }
0x66: {  	_ =	shalt  }
0x67: {  	_ =	shalt  }
0x68: {  	_ =	shalt  }
0x69: {  	_ =	shalt  }
0x6a: {  	_ =	shalt  }
0x6b: {  	_ =	shalt  }
0x6c: {  	_ =	shalt  }
0x6d: {  	_ =	shalt  }
0x6e: {  	_ =	shalt  }
0x6f: {  	_ =	shalt  }
0x70: {  	_ =	shalt  }
0x71: {  	_ =	shalt  }
0x72: {  	_ =	shalt  }
0x73: {  	_ =	shalt  }
0x74: {  	_ =	shalt  }
0x75: {  	_ =	shalt  }
0x76: {  	_ =	shalt  }
0x77: {  	_ =	shalt  }
0x78: {  	_ =	shalt  }
0x79: {  	_ =	shalt  }
0x7a: {  	_ =	shalt  }
0x7b: {  	_ =	shalt  }
0x7c: {  	_ =	shalt  }
0x7d: {  	_ =	shalt  }
0x7e: {  	_ =	shalt  }
0x7f: {  	_ =	shalt  }
0x80: {  	_ =	shalt  }
0x81: {  	_ =	shalt  }
0x82: {  	_ =	shalt  }
0x83: {  	_ =	shalt  }
0x84: {  	_ =	shalt  }
0x85: {  	_ =	shalt  }
0x86: {  	_ =	shalt  }
0x87: {  	_ =	shalt  }
.Lfunc_end0:
.L_simem_size_0:
called_computation.2_lowered:
.L_overlay_start_0:
0x88: {  	s2 =	sld [smem:$0x3FD9]  }
0x89: {  	s3 =	sld [smem:$0x3FFE];
	_ =	sdelay $0x1  }
0x8a: {  	s1 =	srdreg.scid  }
0x8b: {  	s0 =	sand.u32 $0x1, s1  }
0x8c: {  	s17 =	sshll.u32 s0, $0xA;
	s2 =	sadd.s32 s3, s2  }
0x8d: {  	s2 =	sadd.s32 s2, s17  }
0x8e: {  	[smem:$0x3FC0] =	sst s2  }
0x8f: {  	_ = 	snop  }
0x90: {  	s2 =	sld [smem:$0x3FD0];
	(tm) =	ssettm $0x1  }
0x91: {  	s18 =	sld [smem:$0x3FFB];
	_ =	sdelay $0x3  }
0x92: {  	_ =	strace s18  }
0x93: {  	s3 =	sld [smem:$0x3FFC];
	_ =	sdelay $0x3  }
0x94: {  	_ =	strace s3  }
0x95: {  	s3 =	sld [smem:$0x3FFD];
	_ =	sdelay $0x3  }
0x96: {  	_ =	strace s3  }
0x97: {  	_ =	strace $0x8FFFFFFF  }
0x98: {  	s19 =	sld [smem:$0x3FDB];
	_ =	sdelay $0x1  }
0x99: {  	s4 =	simm.s32 $_scs_section_size  }
0x9a: {  	s5 =	simm.s32 $_size__tile_overlayer_lowered;
	s6 =	simm.s32 $_tile_overlayer_lowered  }
0x9b: {  	s22 =	simm.s32 $0x1BFF;
	s21 =	sshll.u32 s6, $0x1;
	s3 =	sadd.s32 s4, s19  }
0x9c: {  	s7 =	simm.s32 $0x0;
	s20 =	sshll.u32 s5, $0x1;
	s5 =	sadd.s32 s21, s3  }
0x9d: {  	[timem:s7], [sflag:s22] =	dma.local [hbm:s5], s20  }
0x9e: {  	_ =	swait.ge [sflag:s22], s20  }
0x9f: {  	s4 =	ssub.s32 $0x0, s20;
	[sflag:s22] =	ssyncset.done $0x0  }
0xa0: {  	[sflag:s22] =	ssyncadd.s32 s4;
	_ =	sdelay $0x1  }
0xa1: {  	s23 =	simm.s32 $0x1B8B  }
0xa2: {  	_ =	swait.ge [sflag:s23], $0x1  }
0xa3: {  	[sflag:s23] =	ssyncset.done $0x0  }
0xa4: {  	s25 =	simm.s32 $0x1B8E;
	s24 =	sld [smem:$0x3FFE];
	[sflag:s23] =	ssyncadd.s32 $0xFFFFFFFF  }
0xa5: {  	s26 =	simm.s32 $execute0_lowered;
	[smem:$0x3FD2] =	sst s25  }
0xa6: {  	s5 =	sshll.u32 s26, $0x1;
	_ =	strace $0x8000004C;
	[dreg:$0x1] =	wrdreg $0xFFFFFFFF  }
0xa7: {  	s28 =	simm.s32 $_size_execute0_lowered;
	s3 =	sadd.s32 s3, s5;
	[dreg:$0x0] =	wrdreg $0x0  }
0xa8: {  	s5 =	sshll.u32 s28, $0x1;
	[dreg:$0x2] =	wrdreg s3  }
0xa9: {  	[dreg:$0x3] =	wrdreg s5  }
0xaa: {  	[dreg:$0x4] =	wrdreg $0xC0  }
0xab: {  	_ =	task [dreg:s7], $0x5FFFF  }
0xac: {  	[dreg:$0x1] =	wrdreg $0xFFFFFFFF  }
0xad: {  	[dreg:$0x0] =	wrdreg $0x60  }
0xae: {  	[dreg:$0x2] =	wrdreg s24  }
0xaf: {  	[dreg:$0x3] =	wrdreg s2  }
0xb0: {  	[dreg:$0x4] =	wrdreg $0x0  }
0xb1: {  	[dreg:$0x5] =	wrdreg $0x9  }
0xb2: {  	_ =	task.clear_ibuf [dreg:s7], $0x6FFFF;
	_ =	strace $0x9000004C  }
0xb3: {  	s29 =	simm.s32 $0x9;
	_ =	strace $0x8000004E  }
0xb4: {  	_ =	swait.ge [sflag:s29], $0x1  }
0xb5: {  	[sflag:s29] =	ssyncadd.s32 $0xFFFFFFFF  }
0xb6: {  	_ =	strace $0x9000004E  }
0xb7: {  	_ =	sfence  }
0xb8: {  	s30 =	sld [smem:$0x0];
	_ =	sdelay $0x2  }
0xb9: {  	s31 =	sshll.u32 s1, $0xD;
	s1 =	sshrl.u32 s1, $0x2  }
0xba: {  	s3 =	sand.u32 $0x4000, s31;
	s1 =	sadd.s32 s1, s30  }
0xbb: {  	s0 =	sor.u32 s3, s0;
	s1 =	sshll.u32 s1, $0x11  }
0xbc: {  	s0 =	sor.u32 s1, s0  }
0xbd: {  	s0 =	sadd.s32 $0x8F2B, s0  }
0xbe: {  	[sflag:s0] =	ssyncadd.remote.s32 $0x1  }
0xbf: {  	_ =	sfence.sel $0xFFFF  }
0xc0: {  	[dreg:$0x0] =	wrdreg $0xFFFFFFFF;
	(pc) =	sbr.abs _section_cstart, $3  }
0xc1: {  	[dreg:$0x1] =	wrdreg $0xFFFFFFFF  }
0xc2: {  	_ =	task.clear_ibuf [dreg:s7], $0x2FFFF;
	_ =	strace $0x9FFFFFFF  }
0xc3: {  	(tm) =	ssettm $0x7FFFFFFF  }
tec
execute0_lowered:
.L_overlay_start_1:
0x0: {  	(tag) =	ssettag $0x1  }
0x1: {  	s0 =	rddreg [dreg:$0x0]  }
0x2: {  	s1 =	rddreg [dreg:$0x1]  }
0x3: {  	s2 =	rddreg [dreg:$0x2]  }
0x4: {  	s4 =	simm.s32 $0x0;
	s3 =	srdreg.scid;
	s15 =	stileid.u32  }
0x5: {  	s28 =	simm.s32 $0x4;
	s29 =	simm.s32 $0x0;
	[smem:$0x7FF] =	sst s4  }
0x6: {  	s5 =	sadd.s32 $0xCA00, s0;
	s3 =	sand.u32 $0x1, s3;
	s7 =	smul.u32 $0x50000, s15  }
0x7: {  	s6 =	sadd.s32 $0x84A00, s0;
	s8 =	sadd.s32 $0xC800, s0;
	s18 =	smul.u32 $0x280, s15  }
0x8: {  	s0 =	sadd.s32 $0x8EA00, s0;
	s16 =	smul.u32 $0xA00, s15;
	_ =	strace $0x8000004D  }
0x9: {  	[dreg:$0x5] =	wrdreg s8;
	s17 =	ssub.s32 $0x2, s3;
	s10 =	smul.u32 $0x2800, s3  }
0xa: {  	s3 =	smul.u32 $0xA000, s3;
	s9 =	sshrl.u32 s17, $0x1;
	s7 =	sshrl.u32 s7, $0x2  }
0xb: {  	s22 =	sadd.s32 $0x80, s18;
	s13 =	sadd.s32 $0x100, s18;
	s26 =	sadd.s32 $0x180, s18  }
0xc: {  	s9 =	ssub.s32 s17, s9;
	s8 =	sadd.s32 s7, s2;
	s3 =	sadd.s32 s16, s3  }
0xd: {  	s23 =	sadd.s32 s10, s18;
	s9 =	smax.u32 s9, $0x1;
	[dreg:$0x4] =	wrdreg s3  }
0xe: {  	s12 =	sadd.s32 s10, s22;
	s19 =	sadd.s32 $0x1000, s8;
	[dreg:$0x6] =	wrdreg s9  }
0xf: {  	s25 =	sadd.s32 s10, s13;
	s20 =	sadd.s32 $0x2000, s8;
	[dreg:$0x7] =	wrdreg s19  }
0x10: {  	s7 =	sadd.s32 $0x200, s18;
	s21 =	sadd.s32 $0x3000, s8;
	[dreg:$0x8] =	wrdreg s20  }
0x11: {  	s14 =	sadd.s32 s10, s26;
	s11 =	sadd.s32 $0x4000, s8;
	[dreg:$0x9] =	wrdreg s21  }
0x12: {  	s12 =	sshll.u32 s12, $0x4;
	s31 =	sadd.s32 $0x5000, s8;
	[dreg:$0xa] =	wrdreg s11  }
0x13: {  	s10 =	sadd.s32 s10, s7;
	s18 =	sadd.s32 $0x7000, s8;
	[dreg:$0x10] =	wrdreg s31  }
0x14: {  	s14 =	sshll.u32 s14, $0x4;
	s24 =	sadd.s32 s0, s12;
	[dreg:$0x16] =	wrdreg s18  }
0x15: {  	s7 =	sshll.u32 s7, $0x7;
	s30 =	sadd.s32 s0, s14;
	[dreg:$0xc] =	wrdreg s24  }
0x16: {  	s13 =	sshll.u32 s13, $0x7;
	s17 =	sadd.s32 s7, s2;
	[dreg:$0xe] =	wrdreg s30  }
0x17: {  	s11 =	sshll.u32 s23, $0x4;
	s19 =	sadd.s32 $0x8000, s8;
	[dreg:$0x15] =	wrdreg s17  }
0x18: {  	s10 =	sshll.u32 s10, $0x4;
	s20 =	sadd.s32 $0x9000, s8;
	[dreg:$0x17] =	wrdreg s19  }
0x19: {  	s14 =	sshll.u32 s26, $0x7;
	s21 =	sadd.s32 $0xA000, s8;
	[dreg:$0x18] =	wrdreg s20  }
0x1a: {  	s23 =	sadd.s32 $0xC000, s8;
	s26 =	sadd.s32 $0xF000, s8;
	[dreg:$0x19] =	wrdreg s21  }
0x1b: {  	s31 =	sadd.s32 $0x11000, s8;
	s12 =	sadd.s32 $0x12000, s8;
	[dreg:$0x1b] =	wrdreg s23  }
0x1c: {  	s18 =	simm.s32 $0x14100;
	s11 =	sadd.s32 s0, s11;
	[dreg:$0x1e] =	wrdreg s26  }
0x1d: {  	s15 =	sadd.s32 s14, s2;
	s24 =	sadd.s32 $0xD000, s8;
	[smem:$0x7FD] =	sst s31  }
0x1e: {  	s30 =	sadd.s32 $0x10000, s8;
	s14 =	simm.s32 $0x1C200;
	[dreg:$0xb] =	wrdreg s11  }
0x1f: {  	s17 =	simm.s32 $0x14000;
	s19 =	simm.s32 $0x14080;
	[dreg:$0x14] =	wrdreg s15  }
0x20: {  	s20 =	simm.s32 $0x14180;
	s21 =	simm.s32 $0x1;
	[dreg:$0x1c] =	wrdreg s24  }
0x21: {  	s11 =	sshll.u32 s25, $0x4;
	s25 =	sadd.s32 $0xE000, s8;
	[dreg:$0x1f] =	wrdreg s30  }
0x22: {  	s23 =	simm.s32 $0x14200;
	s11 =	sadd.s32 s0, s11;
	[dreg:$0x1d] =	wrdreg s25  }
0x23: {  	s26 =	simm.s32 $0x18200;
	s0 =	sadd.s32 s0, s10;
	[dreg:$0xd] =	wrdreg s11  }
0x24: {  	s10 =	sshll.u32 s22, $0x7;
	s22 =	sadd.s32 $0xB000, s8;
	[dreg:$0xf] =	wrdreg s0  }
0x25: {  	s15 =	simm.s32 $0x5;
	s11 =	sadd.s32 $0x6000, s8;
	[dreg:$0x1a] =	wrdreg s22  }
0x26: {  	s24 =	simm.s32 $0x2;
	s0 =	sadd.s32 s10, s2;
	[dreg:$0x11] =	wrdreg s11  }
0x27: {  	s25 =	simm.s32 $0x3;
	[dreg:$0x12] =	wrdreg s0;
	s0 =	sadd.s32 s13, s2  }
0x28: {  	s22 =	simm.s32 $0x80;
	s13 =	sadd.s32 $0x13000, s8;
	[dreg:$0x13] =	wrdreg s0  }
.LBB2_1:
0x29: {  	s0 =	rddreg [dreg:$0x5]  }
0x2a: {  	[tilespmem:s14], [sflag:$0x5] =	stream.linear.gather [hbm4b:s0+s4], $0x1000, $0x38;
	[tilespmem:$0x1D200] =	vst v63  }
0x2b: {  	_ =	swait.ge [sflag:s15], $0x1000  }
0x2c: {  	[sflag:s15] =	ssyncset.done $0x0  }
0x2d: {  	[sflag:s15] =	ssyncadd.s32 $0xFFFFF000  }
0x2e: {  	[spmem:s8] =	stream.linear.scatter [tilespmem:s14], [sflag:$0x5], $0x1000, $0x38;
	[tilespmem:$0x1D200] =	vst v63  }
0x2f: {  	_ =	swait.ge [sflag:s15], $0x1000  }
0x30: {  	[sflag:s15] =	ssyncset.done $0x0  }
0x31: {  	s11 =	rddreg [dreg:$0x7];
	[sflag:s15] =	ssyncadd.s32 $0xFFFFF000  }
0x32: {  	[spmem:s11] =	stream.linear.scatter [tilespmem:s14], [sflag:$0x5], $0x1000, $0x38;
	[tilespmem:$0x1D200] =	vst v63  }
0x33: {  	_ =	swait.ge [sflag:s15], $0x1000  }
0x34: {  	[sflag:s15] =	ssyncset.done $0x0  }
0x35: {  	s3 =	rddreg [dreg:$0x8];
	[sflag:s15] =	ssyncadd.s32 $0xFFFFF000  }
0x36: {  	[spmem:s3] =	stream.linear.scatter [tilespmem:s14], [sflag:$0x5], $0x1000, $0x38;
	[tilespmem:$0x1D200] =	vst v63  }
0x37: {  	_ =	swait.ge [sflag:s15], $0x1000  }
0x38: {  	[sflag:s15] =	ssyncset.done $0x0  }
0x39: {  	s7 =	rddreg [dreg:$0x9];
	[sflag:s15] =	ssyncadd.s32 $0xFFFFF000  }
0x3a: {  	[spmem:s7] =	stream.linear.scatter [tilespmem:s14], [sflag:$0x5], $0x1000, $0x38;
	[tilespmem:$0x1D200] =	vst v63  }
0x3b: {  	_ =	swait.ge [sflag:s15], $0x1000  }
0x3c: {  	[sflag:s15] =	ssyncset.done $0x0  }
0x3d: {  	s9 =	rddreg [dreg:$0xa];
	[sflag:s15] =	ssyncadd.s32 $0xFFFFF000  }
0x3e: {  	[spmem:s9] =	stream.linear.scatter [tilespmem:s14], [sflag:$0x5], $0x1000, $0x38;
	[tilespmem:$0x1D200] =	vst v63  }
0x3f: {  	_ =	swait.ge [sflag:s15], $0x1000  }
0x40: {  	[sflag:s15] =	ssyncset.done $0x0  }
0x41: {  	s10 =	rddreg [dreg:$0x10];
	[sflag:s15] =	ssyncadd.s32 $0xFFFFF000  }
0x42: {  	[spmem:s10] =	stream.linear.scatter [tilespmem:s14], [sflag:$0x5], $0x1000, $0x38;
	[tilespmem:$0x1D200] =	vst v63  }
0x43: {  	_ =	swait.ge [sflag:s15], $0x1000  }
0x44: {  	[sflag:s15] =	ssyncset.done $0x0  }
0x45: {  	s11 =	rddreg [dreg:$0x11];
	[sflag:s15] =	ssyncadd.s32 $0xFFFFF000  }
0x46: {  	[spmem:s11] =	stream.linear.scatter [tilespmem:s14], [sflag:$0x5], $0x1000, $0x38;
	[tilespmem:$0x1D200] =	vst v63  }
0x47: {  	_ =	swait.ge [sflag:s15], $0x1000  }
0x48: {  	[sflag:s15] =	ssyncset.done $0x0  }
0x49: {  	s3 =	rddreg [dreg:$0x16];
	[sflag:s15] =	ssyncadd.s32 $0xFFFFF000  }
0x4a: {  	[spmem:s3] =	stream.linear.scatter [tilespmem:s14], [sflag:$0x5], $0x1000, $0x38;
	[tilespmem:$0x1D200] =	vst v63  }
0x4b: {  	_ =	swait.ge [sflag:s15], $0x1000  }
0x4c: {  	[sflag:s15] =	ssyncset.done $0x0  }
0x4d: {  	s7 =	rddreg [dreg:$0x17];
	[sflag:s15] =	ssyncadd.s32 $0xFFFFF000  }
0x4e: {  	[spmem:s7] =	stream.linear.scatter [tilespmem:s14], [sflag:$0x5], $0x1000, $0x38;
	[tilespmem:$0x1D200] =	vst v63  }
0x4f: {  	_ =	swait.ge [sflag:s15], $0x1000  }
0x50: {  	[sflag:s15] =	ssyncset.done $0x0  }
0x51: {  	s9 =	rddreg [dreg:$0x18];
	[sflag:s15] =	ssyncadd.s32 $0xFFFFF000  }
0x52: {  	[spmem:s9] =	stream.linear.scatter [tilespmem:s14], [sflag:$0x5], $0x1000, $0x38;
	[tilespmem:$0x1D200] =	vst v63  }
0x53: {  	_ =	swait.ge [sflag:s15], $0x1000  }
0x54: {  	[sflag:s15] =	ssyncset.done $0x0  }
0x55: {  	s10 =	rddreg [dreg:$0x19];
	[sflag:s15] =	ssyncadd.s32 $0xFFFFF000  }
0x56: {  	[spmem:s10] =	stream.linear.scatter [tilespmem:s14], [sflag:$0x5], $0x1000, $0x38;
	[tilespmem:$0x1D200] =	vst v63  }
0x57: {  	_ =	swait.ge [sflag:s15], $0x1000  }
0x58: {  	[sflag:s15] =	ssyncset.done $0x0  }
0x59: {  	s11 =	rddreg [dreg:$0x1a];
	[sflag:s15] =	ssyncadd.s32 $0xFFFFF000  }
0x5a: {  	[spmem:s11] =	stream.linear.scatter [tilespmem:s14], [sflag:$0x5], $0x1000, $0x38;
	[tilespmem:$0x1D200] =	vst v63  }
0x5b: {  	_ =	swait.ge [sflag:s15], $0x1000  }
0x5c: {  	[sflag:s15] =	ssyncset.done $0x0  }
0x5d: {  	s3 =	rddreg [dreg:$0x1b];
	[sflag:s15] =	ssyncadd.s32 $0xFFFFF000  }
0x5e: {  	[spmem:s3] =	stream.linear.scatter [tilespmem:s14], [sflag:$0x5], $0x1000, $0x38;
	[tilespmem:$0x1D200] =	vst v63  }
0x5f: {  	_ =	swait.ge [sflag:s15], $0x1000  }
0x60: {  	[sflag:s15] =	ssyncset.done $0x0  }
0x61: {  	s7 =	rddreg [dreg:$0x1c];
	[sflag:s15] =	ssyncadd.s32 $0xFFFFF000  }
0x62: {  	[spmem:s7] =	stream.linear.scatter [tilespmem:s14], [sflag:$0x5], $0x1000, $0x38;
	[tilespmem:$0x1D200] =	vst v63  }
0x63: {  	_ =	swait.ge [sflag:s15], $0x1000  }
0x64: {  	[sflag:s15] =	ssyncset.done $0x0  }
0x65: {  	s9 =	rddreg [dreg:$0x1d];
	[sflag:s15] =	ssyncadd.s32 $0xFFFFF000  }
0x66: {  	[spmem:s9] =	stream.linear.scatter [tilespmem:s14], [sflag:$0x5], $0x1000, $0x38;
	[tilespmem:$0x1D200] =	vst v63  }
0x67: {  	_ =	swait.ge [sflag:s15], $0x1000  }
0x68: {  	[sflag:s15] =	ssyncset.done $0x0  }
0x69: {  	s10 =	rddreg [dreg:$0x1e];
	[sflag:s15] =	ssyncadd.s32 $0xFFFFF000  }
0x6a: {  	[spmem:s10] =	stream.linear.scatter [tilespmem:s14], [sflag:$0x5], $0x1000, $0x38;
	[tilespmem:$0x1D200] =	vst v63  }
0x6b: {  	_ =	swait.ge [sflag:s15], $0x1000  }
0x6c: {  	[sflag:s15] =	ssyncset.done $0x0  }
0x6d: {  	s11 =	rddreg [dreg:$0x1f];
	[sflag:s15] =	ssyncadd.s32 $0xFFFFF000  }
0x6e: {  	[spmem:s11] =	stream.linear.scatter [tilespmem:s14], [sflag:$0x5], $0x1000, $0x38;
	[tilespmem:$0x1D200] =	vst v63  }
0x6f: {  	_ =	swait.ge [sflag:s15], $0x1000  }
0x70: {  	s3 =	sld [smem:$0x7FD]  }
0x71: {  	[sflag:s15] =	ssyncset.done $0x0  }
0x72: {  	[sflag:s15] =	ssyncadd.s32 $0xFFFFF000  }
0x73: {  	[spmem:s3] =	stream.linear.scatter [tilespmem:s14], [sflag:$0x5], $0x1000, $0x38;
	[tilespmem:$0x1D200] =	vst v63  }
0x74: {  	_ =	swait.ge [sflag:s15], $0x1000  }
0x75: {  	[sflag:s15] =	ssyncset.done $0x0  }
0x76: {  	[sflag:s15] =	ssyncadd.s32 $0xFFFFF000  }
0x77: {  	[spmem:s12] =	stream.linear.scatter [tilespmem:s14], [sflag:$0x5], $0x1000, $0x38;
	[tilespmem:$0x1D200] =	vst v63  }
0x78: {  	_ =	swait.ge [sflag:s15], $0x1000  }
0x79: {  	[sflag:s15] =	ssyncset.done $0x0  }
0x7a: {  	[sflag:s15] =	ssyncadd.s32 $0xFFFFF000  }
0x7b: {  	[spmem:s13] =	stream.linear.scatter [tilespmem:s14], [sflag:$0x5], $0x1000, $0x38;
	[tilespmem:$0x1D200] =	vst v63  }
0x7c: {  	_ =	swait.ge [sflag:s15], $0x1000  }
0x7d: {  	[sflag:s15] =	ssyncset.done $0x0  }
0x7e: {  	[sflag:s15] =	ssyncadd.s32 $0xFFFFF000  }
0x7f: {  	[bflag:$0x0] =	sbarrier.arrive $0xFFFF  }
0x80: {  	s31 =	sand.u32 $0x60, s4;
	s30 =	rddreg [dreg:$0x4]  }
0x81: {  	s7 =	sadd.s32 s1, s31;
	s30 =	sadd.s32 $0x0, s30  }
0x82: {  	s9 =	sadd.s32 s6, s31;
	s3 =	sadd.s32 $0x0, s16;
	s30 =	sand.u32 $0x3FF80, s30  }
0x83: {  	s31 =	sor.u32 $0x10, s31;
	s3 =	sand.u32 $0x1FF80, s3;
	s0 =	sadd.s32 s30, s7  }
0x84: {  	[tilespmem:s17], [sflag:$0x1] =	stream.linear.gather [hbm4b:s0+s4], $0x80, $0x38;
	[tilespmem:$0x1D200] =	vst v63  }
0x85: {  	s10 =	sadd.s32 s1, s31;
	s0 =	sadd.s32 s3, s9  }
0x86: {  	[tilespmem:s18], [sflag:$0x1] =	stream.linear.gather [hbm4b:s0+s4], $0x80, $0x38;
	[tilespmem:$0x1D200] =	vst v63  }
0x87: {  	s11 =	sadd.s32 s6, s31;
	s0 =	sadd.s32 s30, s10  }
0x88: {  	[tilespmem:s19], [sflag:$0x2] =	stream.linear.gather [hbm4b:s0+s4], $0x80, $0x38;
	[tilespmem:$0x1D200] =	vst v63  }
0x89: {  	s0 =	sadd.s32 s3, s11  }
0x8a: {  	[tilespmem:s20], [sflag:$0x2] =	stream.linear.gather [hbm4b:s0+s4], $0x80, $0x38;
	[tilespmem:$0x1D200] =	vst v63  }
0x8b: {  	_ =	swait.ge [sflag:s21], $0x80  }
0x8c: {  	[sflag:s21] =	ssyncset.done $0x0  }
0x8d: {  	[sflag:s21] =	ssyncadd.s32 $0xFFFFFF80  }
0x8e: {  	_ =	swait.ge [sflag:s21], $0x80  }
0x8f: {  	[sflag:s21] =	ssyncset.done $0x0  }
0x90: {  	[sflag:s21] =	ssyncadd.s32 $0xFFFFFF80  }
0x91: {  	[tilespmem:s23], [sflag:$0x3] =	stream.indirect.gather [hbm4b:s5+s22], $0x80, s17, s22, $0xb8;
	[tilespmem:$0x1D200] =	vst v63  }
0x92: {  	_ =	swait.ge [sflag:s24], $0x80  }
0x93: {  	[sflag:s24] =	ssyncset.done $0x0  }
0x94: {  	[sflag:s24] =	ssyncadd.s32 $0xFFFFFF80  }
0x95: {  	_ =	swait.ge [sflag:s24], $0x80  }
0x96: {  	[sflag:s24] =	ssyncset.done $0x0  }
0x97: {  	[sflag:s24] =	ssyncadd.s32 $0xFFFFFF80  }
0x98: {  	_ =	swait.ge [sflag:s25], $0x4000  }
0x99: {  	[sflag:s25] =	ssyncset.done $0x0  }
0x9a: {  	[sflag:s25] =	ssyncadd.s32 $0xFFFFC000  }
0x9b: {  	[tilespmem:s26], [sflag:$0x4] =	stream.indirect.gather [hbm4b:s5+s22], $0x80, s19, s22, $0xb8;
	[tilespmem:$0x1D200] =	vst v63  }
0x9c: {  	_ = 	snop  }
0x9d: {  	[spmem:s2] =	stream.indirect.scatter.add.f32 [tilespmem:s23], [sflag:$0x5], $0x80, s18, s22, $0xb8;
	[tilespmem:$0x1D200] =	vst v63  }
0x9e: {  	_ =	swait.ge [sflag:s15], $0x4000  }
0x9f: {  	[sflag:s15] =	ssyncset.done $0x0  }
0xa0: {  	[sflag:s15] =	ssyncadd.s32 $0xFFFFC000  }
0xa1: {  	_ =	swait.ge [sflag:s28], $0x4000  }
0xa2: {  	[sflag:s28] =	ssyncset.done $0x0  }
0xa3: {  	[sflag:s28] =	ssyncadd.s32 $0xFFFFC000  }
0xa4: {  	[spmem:s2] =	stream.indirect.scatter.add.f32 [tilespmem:s26], [sflag:$0x5], $0x80, s20, s22, $0xb8;
	[tilespmem:$0x1D200] =	vst v63  }
0xa5: {  	s31 =	simm.s32 $0x20;
	s30 =	simm.s32 $0x40;
	_ =	swait.ge [sflag:s15], $0x4000  }
.LBB2_2:
0xa6: {  	s0 =	rddreg [dreg:$0x4];
	[sflag:s15] =	ssyncset.done $0x0;
	s7 =	sand.u32 $0x60, s31  }
0xa7: {  	[sflag:s15] =	ssyncadd.s32 $0xFFFFC000;
	s0 =	sadd.s32 s31, s0;
	s9 =	sadd.s32 s1, s7  }
0xa8: {  	s10 =	sadd.s32 s6, s7;
	s31 =	sadd.s32 s31, s16;
	s0 =	sand.u32 $0x3FF80, s0  }
0xa9: {  	s7 =	sor.u32 $0x10, s7;
	s31 =	sand.u32 $0x1FF80, s31;
	s9 =	sadd.s32 s0, s9  }
0xaa: {  	[tilespmem:s17], [sflag:$0x1] =	stream.linear.gather [hbm4b:s9+s4], $0x80, $0x38;
	[tilespmem:$0x1D200] =	vst v63  }
0xab: {  	s11 =	sadd.s32 s1, s7;
	s10 =	sadd.s32 s31, s10  }
0xac: {  	[tilespmem:s18], [sflag:$0x1] =	stream.linear.gather [hbm4b:s10+s4], $0x80, $0x38;
	[tilespmem:$0x1D200] =	vst v63  }
0xad: {  	s7 =	sadd.s32 s6, s7;
	s0 =	sadd.s32 s0, s11  }
0xae: {  	[tilespmem:s19], [sflag:$0x2] =	stream.linear.gather [hbm4b:s0+s4], $0x80, $0x38;
	[tilespmem:$0x1D200] =	vst v63  }
0xaf: {  	s7 =	sadd.s32 s31, s7  }
0xb0: {  	[tilespmem:s20], [sflag:$0x2] =	stream.linear.gather [hbm4b:s7+s4], $0x80, $0x38;
	[tilespmem:$0x1D200] =	vst v63  }
0xb1: {  	_ =	swait.ge [sflag:s21], $0x80  }
0xb2: {  	[sflag:s21] =	ssyncset.done $0x0  }
0xb3: {  	[sflag:s21] =	ssyncadd.s32 $0xFFFFFF80  }
0xb4: {  	_ =	swait.ge [sflag:s21], $0x80  }
0xb5: {  	[sflag:s21] =	ssyncset.done $0x0  }
0xb6: {  	[sflag:s21] =	ssyncadd.s32 $0xFFFFFF80  }
0xb7: {  	[tilespmem:s23], [sflag:$0x3] =	stream.indirect.gather [hbm4b:s5+s22], $0x80, s17, s22, $0xb8;
	[tilespmem:$0x1D200] =	vst v63  }
0xb8: {  	_ =	swait.ge [sflag:s24], $0x80  }
0xb9: {  	[sflag:s24] =	ssyncset.done $0x0  }
0xba: {  	[sflag:s24] =	ssyncadd.s32 $0xFFFFFF80  }
0xbb: {  	_ =	swait.ge [sflag:s24], $0x80  }
0xbc: {  	[sflag:s24] =	ssyncset.done $0x0  }
0xbd: {  	[sflag:s24] =	ssyncadd.s32 $0xFFFFFF80  }
0xbe: {  	_ =	swait.ge [sflag:s25], $0x4000  }
0xbf: {  	[sflag:s25] =	ssyncset.done $0x0  }
0xc0: {  	[sflag:s25] =	ssyncadd.s32 $0xFFFFC000  }
0xc1: {  	[tilespmem:s26], [sflag:$0x4] =	stream.indirect.gather [hbm4b:s5+s22], $0x80, s19, s22, $0xb8;
	[tilespmem:$0x1D200] =	vst v63  }
0xc2: {  	_ = 	snop  }
0xc3: {  	[spmem:s2] =	stream.indirect.scatter.add.f32 [tilespmem:s23], [sflag:$0x5], $0x80, s18, s22, $0xb8;
	[tilespmem:$0x1D200] =	vst v63  }
0xc4: {  	_ =	swait.ge [sflag:s15], $0x4000  }
0xc5: {  	[sflag:s15] =	ssyncset.done $0x0  }
0xc6: {  	p0 =	sne.s32 s30, $0x9E0;
	[sflag:s15] =	ssyncadd.s32 $0xFFFFC000  }
.Ltmp0:
0xc7: {  	_ =	swait.ge [sflag:s28], $0x4000;
	(pc) =	sbr.rel @p0 .LBB2_2-.Ltmp0, $4  }
0xc8: {  	[sflag:s28] =	ssyncset.done $0x0  }
0xc9: {  	s3 =	smov.u32 s30;
	[sflag:s28] =	ssyncadd.s32 $0xFFFFC000  }
0xca: {  	[spmem:s2] =	stream.indirect.scatter.add.f32 [tilespmem:s26], [sflag:$0x5], $0x80, s20, s22, $0xb8;
	[tilespmem:$0x1D200] =	vst v63  }
0xcb: {  	s30 =	sadd.s32 $0x20, s30;
	s31 =	smov.u32 s3;
	_ =	swait.ge [sflag:s15], $0x4000  }
0xcc: {  	s0 =	rddreg [dreg:$0x4];
	s3 =	sand.u32 $0x60, s31;
	[sflag:s15] =	ssyncset.done $0x0  }
0xcd: {  	s9 =	sadd.s32 s31, s16;
	s0 =	sadd.s32 s31, s0;
	s7 =	sadd.s32 s1, s3  }
0xce: {  	[sflag:s15] =	ssyncadd.s32 $0xFFFFC000;
	s30 =	sadd.s32 s6, s3;
	s0 =	sand.u32 $0x3FF80, s0  }
0xcf: {  	s9 =	sand.u32 $0x1FF80, s9;
	s3 =	sor.u32 $0x10, s3;
	s7 =	sadd.s32 s0, s7  }
0xd0: {  	[tilespmem:s17], [sflag:$0x1] =	stream.linear.gather [hbm4b:s7+s4], $0x80, $0x38;
	[tilespmem:$0x1D200] =	vst v63  }
0xd1: {  	s31 =	sadd.s32 s1, s3;
	s7 =	sadd.s32 s9, s30  }
0xd2: {  	[tilespmem:s18], [sflag:$0x1] =	stream.linear.gather [hbm4b:s7+s4], $0x80, $0x38;
	[tilespmem:$0x1D200] =	vst v63  }
0xd3: {  	s10 =	sadd.s32 s6, s3;
	s0 =	sadd.s32 s0, s31  }
0xd4: {  	[tilespmem:s19], [sflag:$0x2] =	stream.linear.gather [hbm4b:s0+s4], $0x80, $0x38;
	[tilespmem:$0x1D200] =	vst v63  }
0xd5: {  	s0 =	sadd.s32 s9, s10  }
0xd6: {  	[tilespmem:s20], [sflag:$0x2] =	stream.linear.gather [hbm4b:s0+s4], $0x80, $0x38;
	[tilespmem:$0x1D200] =	vst v63  }
0xd7: {  	_ =	swait.ge [sflag:s21], $0x80  }
0xd8: {  	[sflag:s21] =	ssyncset.done $0x0  }
0xd9: {  	[sflag:s21] =	ssyncadd.s32 $0xFFFFFF80  }
0xda: {  	_ =	swait.ge [sflag:s21], $0x80  }
0xdb: {  	[sflag:s21] =	ssyncset.done $0x0  }
0xdc: {  	[sflag:s21] =	ssyncadd.s32 $0xFFFFFF80  }
0xdd: {  	[tilespmem:s23], [sflag:$0x3] =	stream.indirect.gather [hbm4b:s5+s22], $0x80, s17, s22, $0xb8;
	[tilespmem:$0x1D200] =	vst v63  }
0xde: {  	_ =	swait.ge [sflag:s24], $0x80  }
0xdf: {  	[sflag:s24] =	ssyncset.done $0x0  }
0xe0: {  	[sflag:s24] =	ssyncadd.s32 $0xFFFFFF80  }
0xe1: {  	_ =	swait.ge [sflag:s24], $0x80  }
0xe2: {  	[sflag:s24] =	ssyncset.done $0x0  }
0xe3: {  	[sflag:s24] =	ssyncadd.s32 $0xFFFFFF80  }
0xe4: {  	_ =	swait.ge [sflag:s25], $0x4000  }
0xe5: {  	[sflag:s25] =	ssyncset.done $0x0  }
0xe6: {  	[sflag:s25] =	ssyncadd.s32 $0xFFFFC000  }
0xe7: {  	[tilespmem:s26], [sflag:$0x4] =	stream.indirect.gather [hbm4b:s5+s22], $0x80, s19, s22, $0xb8;
	[tilespmem:$0x1D200] =	vst v63  }
0xe8: {  	_ = 	snop  }
0xe9: {  	[spmem:s2] =	stream.indirect.scatter.add.f32 [tilespmem:s23], [sflag:$0x5], $0x80, s18, s22, $0xb8;
	[tilespmem:$0x1D200] =	vst v63  }
0xea: {  	_ =	swait.ge [sflag:s15], $0x4000  }
0xeb: {  	[sflag:s15] =	ssyncset.done $0x0  }
0xec: {  	[sflag:s15] =	ssyncadd.s32 $0xFFFFC000  }
0xed: {  	_ =	swait.ge [sflag:s28], $0x4000  }
0xee: {  	[sflag:s28] =	ssyncset.done $0x0  }
0xef: {  	[sflag:s28] =	ssyncadd.s32 $0xFFFFC000  }
0xf0: {  	[spmem:s2] =	stream.indirect.scatter.add.f32 [tilespmem:s26], [sflag:$0x5], $0x80, s20, s22, $0xb8;
	[tilespmem:$0x1D200] =	vst v63  }
0xf1: {  	_ =	swait.ge [sflag:s15], $0x4000  }
0xf2: {  	[sflag:s15] =	ssyncset.done $0x0  }
0xf3: {  	[sflag:s15] =	ssyncadd.s32 $0xFFFFC000  }
0xf4: {  	[bflag:$0x0] =	sbarrier.arrive $0xFFFF  }
0xf5: {  	[tilespmem:s23], [sflag:$0x5] =	stream.linear.gather [spmem:s8], $0x4000, $0x38;
	[tilespmem:$0x1D200] =	vst v63  }
0xf6: {  	_ =	swait.ge [sflag:s15], $0x4000  }
0xf7: {  	[sflag:s15] =	ssyncset.done $0x0  }
0xf8: {  	s11 =	rddreg [dreg:$0xb];
	[sflag:s15] =	ssyncadd.s32 $0xFFFFC000  }
0xf9: {  	[hbm4b:s11+s4] =	stream.linear.scatter [tilespmem:s23], [sflag:$0x5], $0x4000, $0x38;
	[tilespmem:$0x1D200] =	vst v63  }
0xfa: {  	_ =	swait.ge [sflag:s15], $0x4000  }
0xfb: {  	[sflag:s15] =	ssyncset.done $0x0  }
0xfc: {  	s30 =	rddreg [dreg:$0x12];
	[sflag:s15] =	ssyncadd.s32 $0xFFFFC000  }
0xfd: {  	[tilespmem:s23], [sflag:$0x5] =	stream.linear.gather [spmem:s30], $0x4000, $0x38;
	[tilespmem:$0x1D200] =	vst v63  }
0xfe: {  	_ =	swait.ge [sflag:s15], $0x4000  }
0xff: {  	[sflag:s15] =	ssyncset.done $0x0  }
0x100: {  	s31 =	rddreg [dreg:$0xc];
	[sflag:s15] =	ssyncadd.s32 $0xFFFFC000  }
0x101: {  	[hbm4b:s31+s4] =	stream.linear.scatter [tilespmem:s23], [sflag:$0x5], $0x4000, $0x38;
	[tilespmem:$0x1D200] =	vst v63  }
0x102: {  	_ =	swait.ge [sflag:s15], $0x4000  }
0x103: {  	[sflag:s15] =	ssyncset.done $0x0  }
0x104: {  	s3 =	rddreg [dreg:$0x13];
	[sflag:s15] =	ssyncadd.s32 $0xFFFFC000  }
0x105: {  	[tilespmem:s23], [sflag:$0x5] =	stream.linear.gather [spmem:s3], $0x4000, $0x38;
	[tilespmem:$0x1D200] =	vst v63  }
0x106: {  	_ =	swait.ge [sflag:s15], $0x4000  }
0x107: {  	[sflag:s15] =	ssyncset.done $0x0  }
0x108: {  	s7 =	rddreg [dreg:$0xd];
	[sflag:s15] =	ssyncadd.s32 $0xFFFFC000  }
0x109: {  	[hbm4b:s7+s4] =	stream.linear.scatter [tilespmem:s23], [sflag:$0x5], $0x4000, $0x38;
	[tilespmem:$0x1D200] =	vst v63  }
0x10a: {  	_ =	swait.ge [sflag:s15], $0x4000  }
0x10b: {  	[sflag:s15] =	ssyncset.done $0x0  }
0x10c: {  	s9 =	rddreg [dreg:$0x14];
	[sflag:s15] =	ssyncadd.s32 $0xFFFFC000  }
0x10d: {  	[tilespmem:s23], [sflag:$0x5] =	stream.linear.gather [spmem:s9], $0x4000, $0x38;
	[tilespmem:$0x1D200] =	vst v63  }
0x10e: {  	_ =	swait.ge [sflag:s15], $0x4000  }
0x10f: {  	[sflag:s15] =	ssyncset.done $0x0  }
0x110: {  	s10 =	rddreg [dreg:$0xe];
	[sflag:s15] =	ssyncadd.s32 $0xFFFFC000  }
0x111: {  	[hbm4b:s10+s4] =	stream.linear.scatter [tilespmem:s23], [sflag:$0x5], $0x4000, $0x38;
	[tilespmem:$0x1D200] =	vst v63  }
0x112: {  	_ =	swait.ge [sflag:s15], $0x4000  }
0x113: {  	[sflag:s15] =	ssyncset.done $0x0  }
0x114: {  	s11 =	rddreg [dreg:$0x15];
	[sflag:s15] =	ssyncadd.s32 $0xFFFFC000  }
0x115: {  	[tilespmem:s23], [sflag:$0x5] =	stream.linear.gather [spmem:s11], $0x4000, $0x38;
	[tilespmem:$0x1D200] =	vst v63  }
0x116: {  	_ =	swait.ge [sflag:s15], $0x4000  }
0x117: {  	[sflag:s15] =	ssyncset.done $0x0  }
0x118: {  	s30 =	rddreg [dreg:$0xf];
	[sflag:s15] =	ssyncadd.s32 $0xFFFFC000  }
0x119: {  	[hbm4b:s30+s4] =	stream.linear.scatter [tilespmem:s23], [sflag:$0x5], $0x4000, $0x38;
	[tilespmem:$0x1D200] =	vst v63  }
0x11a: {  	_ =	swait.ge [sflag:s15], $0x4000  }
0x11b: {  	s29 =	sadd.s32 $0x1, s29;
	s31 =	rddreg [dreg:$0x6]  }
0x11c: {  	p0 =	sne.s32 s29, s31  }
.Ltmp1:
0x11d: {  	_ = 	snop;
	(pc) =	sbr.rel @p0 .LBB2_1-.Ltmp1, $3  }
0x11e: {  	_ =	sdelay $0x1  }
0x11f: {  	[sflag:s15] =	ssyncset.done $0x0  }
0x120: {  	[sflag:s15] =	ssyncadd.s32 $0xFFFFC000  }
0x121: {  	_ =	sfence.sel $0x180000  }
0x122: {  	[bflag:$0x0] =	sbarrier.arrive $0xFFFF  }
0x123: {  	_ =	strace $0x9000004D  }
0x124: {  	s0 =	stileid.u32;
	[bflag:$0x2] =	sbarrier.arrive $0xFFFF  }
0x125: {  	p0 =	sne.s32 s0, $0x0;
	s0 =	rddreg [dreg:$0x3]  }
0x126: {  	s0 =	sadd.s32 @!p0 $0x100000, s0  }
0x127: {  	[sflag:s0] =	ssyncadd.tile.s32 @!p0 $0x1;
	_ =	shalt  }
.Lfunc_end2:
_tile_overlayer_lowered:
.L_overlay_start_2:
0x128: {  	(tag) =	ssettag $0x2  }
0x129: {  	s0 =	rddreg [dreg:$0x0];
	s2 =	stileid.u32  }
0x12a: {  	s1 =	rddreg [dreg:$0x1];
	p0 =	sne.s32 s2, $0x0  }
0x12b: {  	s3 =	rddreg [dreg:$0x2];
	[bflag:$0x3] =	sbarrier.arrive $0xFFFF;
	s2 =	simm.s32 @!p0 $0x1C05  }
0x12c: {  	[timem:s3], [sflag:s2] =	dma.local @!p0 [hbm:s0], s1  }
0x12d: {  	s0 =	simm.s32 @!p0 $0x5  }
0x12e: {  	_ =	swait.ge @!p0 [sflag:s0], s1  }
0x12f: {  	s1 =	ssub.s32 @!p0 $0x0, s1;
	[sflag:s0] =	ssyncset.done @!p0 $0x0  }
0x130: {  	[sflag:s0] =	ssyncadd.s32 @!p0 s1  }
0x131: {  	[bflag:$0x3] =	sbarrier.arrive $0xFFFF  }
0x132: {  	_ =	shalt  }

// kernel: kernel.19.cloned.1.call-start
scs
__scs_entry_jumppad:
0x0: {  	(pc) =	sbr.rel $0x88, $3  }
0x1: {  	(tag) =	ssettag $0x0;
	lr =	simm.s32 $0x1  }
0x2: {  	[smem:$0x3F99] =	sst lr;
	_ =	strace $0xD0000000  }
0x3: {  	_ = 	snop  }
0x4: {  	_ = 	snop  }
0x5: {  	_ = 	snop  }
0x6: {  	_ = 	snop  }
0x7: {  	_ = 	snop  }
__scs_overlays_trampoline_lowered:
0x8: {  	[smem:$0x3FA8] =	sst s0  }
0x9: {  	[smem:$0x3FA9] =	sst s1  }
0xa: {  	[smem:$0x3FAA] =	sst s2  }
0xb: {  	[smem:$0x3FAB] =	sst s3  }
0xc: {  	[smem:$0x3FAC] =	sst s4  }
0xd: {  	[smem:$0x3FAD] =	sst s5  }
0xe: {  	[smem:$0x3FAE] =	sst s6  }
0xf: {  	[smem:$0x3FAF] =	sst s7  }
0x10: {  	[smem:$0x3FB0] =	sst s8  }
0x11: {  	[smem:$0x3FB1] =	sst s9;
	s0 =	simm.s32 @!p0 $0x0  }
0x12: {  	s1 =	sld [smem:$0x3F97];
	s0 =	simm.s32 @p0 $0x1  }
0x13: {  	[smem:$0x3FB2] =	sst s0;
	s0 =	simm.s32 @!p1 $0x0  }
0x14: {  	s2 =	sld [smem:$0x3F96];
	s0 =	simm.s32 @p1 $0x1  }
0x15: {  	[smem:$0x3FB3] =	sst s0;
	s0 =	simm.s32 @!p2 $0x0  }
0x16: {  	s3 =	sld [smem:$0x3FDB];
	s0 =	simm.s32 @p2 $0x1  }
0x17: {  	s4 =	simm.s32 $0x1BF5;
	[smem:$0x3FB5] =	sst s0  }
0x18: {  	s0 =	sld [smem:$0x3F98];
	_ =	swait.ge [sflag:s4], $0x0  }
0x19: {  	s7 =	sld [smem:$0x3F99]  }
0x1a: {  	s8 =	sadd.s32 $0xFFFFE003, lr  }
0x1b: {  	s9 =	sadd.s32 $0xFFFFFEF7, lr;
	s5 =	simm.s32 $0xFFFFFFFF;
	p2 =	slt.u32 s8, $0xFFFFF086  }
0x1c: {  	p1 =	slt.u32 s9, $0xF7A;
	s5 =	simm.s32 @!p2 $0x0  }
0x1d: {  	s5 =	simm.s32 @p1 $0x1;
	p0 =	seq.s32 s7, s2  }
0x1e: {  	s7 =	smul.u32 @!p0 $0xF7A, s2;
	p2 =	seq.s32 @!p0 s5, $0x0  }
0x1f: {  	s9 =	smul.u32 $0xF7A, s1;
	s8 =	simm.s32 @!p0 $0x1BF5;
	p2 =	por !p2, p0  }
0x20: {  	[sflag:s8] =	ssyncset.s32 @!p0 $0xFFFFF086;
	s6 =	sadd.s32 @!p0 s3, s7;
	s7 =	simm.s32 @!p0 $0x108  }
0x21: {  	s3 =	sadd.s32 s3, s9;
	s6 =	sadd.s32 @!p0 $0x88, s6;
	s7 =	simm.s32 @p2 $0x1082  }
0x22: {  	[simem:s7], [sflag:s8] =	dma.local @!p0 [hbm:s6], $0xF7A  }
0x23: {  	s9 =	sor.u32 $0xD0000000, s2;
	s6 =	simm.s32 $0x108;
	_ =	swait.ge @!p0 [sflag:s8], $0x0  }
0x24: {  	s3 =	sadd.s32 $0x88, s3;
	s6 =	simm.s32 @!p1 $0x1082;
	[sflag:s4] =	ssyncset.s32 $0xFFFFF086  }
0x25: {  	[simem:s6], [sflag:s4] =	dma.local [hbm:s3], $0xF7A  }
0x26: {  	[smem:$0x3F99] =	sst s1;
	(tag) =	ssettag s2;
	_ =	strace s9  }
0x27: {  	s1 =	sld [smem:$0x3FA9]  }
0x28: {  	s2 =	sld [smem:$0x3FAA]  }
0x29: {  	s4 =	sld [smem:$0x3FAC]  }
0x2a: {  	p0 =	seq.s32 s5, $0x0;
	s5 =	sld [smem:$0x3FAD]  }
0x2b: {  	s6 =	sld [smem:$0x3FAE]  }
0x2c: {  	s7 =	sld [smem:$0x3FAF]  }
0x2d: {  	s3 =	simm.s32 $0x108;
	s8 =	sld [smem:$0x3FB0]  }
0x2e: {  	s3 =	simm.s32 @!p0 $0x1082;
	s9 =	sld [smem:$0x3FB1]  }
0x2f: {  	lr =	sadd.s32 s0, s3;
	s0 =	sld [smem:$0x3FA8]  }
0x30: {  	s3 =	sld [smem:$0x3FAB]  }
0x31: {  	[smem:$0x3FB4] =	sst s10  }
0x32: {  	s10 =	sld [smem:$0x3FB2];
	_ =	sdelay $0x3  }
0x33: {  	p0 =	seq.s32 s10, $0x1;
	s10 =	sld [smem:$0x3FB4];
	_ =	sdelay $0x3  }
0x34: {  	[smem:$0x3FB4] =	sst s10  }
0x35: {  	s10 =	sld [smem:$0x3FB3];
	_ =	sdelay $0x3  }
0x36: {  	p1 =	seq.s32 s10, $0x1;
	s10 =	sld [smem:$0x3FB4];
	_ =	sdelay $0x3  }
0x37: {  	[smem:$0x3FB4] =	sst s10  }
0x38: {  	s10 =	sld [smem:$0x3FB5]  }
0x39: {  	_ = 	snop;
	(pc) =	sbr.ind lr, $3  }
0x3a: {  	_ = 	snop  }
0x3b: {  	_ = 	snop  }
0x3c: {  	p2 =	seq.s32 s10, $0x1;
	s10 =	sld [smem:$0x3FB4]  }
0x3d: {  	_ =	shalt  }
0x3e: {  	_ =	shalt  }
0x3f: {  	_ =	shalt  }
0x40: {  	_ =	shalt  }
0x41: {  	_ =	shalt  }
0x42: {  	_ =	shalt  }
0x43: {  	_ =	shalt  }
0x44: {  	_ =	shalt  }
0x45: {  	_ =	shalt  }
0x46: {  	_ =	shalt  }
0x47: {  	_ =	shalt  }
0x48: {  	_ =	shalt  }
0x49: {  	_ =	shalt  }
0x4a: {  	_ =	shalt  }
0x4b: {  	_ =	shalt  }
0x4c: {  	_ =	shalt  }
0x4d: {  	_ =	shalt  }
0x4e: {  	_ =	shalt  }
0x4f: {  	_ =	shalt  }
0x50: {  	_ =	shalt  }
0x51: {  	_ =	shalt  }
0x52: {  	_ =	shalt  }
0x53: {  	_ =	shalt  }
0x54: {  	_ =	shalt  }
0x55: {  	_ =	shalt  }
0x56: {  	_ =	shalt  }
0x57: {  	_ =	shalt  }
0x58: {  	_ =	shalt  }
0x59: {  	_ =	shalt  }
0x5a: {  	_ =	shalt  }
0x5b: {  	_ =	shalt  }
0x5c: {  	_ =	shalt  }
0x5d: {  	_ =	shalt  }
0x5e: {  	_ =	shalt  }
0x5f: {  	_ =	shalt  }
0x60: {  	_ =	shalt  }
0x61: {  	_ =	shalt  }
0x62: {  	_ =	shalt  }
0x63: {  	_ =	shalt  }
0x64: {  	_ =	shalt  }
0x65: {  	_ =	shalt  }
0x66: {  	_ =	shalt  }
0x67: {  	_ =	shalt  }
0x68: {  	_ =	shalt  }
0x69: {  	_ =	shalt  }
0x6a: {  	_ =	shalt  }
0x6b: {  	_ =	shalt  }
0x6c: {  	_ =	shalt  }
0x6d: {  	_ =	shalt  }
0x6e: {  	_ =	shalt  }
0x6f: {  	_ =	shalt  }
0x70: {  	_ =	shalt  }
0x71: {  	_ =	shalt  }
0x72: {  	_ =	shalt  }
0x73: {  	_ =	shalt  }
0x74: {  	_ =	shalt  }
0x75: {  	_ =	shalt  }
0x76: {  	_ =	shalt  }
0x77: {  	_ =	shalt  }
0x78: {  	_ =	shalt  }
0x79: {  	_ =	shalt  }
0x7a: {  	_ =	shalt  }
0x7b: {  	_ =	shalt  }
0x7c: {  	_ =	shalt  }
0x7d: {  	_ =	shalt  }
0x7e: {  	_ =	shalt  }
0x7f: {  	_ =	shalt  }
0x80: {  	_ =	shalt  }
0x81: {  	_ =	shalt  }
0x82: {  	_ =	shalt  }
0x83: {  	_ =	shalt  }
0x84: {  	_ =	shalt  }
0x85: {  	_ =	shalt  }
0x86: {  	_ =	shalt  }
0x87: {  	_ =	shalt  }
.Lfunc_end0:
.L_simem_size_0:
called_computation.3_lowered:
.L_overlay_start_0:
0x88: {  	s2 =	sld [smem:$0x3FD9]  }
0x89: {  	s3 =	sld [smem:$0x3FFE];
	_ =	sdelay $0x1  }
0x8a: {  	s1 =	srdreg.scid  }
0x8b: {  	s0 =	sand.u32 $0x1, s1  }
0x8c: {  	s16 =	sshll.u32 s0, $0xA;
	s2 =	sadd.s32 s3, s2  }
0x8d: {  	s2 =	sadd.s32 s2, s16  }
0x8e: {  	[smem:$0x3FC0] =	sst s2  }
0x8f: {  	_ = 	snop  }
0x90: {  	(tm) =	ssettm $0x1  }
0x91: {  	s17 =	sld [smem:$0x3FFB];
	_ =	sdelay $0x3  }
0x92: {  	_ =	strace s17  }
0x93: {  	s2 =	sld [smem:$0x3FFC];
	_ =	sdelay $0x3  }
0x94: {  	_ =	strace s2  }
0x95: {  	s2 =	sld [smem:$0x3FFD];
	_ =	sdelay $0x3  }
0x96: {  	_ =	strace s2  }
0x97: {  	_ =	strace $0x8FFFFFFF  }
0x98: {  	s18 =	sld [smem:$0x3FDB];
	_ =	sdelay $0x1  }
0x99: {  	s19 =	simm.s32 $_scs_section_size  }
0x9a: {  	s4 =	simm.s32 $_size__tile_overlayer_lowered;
	s5 =	simm.s32 $_tile_overlayer_lowered  }
0x9b: {  	s22 =	simm.s32 $0x1BFF;
	s21 =	sshll.u32 s5, $0x1;
	s2 =	sadd.s32 s19, s18  }
0x9c: {  	s6 =	simm.s32 $0x0;
	s20 =	sshll.u32 s4, $0x1;
	s4 =	sadd.s32 s21, s2  }
0x9d: {  	[timem:s6], [sflag:s22] =	dma.local [hbm:s4], s20  }
0x9e: {  	_ =	swait.ge [sflag:s22], s20  }
0x9f: {  	s3 =	ssub.s32 $0x0, s20;
	[sflag:s22] =	ssyncset.done $0x0  }
0xa0: {  	[sflag:s22] =	ssyncadd.s32 s3;
	_ =	sdelay $0x1  }
0xa1: {  	s23 =	simm.s32 $0x1B8B  }
0xa2: {  	_ =	swait.ge [sflag:s23], $0x1  }
0xa3: {  	[sflag:s23] =	ssyncset.done $0x0  }
0xa4: {  	s25 =	simm.s32 $0x1B8E;
	s24 =	sld [smem:$0x3FFE];
	[sflag:s23] =	ssyncadd.s32 $0xFFFFFFFF  }
0xa5: {  	s26 =	simm.s32 $execute0_lowered;
	[smem:$0x3FD2] =	sst s25  }
0xa6: {  	s4 =	sshll.u32 s26, $0x1;
	_ =	strace $0x8000004F;
	[dreg:$0x1] =	wrdreg $0xFFFFFFFF  }
0xa7: {  	s28 =	simm.s32 $_size_execute0_lowered;
	s2 =	sadd.s32 s2, s4;
	[dreg:$0x0] =	wrdreg $0x0  }
0xa8: {  	s4 =	sshll.u32 s28, $0x1;
	[dreg:$0x2] =	wrdreg s2  }
0xa9: {  	[dreg:$0x3] =	wrdreg s4  }
0xaa: {  	[dreg:$0x4] =	wrdreg $0xC0  }
0xab: {  	_ =	task [dreg:s6], $0x5FFFF  }
0xac: {  	[dreg:$0x1] =	wrdreg $0xFFFFFFFF  }
0xad: {  	[dreg:$0x0] =	wrdreg $0x60  }
0xae: {  	[dreg:$0x2] =	wrdreg s24  }
0xaf: {  	[dreg:$0x3] =	wrdreg $0x0  }
0xb0: {  	[dreg:$0x4] =	wrdreg $0x9  }
0xb1: {  	_ =	task.clear_ibuf [dreg:s6], $0x5FFFF;
	_ =	strace $0x9000004F  }
0xb2: {  	s29 =	simm.s32 $0x9;
	_ =	strace $0x80000051  }
0xb3: {  	_ =	swait.ge [sflag:s29], $0x1  }
0xb4: {  	[sflag:s29] =	ssyncadd.s32 $0xFFFFFFFF  }
0xb5: {  	_ =	strace $0x90000051  }
0xb6: {  	_ =	sfence  }
0xb7: {  	s30 =	sld [smem:$0x0];
	_ =	sdelay $0x2  }
0xb8: {  	s31 =	sshll.u32 s1, $0xD;
	s1 =	sshrl.u32 s1, $0x2  }
0xb9: {  	s3 =	sand.u32 $0x4000, s31;
	s1 =	sadd.s32 s1, s30  }
0xba: {  	s0 =	sor.u32 s3, s0;
	s1 =	sshll.u32 s1, $0x11  }
0xbb: {  	s0 =	sor.u32 s1, s0  }
0xbc: {  	s0 =	sadd.s32 $0x8F2B, s0  }
0xbd: {  	[sflag:s0] =	ssyncadd.remote.s32 $0x1  }
0xbe: {  	_ =	sfence.sel $0xFFFF  }
0xbf: {  	[dreg:$0x0] =	wrdreg $0xFFFFFFFF;
	(pc) =	sbr.abs _section_cstart, $3  }
0xc0: {  	[dreg:$0x1] =	wrdreg $0xFFFFFFFF  }
0xc1: {  	_ =	task.clear_ibuf [dreg:s6], $0x2FFFF;
	_ =	strace $0x9FFFFFFF  }
0xc2: {  	(tm) =	ssettm $0x7FFFFFFF  }
0xc3: {  	_ =	shalt  }
tec
execute0_lowered:
.L_overlay_start_1:
0x0: {  	(tag) =	ssettag $0x1  }
0x1: {  	s0 =	rddreg [dreg:$0x0]  }
0x2: {  	s1 =	rddreg [dreg:$0x1]  }
0x3: {  	s2 =	simm.s32 $0x0;
	s3 =	srdreg.scid;
	s14 =	stileid.u32  }
0x4: {  	s28 =	simm.s32 $0x4;
	s29 =	simm.s32 $0x0;
	[smem:$0x7FF] =	sst s2  }
0x5: {  	s4 =	sadd.s32 $0xCA00, s0;
	s5 =	sadd.s32 $0x2800, s0;
	s8 =	smul.u32 $0x50000, s14  }
0x6: {  	s3 =	sand.u32 $0x1, s3;
	s6 =	sadd.s32 $0x84A00, s0;
	s16 =	smul.u32 $0x280, s14  }
0x7: {  	s9 =	sadd.s32 $0xC800, s0;
	s0 =	sadd.s32 $0x34A00, s0;
	s31 =	smul.u32 $0x500, s14  }
0x8: {  	_ =	strace $0x80000050;
	s7 =	ssub.s32 $0x2, s3;
	s10 =	smul.u32 $0x2800, s3  }
0x9: {  	[dreg:$0x3] =	wrdreg s9;
	s3 =	smul.u32 $0x5000, s3;
	s15 =	sshrl.u32 s7, $0x1  }
0xa: {  	s8 =	sshrl.u32 s8, $0x2;
	s11 =	sadd.s32 $0x80, s16;
	s13 =	sadd.s32 $0x100, s16  }
0xb: {  	s25 =	sadd.s32 $0x180, s16;
	s9 =	sadd.s32 $0x200, s16;
	s7 =	ssub.s32 s7, s15  }
0xc: {  	s8 =	sadd.s32 s8, s1;
	s21 =	sadd.s32 s10, s16;
	s12 =	sadd.s32 s10, s11  }
0xd: {  	s23 =	sadd.s32 s10, s13;
	s26 =	sadd.s32 s10, s25;
	s10 =	sadd.s32 s10, s9  }
0xe: {  	s11 =	sshll.u32 s11, $0x7;
	s15 =	sshll.u32 s13, $0x7;
	s7 =	smax.u32 s7, $0x1  }
0xf: {  	s16 =	sshll.u32 s25, $0x7;
	s17 =	sadd.s32 $0x1000, s8;
	[dreg:$0x4] =	wrdreg s7  }
0x10: {  	s18 =	sadd.s32 $0x2000, s8;
	s19 =	sadd.s32 $0x3000, s8;
	[dreg:$0x5] =	wrdreg s17  }
0x11: {  	s20 =	sadd.s32 $0x4000, s8;
	s22 =	sshll.u32 s12, $0x4;
	[dreg:$0x6] =	wrdreg s18  }
0x12: {  	s24 =	sshll.u32 s23, $0x4;
	s30 =	sshll.u32 s10, $0x4;
	[dreg:$0x7] =	wrdreg s19  }
0x13: {  	s14 =	sadd.s32 $0x6000, s8;
	s23 =	sadd.s32 $0x9000, s8;
	[dreg:$0x8] =	wrdreg s20  }
0x14: {  	s25 =	sadd.s32 $0xB000, s8;
	s10 =	sadd.s32 $0x10000, s8;
	[dreg:$0xf] =	wrdreg s14  }
0x15: {  	s12 =	sadd.s32 $0x12000, s8;
	s13 =	sadd.s32 $0x13000, s8;
	[dreg:$0x16] =	wrdreg s23  }
0x16: {  	s7 =	sshll.u32 s21, $0x4;
	s18 =	sadd.s32 s16, s1;
	[dreg:$0x18] =	wrdreg s25  }
0x17: {  	s20 =	sadd.s32 s31, s3;
	s21 =	sadd.s32 $0x7000, s8;
	[dreg:$0x12] =	wrdreg s18  }
0x18: {  	s17 =	sshll.u32 s9, $0x7;
	s31 =	sadd.s32 $0xE000, s8;
	[dreg:$0x14] =	wrdreg s21  }
0x19: {  	s9 =	sadd.s32 $0xF000, s8;
	s7 =	sadd.s32 s0, s7;
	[dreg:$0x1b] =	wrdreg s31  }
0x1a: {  	s14 =	simm.s32 $0x1C200;
	s19 =	sadd.s32 s17, s1;
	[dreg:$0x9] =	wrdreg s7  }
0x1b: {  	s16 =	simm.s32 $0x14000;
	s7 =	sadd.s32 s0, s22;
	[dreg:$0x13] =	wrdreg s19  }
0x1c: {  	s23 =	simm.s32 $0x14200;
	s22 =	sadd.s32 $0x8000, s8;
	[dreg:$0xa] =	wrdreg s7  }
0x1d: {  	s25 =	simm.s32 $0x3;
	s7 =	sadd.s32 s0, s24;
	[dreg:$0x15] =	wrdreg s22  }
0x1e: {  	s17 =	simm.s32 $0x14100;
	s24 =	sadd.s32 $0xA000, s8;
	[dreg:$0xb] =	wrdreg s7  }
0x1f: {  	s7 =	sshll.u32 s26, $0x4;
	[dreg:$0x17] =	wrdreg s24;
	s26 =	sadd.s32 $0xC000, s8  }
0x20: {  	s18 =	simm.s32 $0x14080;
	s7 =	sadd.s32 s0, s7;
	[dreg:$0x19] =	wrdreg s26  }
0x21: {  	s21 =	simm.s32 $0x1;
	s0 =	sadd.s32 s0, s30;
	[dreg:$0xc] =	wrdreg s7  }
0x22: {  	s19 =	simm.s32 $0x14180;
	s30 =	sadd.s32 $0xD000, s8;
	[dreg:$0xd] =	wrdreg s0  }
0x23: {  	s22 =	simm.s32 $0x80;
	s7 =	sadd.s32 $0x5000, s8;
	[dreg:$0x1a] =	wrdreg s30  }
0x24: {  	s24 =	simm.s32 $0x2;
	s0 =	sadd.s32 s11, s1;
	[dreg:$0xe] =	wrdreg s7  }
0x25: {  	s26 =	simm.s32 $0x18200;
	[dreg:$0x10] =	wrdreg s0;
	s0 =	sadd.s32 s15, s1  }
0x26: {  	s11 =	sadd.s32 $0x11000, s8;
	s15 =	simm.s32 $0x5;
	[dreg:$0x11] =	wrdreg s0  }
.LBB2_1:
0x27: {  	s0 =	rddreg [dreg:$0x3]  }
0x28: {  	[tilespmem:s14], [sflag:$0x5] =	stream.linear.gather [hbm4b:s0+s2], $0x1000, $0x38;
	[tilespmem:$0x1D200] =	vst v63  }
0x29: {  	_ =	swait.ge [sflag:s15], $0x1000  }
0x2a: {  	[sflag:s15] =	ssyncset.done $0x0  }
0x2b: {  	[sflag:s15] =	ssyncadd.s32 $0xFFFFF000  }
0x2c: {  	[spmem:s8] =	stream.linear.scatter [tilespmem:s14], [sflag:$0x5], $0x1000, $0x38;
	[tilespmem:$0x1D200] =	vst v63  }
0x2d: {  	_ =	swait.ge [sflag:s15], $0x1000  }
0x2e: {  	[sflag:s15] =	ssyncset.done $0x0  }
0x2f: {  	s7 =	rddreg [dreg:$0x5];
	[sflag:s15] =	ssyncadd.s32 $0xFFFFF000  }
0x30: {  	[spmem:s7] =	stream.linear.scatter [tilespmem:s14], [sflag:$0x5], $0x1000, $0x38;
	[tilespmem:$0x1D200] =	vst v63  }
0x31: {  	_ =	swait.ge [sflag:s15], $0x1000  }
0x32: {  	[sflag:s15] =	ssyncset.done $0x0  }
0x33: {  	s31 =	rddreg [dreg:$0x6];
	[sflag:s15] =	ssyncadd.s32 $0xFFFFF000  }
0x34: {  	[spmem:s31] =	stream.linear.scatter [tilespmem:s14], [sflag:$0x5], $0x1000, $0x38;
	[tilespmem:$0x1D200] =	vst v63  }
0x35: {  	_ =	swait.ge [sflag:s15], $0x1000  }
0x36: {  	[sflag:s15] =	ssyncset.done $0x0  }
0x37: {  	s3 =	rddreg [dreg:$0x7];
	[sflag:s15] =	ssyncadd.s32 $0xFFFFF000  }
0x38: {  	[spmem:s3] =	stream.linear.scatter [tilespmem:s14], [sflag:$0x5], $0x1000, $0x38;
	[tilespmem:$0x1D200] =	vst v63  }
0x39: {  	_ =	swait.ge [sflag:s15], $0x1000  }
0x3a: {  	[sflag:s15] =	ssyncset.done $0x0  }
0x3b: {  	s7 =	rddreg [dreg:$0x8];
	[sflag:s15] =	ssyncadd.s32 $0xFFFFF000  }
0x3c: {  	[spmem:s7] =	stream.linear.scatter [tilespmem:s14], [sflag:$0x5], $0x1000, $0x38;
	[tilespmem:$0x1D200] =	vst v63  }
0x3d: {  	_ =	swait.ge [sflag:s15], $0x1000  }
0x3e: {  	[sflag:s15] =	ssyncset.done $0x0  }
0x3f: {  	s31 =	rddreg [dreg:$0xe];
	[sflag:s15] =	ssyncadd.s32 $0xFFFFF000  }
0x40: {  	[spmem:s31] =	stream.linear.scatter [tilespmem:s14], [sflag:$0x5], $0x1000, $0x38;
	[tilespmem:$0x1D200] =	vst v63  }
0x41: {  	_ =	swait.ge [sflag:s15], $0x1000  }
0x42: {  	[sflag:s15] =	ssyncset.done $0x0  }
0x43: {  	s3 =	rddreg [dreg:$0xf];
	[sflag:s15] =	ssyncadd.s32 $0xFFFFF000  }
0x44: {  	[spmem:s3] =	stream.linear.scatter [tilespmem:s14], [sflag:$0x5], $0x1000, $0x38;
	[tilespmem:$0x1D200] =	vst v63  }
0x45: {  	_ =	swait.ge [sflag:s15], $0x1000  }
0x46: {  	[sflag:s15] =	ssyncset.done $0x0  }
0x47: {  	s7 =	rddreg [dreg:$0x14];
	[sflag:s15] =	ssyncadd.s32 $0xFFFFF000  }
0x48: {  	[spmem:s7] =	stream.linear.scatter [tilespmem:s14], [sflag:$0x5], $0x1000, $0x38;
	[tilespmem:$0x1D200] =	vst v63  }
0x49: {  	_ =	swait.ge [sflag:s15], $0x1000  }
0x4a: {  	[sflag:s15] =	ssyncset.done $0x0  }
0x4b: {  	s31 =	rddreg [dreg:$0x15];
	[sflag:s15] =	ssyncadd.s32 $0xFFFFF000  }
0x4c: {  	[spmem:s31] =	stream.linear.scatter [tilespmem:s14], [sflag:$0x5], $0x1000, $0x38;
	[tilespmem:$0x1D200] =	vst v63  }
0x4d: {  	_ =	swait.ge [sflag:s15], $0x1000  }
0x4e: {  	[sflag:s15] =	ssyncset.done $0x0  }
0x4f: {  	s3 =	rddreg [dreg:$0x16];
	[sflag:s15] =	ssyncadd.s32 $0xFFFFF000  }
0x50: {  	[spmem:s3] =	stream.linear.scatter [tilespmem:s14], [sflag:$0x5], $0x1000, $0x38;
	[tilespmem:$0x1D200] =	vst v63  }
0x51: {  	_ =	swait.ge [sflag:s15], $0x1000  }
0x52: {  	[sflag:s15] =	ssyncset.done $0x0  }
0x53: {  	s7 =	rddreg [dreg:$0x17];
	[sflag:s15] =	ssyncadd.s32 $0xFFFFF000  }
0x54: {  	[spmem:s7] =	stream.linear.scatter [tilespmem:s14], [sflag:$0x5], $0x1000, $0x38;
	[tilespmem:$0x1D200] =	vst v63  }
0x55: {  	_ =	swait.ge [sflag:s15], $0x1000  }
0x56: {  	[sflag:s15] =	ssyncset.done $0x0  }
0x57: {  	s31 =	rddreg [dreg:$0x18];
	[sflag:s15] =	ssyncadd.s32 $0xFFFFF000  }
0x58: {  	[spmem:s31] =	stream.linear.scatter [tilespmem:s14], [sflag:$0x5], $0x1000, $0x38;
	[tilespmem:$0x1D200] =	vst v63  }
0x59: {  	_ =	swait.ge [sflag:s15], $0x1000  }
0x5a: {  	[sflag:s15] =	ssyncset.done $0x0  }
0x5b: {  	s3 =	rddreg [dreg:$0x19];
	[sflag:s15] =	ssyncadd.s32 $0xFFFFF000  }
0x5c: {  	[spmem:s3] =	stream.linear.scatter [tilespmem:s14], [sflag:$0x5], $0x1000, $0x38;
	[tilespmem:$0x1D200] =	vst v63  }
0x5d: {  	_ =	swait.ge [sflag:s15], $0x1000  }
0x5e: {  	[sflag:s15] =	ssyncset.done $0x0  }
0x5f: {  	s7 =	rddreg [dreg:$0x1a];
	[sflag:s15] =	ssyncadd.s32 $0xFFFFF000  }
0x60: {  	[spmem:s7] =	stream.linear.scatter [tilespmem:s14], [sflag:$0x5], $0x1000, $0x38;
	[tilespmem:$0x1D200] =	vst v63  }
0x61: {  	_ =	swait.ge [sflag:s15], $0x1000  }
0x62: {  	[sflag:s15] =	ssyncset.done $0x0  }
0x63: {  	s31 =	rddreg [dreg:$0x1b];
	[sflag:s15] =	ssyncadd.s32 $0xFFFFF000  }
0x64: {  	[spmem:s31] =	stream.linear.scatter [tilespmem:s14], [sflag:$0x5], $0x1000, $0x38;
	[tilespmem:$0x1D200] =	vst v63  }
0x65: {  	_ =	swait.ge [sflag:s15], $0x1000  }
0x66: {  	[sflag:s15] =	ssyncset.done $0x0  }
0x67: {  	[sflag:s15] =	ssyncadd.s32 $0xFFFFF000  }
0x68: {  	[spmem:s9] =	stream.linear.scatter [tilespmem:s14], [sflag:$0x5], $0x1000, $0x38;
	[tilespmem:$0x1D200] =	vst v63  }
0x69: {  	_ =	swait.ge [sflag:s15], $0x1000  }
0x6a: {  	[sflag:s15] =	ssyncset.done $0x0  }
0x6b: {  	[sflag:s15] =	ssyncadd.s32 $0xFFFFF000  }
0x6c: {  	[spmem:s10] =	stream.linear.scatter [tilespmem:s14], [sflag:$0x5], $0x1000, $0x38;
	[tilespmem:$0x1D200] =	vst v63  }
0x6d: {  	_ =	swait.ge [sflag:s15], $0x1000  }
0x6e: {  	[sflag:s15] =	ssyncset.done $0x0  }
0x6f: {  	[sflag:s15] =	ssyncadd.s32 $0xFFFFF000  }
0x70: {  	[spmem:s11] =	stream.linear.scatter [tilespmem:s14], [sflag:$0x5], $0x1000, $0x38;
	[tilespmem:$0x1D200] =	vst v63  }
0x71: {  	_ =	swait.ge [sflag:s15], $0x1000  }
0x72: {  	[sflag:s15] =	ssyncset.done $0x0  }
0x73: {  	[sflag:s15] =	ssyncadd.s32 $0xFFFFF000  }
0x74: {  	[spmem:s12] =	stream.linear.scatter [tilespmem:s14], [sflag:$0x5], $0x1000, $0x38;
	[tilespmem:$0x1D200] =	vst v63  }
0x75: {  	_ =	swait.ge [sflag:s15], $0x1000  }
0x76: {  	[sflag:s15] =	ssyncset.done $0x0  }
0x77: {  	[sflag:s15] =	ssyncadd.s32 $0xFFFFF000  }
0x78: {  	[spmem:s13] =	stream.linear.scatter [tilespmem:s14], [sflag:$0x5], $0x1000, $0x38;
	[tilespmem:$0x1D200] =	vst v63  }
0x79: {  	s3 =	sadd.s32 $0x0, s20;
	_ =	swait.ge [sflag:s15], $0x1000  }
0x7a: {  	s0 =	sand.u32 $0x1FF80, s3;
	s3 =	sand.u32 $0x60, s2;
	[sflag:s15] =	ssyncset.done $0x0  }
0x7b: {  	s0 =	sor.u32 s3, s0;
	[sflag:s15] =	ssyncadd.s32 $0xFFFFF000  }
0x7c: {  	s3 =	sadd.s32 s5, s0;
	[bflag:$0x0] =	sbarrier.arrive $0xFFFF  }
0x7d: {  	[tilespmem:s16], [sflag:$0x1] =	stream.linear.gather [hbm4b:s3+s2], $0x80, $0x38;
	[tilespmem:$0x1D200] =	vst v63  }
0x7e: {  	s7 =	sadd.s32 s6, s0;
	s0 =	sor.u32 $0x10, s0  }
0x7f: {  	[tilespmem:s17], [sflag:$0x1] =	stream.linear.gather [hbm4b:s7+s2], $0x80, $0x38;
	[tilespmem:$0x1D200] =	vst v63  }
0x80: {  	s31 =	sadd.s32 s5, s0  }
0x81: {  	[tilespmem:s18], [sflag:$0x2] =	stream.linear.gather [hbm4b:s31+s2], $0x80, $0x38;
	[tilespmem:$0x1D200] =	vst v63  }
0x82: {  	s0 =	sadd.s32 s6, s0  }
0x83: {  	[tilespmem:s19], [sflag:$0x2] =	stream.linear.gather [hbm4b:s0+s2], $0x80, $0x38;
	[tilespmem:$0x1D200] =	vst v63  }
0x84: {  	_ =	swait.ge [sflag:s21], $0x80  }
0x85: {  	[sflag:s21] =	ssyncset.done $0x0  }
0x86: {  	[sflag:s21] =	ssyncadd.s32 $0xFFFFFF80  }
0x87: {  	_ =	swait.ge [sflag:s21], $0x80  }
0x88: {  	[sflag:s21] =	ssyncset.done $0x0  }
0x89: {  	[sflag:s21] =	ssyncadd.s32 $0xFFFFFF80  }
0x8a: {  	[tilespmem:s23], [sflag:$0x3] =	stream.indirect.gather [hbm4b:s4+s22], $0x80, s16, s22, $0xb8;
	[tilespmem:$0x1D200] =	vst v63  }
0x8b: {  	_ =	swait.ge [sflag:s24], $0x80  }
0x8c: {  	[sflag:s24] =	ssyncset.done $0x0  }
0x8d: {  	[sflag:s24] =	ssyncadd.s32 $0xFFFFFF80  }
0x8e: {  	_ =	swait.ge [sflag:s24], $0x80  }
0x8f: {  	[sflag:s24] =	ssyncset.done $0x0  }
0x90: {  	[sflag:s24] =	ssyncadd.s32 $0xFFFFFF80  }
0x91: {  	_ =	swait.ge [sflag:s25], $0x4000  }
0x92: {  	[sflag:s25] =	ssyncset.done $0x0  }
0x93: {  	[sflag:s25] =	ssyncadd.s32 $0xFFFFC000  }
0x94: {  	[tilespmem:s26], [sflag:$0x4] =	stream.indirect.gather [hbm4b:s4+s22], $0x80, s18, s22, $0xb8;
	[tilespmem:$0x1D200] =	vst v63  }
0x95: {  	_ = 	snop  }
0x96: {  	[spmem:s1] =	stream.indirect.scatter.add.f32 [tilespmem:s23], [sflag:$0x5], $0x80, s17, s22, $0xb8;
	[tilespmem:$0x1D200] =	vst v63  }
0x97: {  	_ =	swait.ge [sflag:s15], $0x4000  }
0x98: {  	[sflag:s15] =	ssyncset.done $0x0  }
0x99: {  	[sflag:s15] =	ssyncadd.s32 $0xFFFFC000  }
0x9a: {  	_ =	swait.ge [sflag:s28], $0x4000  }
0x9b: {  	[sflag:s28] =	ssyncset.done $0x0  }
0x9c: {  	s7 =	simm.s32 $0x20;
	s31 =	sadd.s32 $0x20, s20;
	[sflag:s28] =	ssyncadd.s32 $0xFFFFC000  }
0x9d: {  	[spmem:s1] =	stream.indirect.scatter.add.f32 [tilespmem:s26], [sflag:$0x5], $0x80, s19, s22, $0xb8;
	[tilespmem:$0x1D200] =	vst v63  }
0x9e: {  	s3 =	sand.u32 $0x1FF80, s31;
	s0 =	sand.u32 $0x60, s7;
	_ =	swait.ge [sflag:s15], $0x4000  }
0x9f: {  	s30 =	simm.s32 $0x40;
	s0 =	sor.u32 s0, s3;
	[sflag:s15] =	ssyncset.done $0x0  }
.LBB2_2:
0xa0: {  	s7 =	sadd.s32 s5, s0  }
0xa1: {  	[sflag:s15] =	ssyncadd.s32 $0xFFFFC000;
	s31 =	smov.u32 s30;
	s3 =	sadd.s32 $0x20, s30  }
0xa2: {  	[tilespmem:s16], [sflag:$0x1] =	stream.linear.gather [hbm4b:s7+s2], $0x80, $0x38;
	[tilespmem:$0x1D200] =	vst v63  }
0xa3: {  	p0 =	sne.s32 s30, $0x4E0;
	s7 =	sadd.s32 s6, s0;
	s0 =	sor.u32 $0x10, s0  }
0xa4: {  	[tilespmem:s17], [sflag:$0x1] =	stream.linear.gather [hbm4b:s7+s2], $0x80, $0x38;
	[tilespmem:$0x1D200] =	vst v63  }
0xa5: {  	s7 =	sadd.s32 s5, s0  }
0xa6: {  	[tilespmem:s18], [sflag:$0x2] =	stream.linear.gather [hbm4b:s7+s2], $0x80, $0x38;
	[tilespmem:$0x1D200] =	vst v63  }
0xa7: {  	s0 =	sadd.s32 s6, s0  }
0xa8: {  	[tilespmem:s19], [sflag:$0x2] =	stream.linear.gather [hbm4b:s0+s2], $0x80, $0x38;
	[tilespmem:$0x1D200] =	vst v63  }
0xa9: {  	_ =	swait.ge [sflag:s21], $0x80  }
0xaa: {  	[sflag:s21] =	ssyncset.done $0x0  }
0xab: {  	[sflag:s21] =	ssyncadd.s32 $0xFFFFFF80  }
0xac: {  	_ =	swait.ge [sflag:s21], $0x80  }
0xad: {  	[sflag:s21] =	ssyncset.done $0x0  }
0xae: {  	[sflag:s21] =	ssyncadd.s32 $0xFFFFFF80  }
0xaf: {  	[tilespmem:s23], [sflag:$0x3] =	stream.indirect.gather [hbm4b:s4+s22], $0x80, s16, s22, $0xb8;
	[tilespmem:$0x1D200] =	vst v63  }
0xb0: {  	_ =	swait.ge [sflag:s24], $0x80  }
0xb1: {  	[sflag:s24] =	ssyncset.done $0x0  }
0xb2: {  	[sflag:s24] =	ssyncadd.s32 $0xFFFFFF80  }
0xb3: {  	_ =	swait.ge [sflag:s24], $0x80  }
0xb4: {  	[sflag:s24] =	ssyncset.done $0x0  }
0xb5: {  	[sflag:s24] =	ssyncadd.s32 $0xFFFFFF80  }
0xb6: {  	_ =	swait.ge [sflag:s25], $0x4000  }
0xb7: {  	[sflag:s25] =	ssyncset.done $0x0  }
0xb8: {  	[sflag:s25] =	ssyncadd.s32 $0xFFFFC000  }
0xb9: {  	[tilespmem:s26], [sflag:$0x4] =	stream.indirect.gather [hbm4b:s4+s22], $0x80, s18, s22, $0xb8;
	[tilespmem:$0x1D200] =	vst v63  }
0xba: {  	_ = 	snop  }
0xbb: {  	[spmem:s1] =	stream.indirect.scatter.add.f32 [tilespmem:s23], [sflag:$0x5], $0x80, s17, s22, $0xb8;
	[tilespmem:$0x1D200] =	vst v63  }
0xbc: {  	_ =	swait.ge [sflag:s15], $0x4000  }
0xbd: {  	[sflag:s15] =	ssyncset.done $0x0  }
0xbe: {  	[sflag:s15] =	ssyncadd.s32 $0xFFFFC000  }
0xbf: {  	_ =	swait.ge [sflag:s28], $0x4000  }
.Ltmp0:
0xc0: {  	[sflag:s28] =	ssyncset.done $0x0;
	(pc) =	sbr.rel @p0 .LBB2_2-.Ltmp0, $4  }
0xc1: {  	s0 =	sadd.s32 s31, s20;
	[sflag:s28] =	ssyncadd.s32 $0xFFFFC000  }
0xc2: {  	[spmem:s1] =	stream.indirect.scatter.add.f32 [tilespmem:s26], [sflag:$0x5], $0x80, s19, s22, $0xb8;
	[tilespmem:$0x1D200] =	vst v63  }
0xc3: {  	s7 =	sand.u32 $0x60, s31;
	s0 =	sand.u32 $0x1FF80, s0;
	_ =	swait.ge [sflag:s15], $0x4000  }
0xc4: {  	s30 =	smov.u32 s3;
	s0 =	sor.u32 s7, s0;
	[sflag:s15] =	ssyncset.done $0x0  }
0xc5: {  	s3 =	sadd.s32 s5, s0;
	[sflag:s15] =	ssyncadd.s32 $0xFFFFC000  }
0xc6: {  	[tilespmem:s16], [sflag:$0x1] =	stream.linear.gather [hbm4b:s3+s2], $0x80, $0x38;
	[tilespmem:$0x1D200] =	vst v63  }
0xc7: {  	s30 =	sadd.s32 s6, s0;
	s31 =	sor.u32 $0x10, s0  }
0xc8: {  	[tilespmem:s17], [sflag:$0x1] =	stream.linear.gather [hbm4b:s30+s2], $0x80, $0x38;
	[tilespmem:$0x1D200] =	vst v63  }
0xc9: {  	s7 =	sadd.s32 s5, s31  }
0xca: {  	[tilespmem:s18], [sflag:$0x2] =	stream.linear.gather [hbm4b:s7+s2], $0x80, $0x38;
	[tilespmem:$0x1D200] =	vst v63  }
0xcb: {  	s0 =	sadd.s32 s6, s31  }
0xcc: {  	[tilespmem:s19], [sflag:$0x2] =	stream.linear.gather [hbm4b:s0+s2], $0x80, $0x38;
	[tilespmem:$0x1D200] =	vst v63  }
0xcd: {  	_ =	swait.ge [sflag:s21], $0x80  }
0xce: {  	[sflag:s21] =	ssyncset.done $0x0  }
0xcf: {  	[sflag:s21] =	ssyncadd.s32 $0xFFFFFF80  }
0xd0: {  	_ =	swait.ge [sflag:s21], $0x80  }
0xd1: {  	[sflag:s21] =	ssyncset.done $0x0  }
0xd2: {  	[sflag:s21] =	ssyncadd.s32 $0xFFFFFF80  }
0xd3: {  	[tilespmem:s23], [sflag:$0x3] =	stream.indirect.gather [hbm4b:s4+s22], $0x80, s16, s22, $0xb8;
	[tilespmem:$0x1D200] =	vst v63  }
0xd4: {  	_ =	swait.ge [sflag:s24], $0x80  }
0xd5: {  	[sflag:s24] =	ssyncset.done $0x0  }
0xd6: {  	[sflag:s24] =	ssyncadd.s32 $0xFFFFFF80  }
0xd7: {  	_ =	swait.ge [sflag:s24], $0x80  }
0xd8: {  	[sflag:s24] =	ssyncset.done $0x0  }
0xd9: {  	[sflag:s24] =	ssyncadd.s32 $0xFFFFFF80  }
0xda: {  	_ =	swait.ge [sflag:s25], $0x4000  }
0xdb: {  	[sflag:s25] =	ssyncset.done $0x0  }
0xdc: {  	[sflag:s25] =	ssyncadd.s32 $0xFFFFC000  }
0xdd: {  	[tilespmem:s26], [sflag:$0x4] =	stream.indirect.gather [hbm4b:s4+s22], $0x80, s18, s22, $0xb8;
	[tilespmem:$0x1D200] =	vst v63  }
0xde: {  	_ = 	snop  }
0xdf: {  	[spmem:s1] =	stream.indirect.scatter.add.f32 [tilespmem:s23], [sflag:$0x5], $0x80, s17, s22, $0xb8;
	[tilespmem:$0x1D200] =	vst v63  }
0xe0: {  	_ =	swait.ge [sflag:s15], $0x4000  }
0xe1: {  	[sflag:s15] =	ssyncset.done $0x0  }
0xe2: {  	[sflag:s15] =	ssyncadd.s32 $0xFFFFC000  }
0xe3: {  	_ =	swait.ge [sflag:s28], $0x4000  }
0xe4: {  	[sflag:s28] =	ssyncset.done $0x0  }
0xe5: {  	[sflag:s28] =	ssyncadd.s32 $0xFFFFC000  }
0xe6: {  	[spmem:s1] =	stream.indirect.scatter.add.f32 [tilespmem:s26], [sflag:$0x5], $0x80, s19, s22, $0xb8;
	[tilespmem:$0x1D200] =	vst v63  }
0xe7: {  	_ =	swait.ge [sflag:s15], $0x4000  }
0xe8: {  	[sflag:s15] =	ssyncset.done $0x0  }
0xe9: {  	[sflag:s15] =	ssyncadd.s32 $0xFFFFC000  }
0xea: {  	[bflag:$0x0] =	sbarrier.arrive $0xFFFF  }
0xeb: {  	[tilespmem:s23], [sflag:$0x5] =	stream.linear.gather [spmem:s8], $0x4000, $0x38;
	[tilespmem:$0x1D200] =	vst v63  }
0xec: {  	_ =	swait.ge [sflag:s15], $0x4000  }
0xed: {  	[sflag:s15] =	ssyncset.done $0x0  }
0xee: {  	s30 =	rddreg [dreg:$0x9];
	[sflag:s15] =	ssyncadd.s32 $0xFFFFC000  }
0xef: {  	[hbm4b:s30+s2] =	stream.linear.scatter [tilespmem:s23], [sflag:$0x5], $0x4000, $0x38;
	[tilespmem:$0x1D200] =	vst v63  }
0xf0: {  	_ =	swait.ge [sflag:s15], $0x4000  }
0xf1: {  	[sflag:s15] =	ssyncset.done $0x0  }
0xf2: {  	s31 =	rddreg [dreg:$0x10];
	[sflag:s15] =	ssyncadd.s32 $0xFFFFC000  }
0xf3: {  	[tilespmem:s23], [sflag:$0x5] =	stream.linear.gather [spmem:s31], $0x4000, $0x38;
	[tilespmem:$0x1D200] =	vst v63  }
0xf4: {  	_ =	swait.ge [sflag:s15], $0x4000  }
0xf5: {  	[sflag:s15] =	ssyncset.done $0x0  }
0xf6: {  	s3 =	rddreg [dreg:$0xa];
	[sflag:s15] =	ssyncadd.s32 $0xFFFFC000  }
0xf7: {  	[hbm4b:s3+s2] =	stream.linear.scatter [tilespmem:s23], [sflag:$0x5], $0x4000, $0x38;
	[tilespmem:$0x1D200] =	vst v63  }
0xf8: {  	_ =	swait.ge [sflag:s15], $0x4000  }
0xf9: {  	[sflag:s15] =	ssyncset.done $0x0  }
0xfa: {  	s7 =	rddreg [dreg:$0x11];
	[sflag:s15] =	ssyncadd.s32 $0xFFFFC000  }
0xfb: {  	[tilespmem:s23], [sflag:$0x5] =	stream.linear.gather [spmem:s7], $0x4000, $0x38;
	[tilespmem:$0x1D200] =	vst v63  }
0xfc: {  	_ =	swait.ge [sflag:s15], $0x4000  }
0xfd: {  	[sflag:s15] =	ssyncset.done $0x0  }
0xfe: {  	s30 =	rddreg [dreg:$0xb];
	[sflag:s15] =	ssyncadd.s32 $0xFFFFC000  }
0xff: {  	[hbm4b:s30+s2] =	stream.linear.scatter [tilespmem:s23], [sflag:$0x5], $0x4000, $0x38;
	[tilespmem:$0x1D200] =	vst v63  }
0x100: {  	_ =	swait.ge [sflag:s15], $0x4000  }
0x101: {  	[sflag:s15] =	ssyncset.done $0x0  }
0x102: {  	s31 =	rddreg [dreg:$0x12];
	[sflag:s15] =	ssyncadd.s32 $0xFFFFC000  }
0x103: {  	[tilespmem:s23], [sflag:$0x5] =	stream.linear.gather [spmem:s31], $0x4000, $0x38;
	[tilespmem:$0x1D200] =	vst v63  }
0x104: {  	_ =	swait.ge [sflag:s15], $0x4000  }
0x105: {  	[sflag:s15] =	ssyncset.done $0x0  }
0x106: {  	s3 =	rddreg [dreg:$0xc];
	[sflag:s15] =	ssyncadd.s32 $0xFFFFC000  }
0x107: {  	[hbm4b:s3+s2] =	stream.linear.scatter [tilespmem:s23], [sflag:$0x5], $0x4000, $0x38;
	[tilespmem:$0x1D200] =	vst v63  }
0x108: {  	_ =	swait.ge [sflag:s15], $0x4000  }
0x109: {  	[sflag:s15] =	ssyncset.done $0x0  }
0x10a: {  	s7 =	rddreg [dreg:$0x13];
	[sflag:s15] =	ssyncadd.s32 $0xFFFFC000  }
0x10b: {  	[tilespmem:s23], [sflag:$0x5] =	stream.linear.gather [spmem:s7], $0x4000, $0x38;
	[tilespmem:$0x1D200] =	vst v63  }
0x10c: {  	_ =	swait.ge [sflag:s15], $0x4000  }
0x10d: {  	[sflag:s15] =	ssyncset.done $0x0  }
0x10e: {  	s30 =	rddreg [dreg:$0xd];
	[sflag:s15] =	ssyncadd.s32 $0xFFFFC000  }
0x10f: {  	[hbm4b:s30+s2] =	stream.linear.scatter [tilespmem:s23], [sflag:$0x5], $0x4000, $0x38;
	[tilespmem:$0x1D200] =	vst v63  }
0x110: {  	_ =	swait.ge [sflag:s15], $0x4000  }
0x111: {  	s29 =	sadd.s32 $0x1, s29;
	s31 =	rddreg [dreg:$0x4]  }
0x112: {  	p0 =	sne.s32 s29, s31  }
.Ltmp1:
0x113: {  	_ = 	snop;
	(pc) =	sbr.rel @p0 .LBB2_1-.Ltmp1, $3  }
0x114: {  	_ =	sdelay $0x1  }
0x115: {  	[sflag:s15] =	ssyncset.done $0x0  }
0x116: {  	[sflag:s15] =	ssyncadd.s32 $0xFFFFC000  }
0x117: {  	_ =	sfence.sel $0x180000  }
0x118: {  	[bflag:$0x0] =	sbarrier.arrive $0xFFFF  }
0x119: {  	_ =	strace $0x90000050  }
0x11a: {  	s0 =	stileid.u32;
	[bflag:$0x2] =	sbarrier.arrive $0xFFFF  }
0x11b: {  	p0 =	sne.s32 s0, $0x0;
	s0 =	rddreg [dreg:$0x2]  }
0x11c: {  	s0 =	sadd.s32 @!p0 $0x100000, s0  }
0x11d: {  	[sflag:s0] =	ssyncadd.tile.s32 @!p0 $0x1;
	_ =	shalt  }
.Lfunc_end2:
_tile_overlayer_lowered:
.L_overlay_start_2:
0x11e: {  	(tag) =	ssettag $0x2  }
0x11f: {  	s0 =	rddreg [dreg:$0x0];
	s2 =	stileid.u32  }
0x120: {  	s1 =	rddreg [dreg:$0x1];
	p0 =	sne.s32 s2, $0x0  }
0x121: {  	s3 =	rddreg [dreg:$0x2];
	[bflag:$0x3] =	sbarrier.arrive $0xFFFF;
	s2 =	simm.s32 @!p0 $0x1C05  }
0x122: {  	[timem:s3], [sflag:s2] =	dma.local @!p0 [hbm:s0], s1  }
0x123: {  	s0 =	simm.s32 @!p0 $0x5  }
0x124: {  	_ =	swait.ge @!p0 [sflag:s0], s1  }
0x125: {  	s1 =	ssub.s32 @!p0 $0x0, s1;
	[sflag:s0] =	ssyncset.done @!p0 $0x0  }
0x126: {  	[sflag:s0] =	ssyncadd.s32 @!p0 s1  }
0x127: {  	[bflag:$0x3] =	sbarrier.arrive $0xFFFF  }
0x128: {  	_ =	shalt  }

</sc_bundles>
